<compile_context>
chip_gen: v7x
topology: tpu7x:2x2x1
jax: 0.10.2.dev20260603
libtpu: 0.0.44.dev20260713+nightly
codegen_flags: <defaults>
</compile_context>

<pallas_src>
import jax
import jax.numpy as jnp
from jax import lax
from jax.experimental import pallas as pl
from jax.experimental.pallas import tpu as pltpu
from jax.experimental.pallas import tpu_sc as plsc

N = 10000
D = 128
E = 320000

NC = 2
NS = 16
NW = NC * NS
EPT = E // NW
CHUNK = 100
CPT = 100
SEC = 25

N_SP = 10240
N_DEG = 10240


def _ln_body(x_ref, g_ref, b_ref, o_ref):
    x = x_ref[...]
    mu = jnp.mean(x, axis=1, keepdims=True)
    xc = x - mu
    var = jnp.mean(xc * xc, axis=1, keepdims=True)
    o_ref[...] = xc * lax.rsqrt(var + 1e-5) * g_ref[...] + b_ref[...]


def _layernorm_tc(x, g, b):
    blk = 1000
    return pl.pallas_call(
        _ln_body,
        grid=(N // blk,),
        in_specs=[
            pl.BlockSpec((blk, D), lambda i: (i, 0)),
            pl.BlockSpec((1, D), lambda i: (0, 0)),
            pl.BlockSpec((1, D), lambda i: (0, 0)),
        ],
        out_specs=pl.BlockSpec((blk, D), lambda i: (i, 0)),
        out_shape=jax.ShapeDtypeStruct((N, D), jnp.float32),
    )(x, g.reshape(1, D), b.reshape(1, D))


def _edge_kernel(hn, er, zeros2d, zeros1d,
                 agg_out, deg_out,
                 src_v, dst_v, rowbuf0, rowbuf1, rowbuf2, ones_v,
                 agg_sp, deg_sp, gsem0, gsem1, gsem2, dsem):
    cid = lax.axis_index("c")
    sid = lax.axis_index("s")
    wid = cid * NS + sid

    pltpu.sync_copy(zeros2d, rowbuf0)
    z80 = rowbuf0.at[pl.ds(0, 80)]
    for k in range(8):
        pltpu.sync_copy(z80, agg_sp.at[pl.ds(sid * 640 + k * 80, 80)])
    pltpu.sync_copy(zeros1d.at[pl.ds(sid * 640, 640)],
                    deg_sp.at[pl.ds(sid * 640, 640)])
    for i in range(8):
        ones_v[pl.ds(i * 16, 16)] = jnp.full((16,), 1.0, jnp.float32)
    plsc.subcore_barrier()

    ntrip = (SEC - 1) // 3
    ones_c = ones_v.at[pl.ds(0, CHUNK)]

    def enq(j, buf, sem):
        pltpu.async_copy(hn.at[src_v.at[j]], buf, sem)

    def process(j, buf, sem):
        pltpu.make_async_copy(hn.at[src_v.at[j]], buf, sem).wait()
        pltpu.async_copy(ones_c, deg_sp.at[dst_v.at[j]], dsem, add=True)
        pltpu.sync_copy(buf, agg_sp.at[dst_v.at[j]], add=True)
        pltpu.make_async_copy(ones_c, deg_sp.at[dst_v.at[j]], dsem).wait()

    def body(g, carry):
        a = 3 * g
        process(a, rowbuf0, gsem0)
        enq(a + 3, rowbuf0, gsem0)
        process(a + 1, rowbuf1, gsem1)

        @pl.when(g < ntrip - 1)
        def _():
            enq(a + 4, rowbuf1, gsem1)

        process(a + 2, rowbuf2, gsem2)

        @pl.when(g < ntrip - 1)
        def _():
            enq(a + 5, rowbuf2, gsem2)

        return carry

    for s in range(4):
        pltpu.sync_copy(er.at[wid * 4 + s], src_v)
        pltpu.sync_copy(er.at[NW * 4 + wid * 4 + s], dst_v)
        enq(0, rowbuf0, gsem0)
        enq(1, rowbuf1, gsem1)
        enq(2, rowbuf2, gsem2)
        lax.fori_loop(0, ntrip, body, 0)
        process(SEC - 1, rowbuf0, gsem0)
    plsc.subcore_barrier()

    pltpu.sync_copy(agg_sp.at[pl.ds(sid * 640, 640)],
                    agg_out.at[cid, pl.ds(sid * 640, 640)])
    pltpu.sync_copy(deg_sp.at[pl.ds(sid * 640, 640)],
                    deg_out.at[cid, pl.ds(sid * 640, 640)])


def _edge_aggregate_sc(hn, er, zeros2d, zeros1d):
    mesh = plsc.VectorSubcoreMesh(core_axis_name="c", subcore_axis_name="s")
    return pl.kernel(
        _edge_kernel,
        mesh=mesh,
        out_type=[
            jax.ShapeDtypeStruct((NC, N_SP, D), jnp.float32),
            jax.ShapeDtypeStruct((NC, N_DEG), jnp.float32),
        ],
        scratch_types=[
            pltpu.VMEM((SEC, CHUNK), jnp.int32),
            pltpu.VMEM((SEC, CHUNK), jnp.int32),
            pltpu.VMEM((CHUNK, D), jnp.float32),
            pltpu.VMEM((CHUNK, D), jnp.float32),
            pltpu.VMEM((CHUNK, D), jnp.float32),
            pltpu.VMEM((128,), jnp.float32),
            pltpu.VMEM_SHARED((N_SP, D), jnp.float32),
            pltpu.VMEM_SHARED((N_DEG,), jnp.float32),
            pltpu.SemaphoreType.DMA,
            pltpu.SemaphoreType.DMA,
            pltpu.SemaphoreType.DMA,
            pltpu.SemaphoreType.DMA,
        ],
    )(hn, er, zeros2d, zeros1d)


def _tail_body(hn_ref, a0_ref, a1_ref, d0_ref, d1_ref,
               ws_ref, wn_ref, wsi_ref, b_ref, ing_ref, inb_ref, bsi_ref,
               o_ref):
    hn = hn_ref[...]
    agg = a0_ref[0] + a1_ref[0]
    deg = jnp.maximum(d0_ref[0] + d1_ref[0], 1.0)
    h_neigh = agg / deg
    dn = (((1,), (1,)), ((), ()))
    h_conv = (lax.dot_general(hn, ws_ref[...], dn,
                              preferred_element_type=jnp.float32)
              + lax.dot_general(h_neigh, wn_ref[...], dn,
                                preferred_element_type=jnp.float32)
              + b_ref[...])
    h1 = h_conv + hn
    mu = jnp.mean(h1, axis=1, keepdims=True)
    xc = h1 - mu
    var = jnp.mean(xc * xc, axis=1, keepdims=True)
    h2 = xc * lax.rsqrt(var + 1e-5) * ing_ref[...] + inb_ref[...]
    z = lax.dot_general(h2, wsi_ref[...], dn,
                        preferred_element_type=jnp.float32) + bsi_ref[...]
    h3 = jnp.where(z > 0, z, jnp.exp(jnp.minimum(z, 0.0)) - 1.0)
    o_ref[...] = h3 + h2


def _dense_tail_tc(hn, agg, deg,
                   W_self, W_neigh, W_si, b, in_g, in_b, b_si):
    blk = 1000
    row = lambda i: (i, 0)
    full = lambda i: (0, 0)
    return pl.pallas_call(
        _tail_body,
        grid=(N // blk,),
        in_specs=[
            pl.BlockSpec((blk, D), row),
            pl.BlockSpec((1, blk, D), lambda i: (0, i, 0)),
            pl.BlockSpec((1, blk, D), lambda i: (1, i, 0)),
            pl.BlockSpec((1, blk, 1), lambda i: (0, i, 0)),
            pl.BlockSpec((1, blk, 1), lambda i: (1, i, 0)),
            pl.BlockSpec((D, D), full),
            pl.BlockSpec((D, D), full),
            pl.BlockSpec((D, D), full),
            pl.BlockSpec((1, D), full),
            pl.BlockSpec((1, D), full),
            pl.BlockSpec((1, D), full),
            pl.BlockSpec((1, D), full),
        ],
        out_specs=pl.BlockSpec((blk, D), row),
        out_shape=jax.ShapeDtypeStruct((N, D), jnp.float32),
    )(hn, agg, agg, deg, deg, W_self, W_neigh, W_si,
      b.reshape(1, D), in_g.reshape(1, D), in_b.reshape(1, D),
      b_si.reshape(1, D))


def kernel(h, edge_index, W_self, W_neigh, b, ln_g, ln_b, in_g, in_b,
           W_si, b_si):
    hn = _layernorm_tc(h, ln_g, ln_b)

    er = edge_index.reshape(2 * NW * 4, SEC, CHUNK)
    zeros2d = jnp.zeros((CHUNK, D), jnp.float32)
    zeros1d = jnp.zeros((N_DEG,), jnp.float32)

    agg, deg = _edge_aggregate_sc(hn, er, zeros2d, zeros1d)

    return _dense_tail_tc(hn, agg, deg.reshape(NC, N_DEG, 1),
                          W_self, W_neigh, W_si, b, in_g, in_b, b_si)

# --- scband reference (transcript-rebuilt; emitter-appended) ---
"""Pipeline reference for scband-residual-conv-block-84447646974225 (READ-ONLY COPY).

The authoritative reference and input builder live on the scoring server;
editing this copy changes nothing except your own understanding.
"""

import jax, jax.numpy as jnp
import numpy as np

N = 10000
E = 320000
D = 128


def _layer_norm(x, gamma, beta, eps=1e-5):
    mean = jnp.mean(x, axis=-1, keepdims=True)
    var = jnp.var(x, axis=-1, keepdims=True)
    return (x - mean) / jnp.sqrt(var + eps) * gamma + beta


def setup_inputs(seed: int = 0) -> dict:
    key = jax.random.key(seed)
    ks = jax.random.split(key, 8)
    h = jax.random.normal(ks[0], (N, D), dtype=jnp.float32)
    edge_index = jax.random.randint(ks[1], (2, E), 0, N, dtype=jnp.int32)
    s = 1.0 / np.sqrt(D)
    W_self = jax.random.uniform(ks[2], (D, D), minval=-s, maxval=s, dtype=jnp.float32)
    W_neigh = jax.random.uniform(ks[3], (D, D), minval=-s, maxval=s, dtype=jnp.float32)
    b = jax.random.uniform(ks[4], (D,), minval=-s, maxval=s, dtype=jnp.float32)
    ln_g = jnp.ones((D,), dtype=jnp.float32)
    ln_b = jnp.zeros((D,), dtype=jnp.float32)
    in_g = jnp.ones((D,), dtype=jnp.float32)
    in_b = jnp.zeros((D,), dtype=jnp.float32)
    W_si = jax.random.uniform(ks[5], (D, D), minval=-s, maxval=s, dtype=jnp.float32)
    b_si = jax.random.uniform(ks[6], (D,), minval=-s, maxval=s, dtype=jnp.float32)
    return {"h": h, "edge_index": edge_index, "W_self": W_self, "W_neigh": W_neigh,
            "b": b, "ln_g": ln_g, "ln_b": ln_b, "in_g": in_g, "in_b": in_b,
            "W_si": W_si, "b_si": b_si}


def reference(h, edge_index, W_self, W_neigh, b, ln_g, ln_b, in_g, in_b, W_si, b_si):
    src = edge_index[0]
    dst = edge_index[1]
    # LayerNorm before conv
    hn = _layer_norm(h, ln_g, ln_b)
    h_skip = hn
    # SAGEConv with mean aggregator (DGL semantics): mean over in-neighbors,
    # zero-in-degree nodes get zero neighbor feature
    msg = jnp.take(hn, src, axis=0)
    agg = jax.ops.segment_sum(msg, dst, num_segments=N)
    deg = jax.ops.segment_sum(jnp.ones((E,), dtype=hn.dtype), dst, num_segments=N)
    deg = jnp.clip(deg, 1.0, None)
    h_neigh = agg / deg[:, None]
    h_conv = hn @ W_self.T + h_neigh @ W_neigh.T + b
    # dropout p=0.0 -> identity; out_feat_factor=1 -> repeat_interleave is identity
    h1 = h_conv + h_skip
    # self interaction with layer norm and residual
    h2 = _layer_norm(h1, in_g, in_b)
    h3 = jax.nn.elu(h2 @ W_si.T + b_si)
    return h3 + h2

if __name__ == "__main__":
    import jax
    _d = setup_inputs()
    print(jax.jit(kernel)(*tuple(_d.values())))

</pallas_src>

<mosaic_0001>
#map = affine_map<(d0, d1) -> (0, 0)>
#map1 = affine_map<(d0, d1) -> (0, 0, 0)>
#map2 = affine_map<(d0, d1) -> (0)>
module attributes {stable_mosaic.version = 14 : i64} {
  func.func @_edge_kernel(%arg0: i32, %arg1: i32, %arg2: memref<10000x128xf32, #tpu.memory_space<hbm>>, %arg3: memref<256x25x100xi32, #tpu.memory_space<hbm>>, %arg4: memref<100x128xf32, #tpu.memory_space<hbm>>, %arg5: memref<10240xf32, #tpu.memory_space<hbm>>, %arg6: memref<2x10240x128xf32, #tpu.memory_space<hbm>>, %arg7: memref<2x10240xf32, #tpu.memory_space<hbm>>, %arg8: memref<25x100xi32, #tpu.memory_space<vmem>>, %arg9: memref<25x100xi32, #tpu.memory_space<vmem>>, %arg10: memref<100x128xf32, #tpu.memory_space<vmem>>, %arg11: memref<100x128xf32, #tpu.memory_space<vmem>>, %arg12: memref<100x128xf32, #tpu.memory_space<vmem>>, %arg13: memref<128xf32, #tpu.memory_space<vmem>>, %arg14: memref<10240x128xf32, #tpu.memory_space<vmem_shared>>, %arg15: memref<10240xf32, #tpu.memory_space<vmem_shared>>, %arg16: memref<!tpu.dma_semaphore, #tpu.memory_space<semaphore_mem>>, %arg17: memref<!tpu.dma_semaphore, #tpu.memory_space<semaphore_mem>>, %arg18: memref<!tpu.dma_semaphore, #tpu.memory_space<semaphore_mem>>, %arg19: memref<!tpu.dma_semaphore, #tpu.memory_space<semaphore_mem>>) attributes {dimension_semantics = [#tpu.dimension_semantics<core_parallel>, #tpu.dimension_semantics<subcore_parallel>], iteration_bounds = array<i64: 2, 16>, scalar_prefetch = 0 : i64, scratch_operands = 12 : i64, tpu.core_type = #tpu.core_type<sc_vector_subcore>, window_params = [{transform_indices = #map}, {transform_indices = #map1}, {transform_indices = #map}, {transform_indices = #map2}, {transform_indices = #map1}, {transform_indices = #map}]} {
    %mul3A = arith.constant 16 : i32
    %mul3A_0 = arith.muli %arg0, %mul3A : i32
    %add3A = arith.addi %mul3A_0, %arg1 : i32
    "tpu.region"() ({
      %run_scoped3A_332 = tpu.sem_alloc : memref<!tpu.dma_semaphore, #tpu.memory_space<semaphore_mem>>
      tpu.enqueue_dma source(%arg4 : memref<100x128xf32, #tpu.memory_space<hbm>>) target(%arg10 : memref<100x128xf32, #tpu.memory_space<vmem>>) target_semaphore(%run_scoped3A_332 : memref<!tpu.dma_semaphore, #tpu.memory_space<semaphore_mem>>)
      tpu.wait_dma2 semaphore(%run_scoped3A_332 : memref<!tpu.dma_semaphore, #tpu.memory_space<semaphore_mem>>) src(%arg4 : memref<100x128xf32, #tpu.memory_space<hbm>>) dst(%arg10 : memref<100x128xf32, #tpu.memory_space<vmem>>)
      tpu.yield
    }) : () -> ()
    %mul3A_1 = arith.constant 640 : i32
    %mul3A_2 = arith.muli %arg1, %mul3A_1 : i32
    %add3A_3 = arith.constant 0 : i32
    %add3A_4 = arith.addi %mul3A_2, %add3A_3 : i32
    "tpu.region"() ({
      %run_scoped3A_332 = tpu.sem_alloc : memref<!tpu.dma_semaphore, #tpu.memory_space<semaphore_mem>>
      %dma_start3A_333 = arith.constant 0 : i32
      %dma_start3A_334 = arith.constant 0 : i32
      %dma_start3A_335 = tpu.memref_slice %arg10[%dma_start3A_333, %dma_start3A_334] : memref<100x128xf32, #tpu.memory_space<vmem>> -> memref<80x128xf32, #tpu.memory_space<vmem>>
      %dma_start3A_336 = arith.constant 0 : i32
      %dma_start3A_337 = tpu.memref_slice %arg14[%add3A_4, %dma_start3A_336] : memref<10240x128xf32, #tpu.memory_space<vmem_shared>> -> memref<80x128xf32, #tpu.memory_space<vmem_shared>>
      %dma_start3A_338 = arith.constant 0 : i32
      %dma_start3A_339 = tpu.memref_slice %arg14[%add3A_4, %dma_start3A_338] : memref<10240x128xf32, #tpu.memory_space<vmem_shared>> -> memref<80x128xf32, #tpu.memory_space<vmem_shared>>
      %dma_start3A_340 = arith.constant 0 : i32
      %dma_start3A_341 = arith.constant 0 : i32
      %dma_start3A_342 = tpu.memref_slice %arg10[%dma_start3A_340, %dma_start3A_341] : memref<100x128xf32, #tpu.memory_space<vmem>> -> memref<80x128xf32, #tpu.memory_space<vmem>>
      tpu.enqueue_dma source(%dma_start3A_342 : memref<80x128xf32, #tpu.memory_space<vmem>>) target(%dma_start3A_339 : memref<80x128xf32, #tpu.memory_space<vmem_shared>>) target_semaphore(%run_scoped3A_332 : memref<!tpu.dma_semaphore, #tpu.memory_space<semaphore_mem>>)
      %dma_wait3A_343 = arith.constant 0 : i32
      %dma_wait3A_344 = arith.constant 0 : i32
      %dma_wait3A_345 = tpu.memref_slice %arg10[%dma_wait3A_343, %dma_wait3A_344] : memref<100x128xf32, #tpu.memory_space<vmem>> -> memref<80x128xf32, #tpu.memory_space<vmem>>
      %dma_wait3A_346 = arith.constant 0 : i32
      %dma_wait3A_347 = tpu.memref_slice %arg14[%add3A_4, %dma_wait3A_346] : memref<10240x128xf32, #tpu.memory_space<vmem_shared>> -> memref<80x128xf32, #tpu.memory_space<vmem_shared>>
      %dma_wait3A_348 = arith.constant 0 : i32
      %dma_wait3A_349 = tpu.memref_slice %arg14[%add3A_4, %dma_wait3A_348] : memref<10240x128xf32, #tpu.memory_space<vmem_shared>> -> memref<80x128xf32, #tpu.memory_space<vmem_shared>>
      %dma_wait3A_350 = arith.constant 0 : i32
      %dma_wait3A_351 = arith.constant 0 : i32
      %dma_wait3A_352 = tpu.memref_slice %arg10[%dma_wait3A_350, %dma_wait3A_351] : memref<100x128xf32, #tpu.memory_space<vmem>> -> memref<80x128xf32, #tpu.memory_space<vmem>>
      tpu.wait_dma2 semaphore(%run_scoped3A_332 : memref<!tpu.dma_semaphore, #tpu.memory_space<semaphore_mem>>) src(%dma_wait3A_352 : memref<80x128xf32, #tpu.memory_space<vmem>>) dst(%dma_wait3A_349 : memref<80x128xf32, #tpu.memory_space<vmem_shared>>)
      tpu.yield
    }) : () -> ()
    %mul3A_5 = arith.constant 640 : i32
    %mul3A_6 = arith.muli %arg1, %mul3A_5 : i32
    %add3A_7 = arith.constant 80 : i32
    %add3A_8 = arith.addi %mul3A_6, %add3A_7 : i32
    "tpu.region"() ({
      %run_scoped3A_332 = tpu.sem_alloc : memref<!tpu.dma_semaphore, #tpu.memory_space<semaphore_mem>>
      %dma_start3A_333 = arith.constant 0 : i32
      %dma_start3A_334 = arith.constant 0 : i32
      %dma_start3A_335 = tpu.memref_slice %arg10[%dma_start3A_333, %dma_start3A_334] : memref<100x128xf32, #tpu.memory_space<vmem>> -> memref<80x128xf32, #tpu.memory_space<vmem>>
      %dma_start3A_336 = arith.constant 0 : i32
      %dma_start3A_337 = tpu.memref_slice %arg14[%add3A_8, %dma_start3A_336] : memref<10240x128xf32, #tpu.memory_space<vmem_shared>> -> memref<80x128xf32, #tpu.memory_space<vmem_shared>>
      %dma_start3A_338 = arith.constant 0 : i32
      %dma_start3A_339 = tpu.memref_slice %arg14[%add3A_8, %dma_start3A_338] : memref<10240x128xf32, #tpu.memory_space<vmem_shared>> -> memref<80x128xf32, #tpu.memory_space<vmem_shared>>
      %dma_start3A_340 = arith.constant 0 : i32
      %dma_start3A_341 = arith.constant 0 : i32
      %dma_start3A_342 = tpu.memref_slice %arg10[%dma_start3A_340, %dma_start3A_341] : memref<100x128xf32, #tpu.memory_space<vmem>> -> memref<80x128xf32, #tpu.memory_space<vmem>>
      tpu.enqueue_dma source(%dma_start3A_342 : memref<80x128xf32, #tpu.memory_space<vmem>>) target(%dma_start3A_339 : memref<80x128xf32, #tpu.memory_space<vmem_shared>>) target_semaphore(%run_scoped3A_332 : memref<!tpu.dma_semaphore, #tpu.memory_space<semaphore_mem>>)
      %dma_wait3A_343 = arith.constant 0 : i32
      %dma_wait3A_344 = arith.constant 0 : i32
      %dma_wait3A_345 = tpu.memref_slice %arg10[%dma_wait3A_343, %dma_wait3A_344] : memref<100x128xf32, #tpu.memory_space<vmem>> -> memref<80x128xf32, #tpu.memory_space<vmem>>
      %dma_wait3A_346 = arith.constant 0 : i32
      %dma_wait3A_347 = tpu.memref_slice %arg14[%add3A_8, %dma_wait3A_346] : memref<10240x128xf32, #tpu.memory_space<vmem_shared>> -> memref<80x128xf32, #tpu.memory_space<vmem_shared>>
      %dma_wait3A_348 = arith.constant 0 : i32
      %dma_wait3A_349 = tpu.memref_slice %arg14[%add3A_8, %dma_wait3A_348] : memref<10240x128xf32, #tpu.memory_space<vmem_shared>> -> memref<80x128xf32, #tpu.memory_space<vmem_shared>>
      %dma_wait3A_350 = arith.constant 0 : i32
      %dma_wait3A_351 = arith.constant 0 : i32
      %dma_wait3A_352 = tpu.memref_slice %arg10[%dma_wait3A_350, %dma_wait3A_351] : memref<100x128xf32, #tpu.memory_space<vmem>> -> memref<80x128xf32, #tpu.memory_space<vmem>>
      tpu.wait_dma2 semaphore(%run_scoped3A_332 : memref<!tpu.dma_semaphore, #tpu.memory_space<semaphore_mem>>) src(%dma_wait3A_352 : memref<80x128xf32, #tpu.memory_space<vmem>>) dst(%dma_wait3A_349 : memref<80x128xf32, #tpu.memory_space<vmem_shared>>)
      tpu.yield
    }) : () -> ()
    %mul3A_9 = arith.constant 640 : i32
    %mul3A_10 = arith.muli %arg1, %mul3A_9 : i32
    %add3A_11 = arith.constant 160 : i32
    %add3A_12 = arith.addi %mul3A_10, %add3A_11 : i32
    "tpu.region"() ({
      %run_scoped3A_332 = tpu.sem_alloc : memref<!tpu.dma_semaphore, #tpu.memory_space<semaphore_mem>>
      %dma_start3A_333 = arith.constant 0 : i32
      %dma_start3A_334 = arith.constant 0 : i32
      %dma_start3A_335 = tpu.memref_slice %arg10[%dma_start3A_333, %dma_start3A_334] : memref<100x128xf32, #tpu.memory_space<vmem>> -> memref<80x128xf32, #tpu.memory_space<vmem>>
      %dma_start3A_336 = arith.constant 0 : i32
      %dma_start3A_337 = tpu.memref_slice %arg14[%add3A_12, %dma_start3A_336] : memref<10240x128xf32, #tpu.memory_space<vmem_shared>> -> memref<80x128xf32, #tpu.memory_space<vmem_shared>>
      %dma_start3A_338 = arith.constant 0 : i32
      %dma_start3A_339 = tpu.memref_slice %arg14[%add3A_12, %dma_start3A_338] : memref<10240x128xf32, #tpu.memory_space<vmem_shared>> -> memref<80x128xf32, #tpu.memory_space<vmem_shared>>
      %dma_start3A_340 = arith.constant 0 : i32
      %dma_start3A_341 = arith.constant 0 : i32
      %dma_start3A_342 = tpu.memref_slice %arg10[%dma_start3A_340, %dma_start3A_341] : memref<100x128xf32, #tpu.memory_space<vmem>> -> memref<80x128xf32, #tpu.memory_space<vmem>>
      tpu.enqueue_dma source(%dma_start3A_342 : memref<80x128xf32, #tpu.memory_space<vmem>>) target(%dma_start3A_339 : memref<80x128xf32, #tpu.memory_space<vmem_shared>>) target_semaphore(%run_scoped3A_332 : memref<!tpu.dma_semaphore, #tpu.memory_space<semaphore_mem>>)
      %dma_wait3A_343 = arith.constant 0 : i32
      %dma_wait3A_344 = arith.constant 0 : i32
      %dma_wait3A_345 = tpu.memref_slice %arg10[%dma_wait3A_343, %dma_wait3A_344] : memref<100x128xf32, #tpu.memory_space<vmem>> -> memref<80x128xf32, #tpu.memory_space<vmem>>
      %dma_wait3A_346 = arith.constant 0 : i32
      %dma_wait3A_347 = tpu.memref_slice %arg14[%add3A_12, %dma_wait3A_346] : memref<10240x128xf32, #tpu.memory_space<vmem_shared>> -> memref<80x128xf32, #tpu.memory_space<vmem_shared>>
      %dma_wait3A_348 = arith.constant 0 : i32
      %dma_wait3A_349 = tpu.memref_slice %arg14[%add3A_12, %dma_wait3A_348] : memref<10240x128xf32, #tpu.memory_space<vmem_shared>> -> memref<80x128xf32, #tpu.memory_space<vmem_shared>>
      %dma_wait3A_350 = arith.constant 0 : i32
      %dma_wait3A_351 = arith.constant 0 : i32
      %dma_wait3A_352 = tpu.memref_slice %arg10[%dma_wait3A_350, %dma_wait3A_351] : memref<100x128xf32, #tpu.memory_space<vmem>> -> memref<80x128xf32, #tpu.memory_space<vmem>>
      tpu.wait_dma2 semaphore(%run_scoped3A_332 : memref<!tpu.dma_semaphore, #tpu.memory_space<semaphore_mem>>) src(%dma_wait3A_352 : memref<80x128xf32, #tpu.memory_space<vmem>>) dst(%dma_wait3A_349 : memref<80x128xf32, #tpu.memory_space<vmem_shared>>)
      tpu.yield
    }) : () -> ()
    %mul3A_13 = arith.constant 640 : i32
    %mul3A_14 = arith.muli %arg1, %mul3A_13 : i32
    %add3A_15 = arith.constant 240 : i32
    %add3A_16 = arith.addi %mul3A_14, %add3A_15 : i32
    "tpu.region"() ({
      %run_scoped3A_332 = tpu.sem_alloc : memref<!tpu.dma_semaphore, #tpu.memory_space<semaphore_mem>>
      %dma_start3A_333 = arith.constant 0 : i32
      %dma_start3A_334 = arith.constant 0 : i32
      %dma_start3A_335 = tpu.memref_slice %arg10[%dma_start3A_333, %dma_start3A_334] : memref<100x128xf32, #tpu.memory_space<vmem>> -> memref<80x128xf32, #tpu.memory_space<vmem>>
      %dma_start3A_336 = arith.constant 0 : i32
      %dma_start3A_337 = tpu.memref_slice %arg14[%add3A_16, %dma_start3A_336] : memref<10240x128xf32, #tpu.memory_space<vmem_shared>> -> memref<80x128xf32, #tpu.memory_space<vmem_shared>>
      %dma_start3A_338 = arith.constant 0 : i32
      %dma_start3A_339 = tpu.memref_slice %arg14[%add3A_16, %dma_start3A_338] : memref<10240x128xf32, #tpu.memory_space<vmem_shared>> -> memref<80x128xf32, #tpu.memory_space<vmem_shared>>
      %dma_start3A_340 = arith.constant 0 : i32
      %dma_start3A_341 = arith.constant 0 : i32
      %dma_start3A_342 = tpu.memref_slice %arg10[%dma_start3A_340, %dma_start3A_341] : memref<100x128xf32, #tpu.memory_space<vmem>> -> memref<80x128xf32, #tpu.memory_space<vmem>>
      tpu.enqueue_dma source(%dma_start3A_342 : memref<80x128xf32, #tpu.memory_space<vmem>>) target(%dma_start3A_339 : memref<80x128xf32, #tpu.memory_space<vmem_shared>>) target_semaphore(%run_scoped3A_332 : memref<!tpu.dma_semaphore, #tpu.memory_space<semaphore_mem>>)
      %dma_wait3A_343 = arith.constant 0 : i32
      %dma_wait3A_344 = arith.constant 0 : i32
      %dma_wait3A_345 = tpu.memref_slice %arg10[%dma_wait3A_343, %dma_wait3A_344] : memref<100x128xf32, #tpu.memory_space<vmem>> -> memref<80x128xf32, #tpu.memory_space<vmem>>
      %dma_wait3A_346 = arith.constant 0 : i32
      %dma_wait3A_347 = tpu.memref_slice %arg14[%add3A_16, %dma_wait3A_346] : memref<10240x128xf32, #tpu.memory_space<vmem_shared>> -> memref<80x128xf32, #tpu.memory_space<vmem_shared>>
      %dma_wait3A_348 = arith.constant 0 : i32
      %dma_wait3A_349 = tpu.memref_slice %arg14[%add3A_16, %dma_wait3A_348] : memref<10240x128xf32, #tpu.memory_space<vmem_shared>> -> memref<80x128xf32, #tpu.memory_space<vmem_shared>>
      %dma_wait3A_350 = arith.constant 0 : i32
      %dma_wait3A_351 = arith.constant 0 : i32
      %dma_wait3A_352 = tpu.memref_slice %arg10[%dma_wait3A_350, %dma_wait3A_351] : memref<100x128xf32, #tpu.memory_space<vmem>> -> memref<80x128xf32, #tpu.memory_space<vmem>>
      tpu.wait_dma2 semaphore(%run_scoped3A_332 : memref<!tpu.dma_semaphore, #tpu.memory_space<semaphore_mem>>) src(%dma_wait3A_352 : memref<80x128xf32, #tpu.memory_space<vmem>>) dst(%dma_wait3A_349 : memref<80x128xf32, #tpu.memory_space<vmem_shared>>)
      tpu.yield
    }) : () -> ()
    %mul3A_17 = arith.constant 640 : i32
    %mul3A_18 = arith.muli %arg1, %mul3A_17 : i32
    %add3A_19 = arith.constant 320 : i32
    %add3A_20 = arith.addi %mul3A_18, %add3A_19 : i32
    "tpu.region"() ({
      %run_scoped3A_332 = tpu.sem_alloc : memref<!tpu.dma_semaphore, #tpu.memory_space<semaphore_mem>>
      %dma_start3A_333 = arith.constant 0 : i32
      %dma_start3A_334 = arith.constant 0 : i32
      %dma_start3A_335 = tpu.memref_slice %arg10[%dma_start3A_333, %dma_start3A_334] : memref<100x128xf32, #tpu.memory_space<vmem>> -> memref<80x128xf32, #tpu.memory_space<vmem>>
      %dma_start3A_336 = arith.constant 0 : i32
      %dma_start3A_337 = tpu.memref_slice %arg14[%add3A_20, %dma_start3A_336] : memref<10240x128xf32, #tpu.memory_space<vmem_shared>> -> memref<80x128xf32, #tpu.memory_space<vmem_shared>>
      %dma_start3A_338 = arith.constant 0 : i32
      %dma_start3A_339 = tpu.memref_slice %arg14[%add3A_20, %dma_start3A_338] : memref<10240x128xf32, #tpu.memory_space<vmem_shared>> -> memref<80x128xf32, #tpu.memory_space<vmem_shared>>
      %dma_start3A_340 = arith.constant 0 : i32
      %dma_start3A_341 = arith.constant 0 : i32
      %dma_start3A_342 = tpu.memref_slice %arg10[%dma_start3A_340, %dma_start3A_341] : memref<100x128xf32, #tpu.memory_space<vmem>> -> memref<80x128xf32, #tpu.memory_space<vmem>>
      tpu.enqueue_dma source(%dma_start3A_342 : memref<80x128xf32, #tpu.memory_space<vmem>>) target(%dma_start3A_339 : memref<80x128xf32, #tpu.memory_space<vmem_shared>>) target_semaphore(%run_scoped3A_332 : memref<!tpu.dma_semaphore, #tpu.memory_space<semaphore_mem>>)
      %dma_wait3A_343 = arith.constant 0 : i32
      %dma_wait3A_344 = arith.constant 0 : i32
      %dma_wait3A_345 = tpu.memref_slice %arg10[%dma_wait3A_343, %dma_wait3A_344] : memref<100x128xf32, #tpu.memory_space<vmem>> -> memref<80x128xf32, #tpu.memory_space<vmem>>
      %dma_wait3A_346 = arith.constant 0 : i32
      %dma_wait3A_347 = tpu.memref_slice %arg14[%add3A_20, %dma_wait3A_346] : memref<10240x128xf32, #tpu.memory_space<vmem_shared>> -> memref<80x128xf32, #tpu.memory_space<vmem_shared>>
      %dma_wait3A_348 = arith.constant 0 : i32
      %dma_wait3A_349 = tpu.memref_slice %arg14[%add3A_20, %dma_wait3A_348] : memref<10240x128xf32, #tpu.memory_space<vmem_shared>> -> memref<80x128xf32, #tpu.memory_space<vmem_shared>>
      %dma_wait3A_350 = arith.constant 0 : i32
      %dma_wait3A_351 = arith.constant 0 : i32
      %dma_wait3A_352 = tpu.memref_slice %arg10[%dma_wait3A_350, %dma_wait3A_351] : memref<100x128xf32, #tpu.memory_space<vmem>> -> memref<80x128xf32, #tpu.memory_space<vmem>>
      tpu.wait_dma2 semaphore(%run_scoped3A_332 : memref<!tpu.dma_semaphore, #tpu.memory_space<semaphore_mem>>) src(%dma_wait3A_352 : memref<80x128xf32, #tpu.memory_space<vmem>>) dst(%dma_wait3A_349 : memref<80x128xf32, #tpu.memory_space<vmem_shared>>)
      tpu.yield
    }) : () -> ()
    %mul3A_21 = arith.constant 640 : i32
    %mul3A_22 = arith.muli %arg1, %mul3A_21 : i32
    %add3A_23 = arith.constant 400 : i32
    %add3A_24 = arith.addi %mul3A_22, %add3A_23 : i32
    "tpu.region"() ({
      %run_scoped3A_332 = tpu.sem_alloc : memref<!tpu.dma_semaphore, #tpu.memory_space<semaphore_mem>>
      %dma_start3A_333 = arith.constant 0 : i32
      %dma_start3A_334 = arith.constant 0 : i32
      %dma_start3A_335 = tpu.memref_slice %arg10[%dma_start3A_333, %dma_start3A_334] : memref<100x128xf32, #tpu.memory_space<vmem>> -> memref<80x128xf32, #tpu.memory_space<vmem>>
      %dma_start3A_336 = arith.constant 0 : i32
      %dma_start3A_337 = tpu.memref_slice %arg14[%add3A_24, %dma_start3A_336] : memref<10240x128xf32, #tpu.memory_space<vmem_shared>> -> memref<80x128xf32, #tpu.memory_space<vmem_shared>>
      %dma_start3A_338 = arith.constant 0 : i32
      %dma_start3A_339 = tpu.memref_slice %arg14[%add3A_24, %dma_start3A_338] : memref<10240x128xf32, #tpu.memory_space<vmem_shared>> -> memref<80x128xf32, #tpu.memory_space<vmem_shared>>
      %dma_start3A_340 = arith.constant 0 : i32
      %dma_start3A_341 = arith.constant 0 : i32
      %dma_start3A_342 = tpu.memref_slice %arg10[%dma_start3A_340, %dma_start3A_341] : memref<100x128xf32, #tpu.memory_space<vmem>> -> memref<80x128xf32, #tpu.memory_space<vmem>>
      tpu.enqueue_dma source(%dma_start3A_342 : memref<80x128xf32, #tpu.memory_space<vmem>>) target(%dma_start3A_339 : memref<80x128xf32, #tpu.memory_space<vmem_shared>>) target_semaphore(%run_scoped3A_332 : memref<!tpu.dma_semaphore, #tpu.memory_space<semaphore_mem>>)
      %dma_wait3A_343 = arith.constant 0 : i32
      %dma_wait3A_344 = arith.constant 0 : i32
      %dma_wait3A_345 = tpu.memref_slice %arg10[%dma_wait3A_343, %dma_wait3A_344] : memref<100x128xf32, #tpu.memory_space<vmem>> -> memref<80x128xf32, #tpu.memory_space<vmem>>
      %dma_wait3A_346 = arith.constant 0 : i32
      %dma_wait3A_347 = tpu.memref_slice %arg14[%add3A_24, %dma_wait3A_346] : memref<10240x128xf32, #tpu.memory_space<vmem_shared>> -> memref<80x128xf32, #tpu.memory_space<vmem_shared>>
      %dma_wait3A_348 = arith.constant 0 : i32
      %dma_wait3A_349 = tpu.memref_slice %arg14[%add3A_24, %dma_wait3A_348] : memref<10240x128xf32, #tpu.memory_space<vmem_shared>> -> memref<80x128xf32, #tpu.memory_space<vmem_shared>>
      %dma_wait3A_350 = arith.constant 0 : i32
      %dma_wait3A_351 = arith.constant 0 : i32
      %dma_wait3A_352 = tpu.memref_slice %arg10[%dma_wait3A_350, %dma_wait3A_351] : memref<100x128xf32, #tpu.memory_space<vmem>> -> memref<80x128xf32, #tpu.memory_space<vmem>>
      tpu.wait_dma2 semaphore(%run_scoped3A_332 : memref<!tpu.dma_semaphore, #tpu.memory_space<semaphore_mem>>) src(%dma_wait3A_352 : memref<80x128xf32, #tpu.memory_space<vmem>>) dst(%dma_wait3A_349 : memref<80x128xf32, #tpu.memory_space<vmem_shared>>)
      tpu.yield
    }) : () -> ()
    %mul3A_25 = arith.constant 640 : i32
    %mul3A_26 = arith.muli %arg1, %mul3A_25 : i32
    %add3A_27 = arith.constant 480 : i32
    %add3A_28 = arith.addi %mul3A_26, %add3A_27 : i32
    "tpu.region"() ({
      %run_scoped3A_332 = tpu.sem_alloc : memref<!tpu.dma_semaphore, #tpu.memory_space<semaphore_mem>>
      %dma_start3A_333 = arith.constant 0 : i32
      %dma_start3A_334 = arith.constant 0 : i32
      %dma_start3A_335 = tpu.memref_slice %arg10[%dma_start3A_333, %dma_start3A_334] : memref<100x128xf32, #tpu.memory_space<vmem>> -> memref<80x128xf32, #tpu.memory_space<vmem>>
      %dma_start3A_336 = arith.constant 0 : i32
      %dma_start3A_337 = tpu.memref_slice %arg14[%add3A_28, %dma_start3A_336] : memref<10240x128xf32, #tpu.memory_space<vmem_shared>> -> memref<80x128xf32, #tpu.memory_space<vmem_shared>>
      %dma_start3A_338 = arith.constant 0 : i32
      %dma_start3A_339 = tpu.memref_slice %arg14[%add3A_28, %dma_start3A_338] : memref<10240x128xf32, #tpu.memory_space<vmem_shared>> -> memref<80x128xf32, #tpu.memory_space<vmem_shared>>
      %dma_start3A_340 = arith.constant 0 : i32
      %dma_start3A_341 = arith.constant 0 : i32
      %dma_start3A_342 = tpu.memref_slice %arg10[%dma_start3A_340, %dma_start3A_341] : memref<100x128xf32, #tpu.memory_space<vmem>> -> memref<80x128xf32, #tpu.memory_space<vmem>>
      tpu.enqueue_dma source(%dma_start3A_342 : memref<80x128xf32, #tpu.memory_space<vmem>>) target(%dma_start3A_339 : memref<80x128xf32, #tpu.memory_space<vmem_shared>>) target_semaphore(%run_scoped3A_332 : memref<!tpu.dma_semaphore, #tpu.memory_space<semaphore_mem>>)
      %dma_wait3A_343 = arith.constant 0 : i32
      %dma_wait3A_344 = arith.constant 0 : i32
      %dma_wait3A_345 = tpu.memref_slice %arg10[%dma_wait3A_343, %dma_wait3A_344] : memref<100x128xf32, #tpu.memory_space<vmem>> -> memref<80x128xf32, #tpu.memory_space<vmem>>
      %dma_wait3A_346 = arith.constant 0 : i32
      %dma_wait3A_347 = tpu.memref_slice %arg14[%add3A_28, %dma_wait3A_346] : memref<10240x128xf32, #tpu.memory_space<vmem_shared>> -> memref<80x128xf32, #tpu.memory_space<vmem_shared>>
      %dma_wait3A_348 = arith.constant 0 : i32
      %dma_wait3A_349 = tpu.memref_slice %arg14[%add3A_28, %dma_wait3A_348] : memref<10240x128xf32, #tpu.memory_space<vmem_shared>> -> memref<80x128xf32, #tpu.memory_space<vmem_shared>>
      %dma_wait3A_350 = arith.constant 0 : i32
      %dma_wait3A_351 = arith.constant 0 : i32
      %dma_wait3A_352 = tpu.memref_slice %arg10[%dma_wait3A_350, %dma_wait3A_351] : memref<100x128xf32, #tpu.memory_space<vmem>> -> memref<80x128xf32, #tpu.memory_space<vmem>>
      tpu.wait_dma2 semaphore(%run_scoped3A_332 : memref<!tpu.dma_semaphore, #tpu.memory_space<semaphore_mem>>) src(%dma_wait3A_352 : memref<80x128xf32, #tpu.memory_space<vmem>>) dst(%dma_wait3A_349 : memref<80x128xf32, #tpu.memory_space<vmem_shared>>)
      tpu.yield
    }) : () -> ()
    %mul3A_29 = arith.constant 640 : i32
    %mul3A_30 = arith.muli %arg1, %mul3A_29 : i32
    %add3A_31 = arith.constant 560 : i32
    %add3A_32 = arith.addi %mul3A_30, %add3A_31 : i32
    "tpu.region"() ({
      %run_scoped3A_332 = tpu.sem_alloc : memref<!tpu.dma_semaphore, #tpu.memory_space<semaphore_mem>>
      %dma_start3A_333 = arith.constant 0 : i32
      %dma_start3A_334 = arith.constant 0 : i32
      %dma_start3A_335 = tpu.memref_slice %arg10[%dma_start3A_333, %dma_start3A_334] : memref<100x128xf32, #tpu.memory_space<vmem>> -> memref<80x128xf32, #tpu.memory_space<vmem>>
      %dma_start3A_336 = arith.constant 0 : i32
      %dma_start3A_337 = tpu.memref_slice %arg14[%add3A_32, %dma_start3A_336] : memref<10240x128xf32, #tpu.memory_space<vmem_shared>> -> memref<80x128xf32, #tpu.memory_space<vmem_shared>>
      %dma_start3A_338 = arith.constant 0 : i32
      %dma_start3A_339 = tpu.memref_slice %arg14[%add3A_32, %dma_start3A_338] : memref<10240x128xf32, #tpu.memory_space<vmem_shared>> -> memref<80x128xf32, #tpu.memory_space<vmem_shared>>
      %dma_start3A_340 = arith.constant 0 : i32
      %dma_start3A_341 = arith.constant 0 : i32
      %dma_start3A_342 = tpu.memref_slice %arg10[%dma_start3A_340, %dma_start3A_341] : memref<100x128xf32, #tpu.memory_space<vmem>> -> memref<80x128xf32, #tpu.memory_space<vmem>>
      tpu.enqueue_dma source(%dma_start3A_342 : memref<80x128xf32, #tpu.memory_space<vmem>>) target(%dma_start3A_339 : memref<80x128xf32, #tpu.memory_space<vmem_shared>>) target_semaphore(%run_scoped3A_332 : memref<!tpu.dma_semaphore, #tpu.memory_space<semaphore_mem>>)
      %dma_wait3A_343 = arith.constant 0 : i32
      %dma_wait3A_344 = arith.constant 0 : i32
      %dma_wait3A_345 = tpu.memref_slice %arg10[%dma_wait3A_343, %dma_wait3A_344] : memref<100x128xf32, #tpu.memory_space<vmem>> -> memref<80x128xf32, #tpu.memory_space<vmem>>
      %dma_wait3A_346 = arith.constant 0 : i32
      %dma_wait3A_347 = tpu.memref_slice %arg14[%add3A_32, %dma_wait3A_346] : memref<10240x128xf32, #tpu.memory_space<vmem_shared>> -> memref<80x128xf32, #tpu.memory_space<vmem_shared>>
      %dma_wait3A_348 = arith.constant 0 : i32
      %dma_wait3A_349 = tpu.memref_slice %arg14[%add3A_32, %dma_wait3A_348] : memref<10240x128xf32, #tpu.memory_space<vmem_shared>> -> memref<80x128xf32, #tpu.memory_space<vmem_shared>>
      %dma_wait3A_350 = arith.constant 0 : i32
      %dma_wait3A_351 = arith.constant 0 : i32
      %dma_wait3A_352 = tpu.memref_slice %arg10[%dma_wait3A_350, %dma_wait3A_351] : memref<100x128xf32, #tpu.memory_space<vmem>> -> memref<80x128xf32, #tpu.memory_space<vmem>>
      tpu.wait_dma2 semaphore(%run_scoped3A_332 : memref<!tpu.dma_semaphore, #tpu.memory_space<semaphore_mem>>) src(%dma_wait3A_352 : memref<80x128xf32, #tpu.memory_space<vmem>>) dst(%dma_wait3A_349 : memref<80x128xf32, #tpu.memory_space<vmem_shared>>)
      tpu.yield
    }) : () -> ()
    %mul3A_33 = arith.constant 640 : i32
    %mul3A_34 = arith.muli %arg1, %mul3A_33 : i32
    %mul3A_35 = arith.constant 640 : i32
    %mul3A_36 = arith.muli %arg1, %mul3A_35 : i32
    "tpu.region"() ({
      %run_scoped3A_332 = tpu.sem_alloc : memref<!tpu.dma_semaphore, #tpu.memory_space<semaphore_mem>>
      %dma_start3A_333 = tpu.memref_slice %arg15[%mul3A_36] : memref<10240xf32, #tpu.memory_space<vmem_shared>> -> memref<640xf32, #tpu.memory_space<vmem_shared>>
      %dma_start3A_334 = tpu.memref_slice %arg5[%mul3A_34] : memref<10240xf32, #tpu.memory_space<hbm>> -> memref<640xf32, #tpu.memory_space<hbm>>
      tpu.enqueue_dma source(%dma_start3A_334 : memref<640xf32, #tpu.memory_space<hbm>>) target(%dma_start3A_333 : memref<640xf32, #tpu.memory_space<vmem_shared>>) target_semaphore(%run_scoped3A_332 : memref<!tpu.dma_semaphore, #tpu.memory_space<semaphore_mem>>)
      %dma_wait3A_335 = tpu.memref_slice %arg15[%mul3A_36] : memref<10240xf32, #tpu.memory_space<vmem_shared>> -> memref<640xf32, #tpu.memory_space<vmem_shared>>
      %dma_wait3A_336 = tpu.memref_slice %arg5[%mul3A_34] : memref<10240xf32, #tpu.memory_space<hbm>> -> memref<640xf32, #tpu.memory_space<hbm>>
      tpu.wait_dma2 semaphore(%run_scoped3A_332 : memref<!tpu.dma_semaphore, #tpu.memory_space<semaphore_mem>>) src(%dma_wait3A_336 : memref<640xf32, #tpu.memory_space<hbm>>) dst(%dma_wait3A_335 : memref<640xf32, #tpu.memory_space<vmem_shared>>)
      tpu.yield
    }) : () -> ()
    %broadcast_in_dim3A = arith.constant 1.000000e+00 : f32
    %broadcast_in_dim3A_37 = vector.broadcast %broadcast_in_dim3A : f32 to vector<16xf32>
    %swap3A = arith.constant 0 : index
    %swap3A_38 = tpu.vector_load %arg13[%swap3A] {strides = array<i32>} : memref<128xf32, #tpu.memory_space<vmem>>, vector<16xf32>,
    %swap3A_39 = vector.shape_cast %swap3A_38 : vector<16xf32> to vector<16xf32>
    %swap3A_40 = vector.shape_cast %broadcast_in_dim3A_37 : vector<16xf32> to vector<16xf32>
    tpu.vector_store %arg13[%swap3A], %swap3A_40 {strides = array<i32>} : memref<128xf32, #tpu.memory_space<vmem>>, vector<16xf32>,
    %broadcast_in_dim3A_41 = arith.constant 1.000000e+00 : f32
    %broadcast_in_dim3A_42 = vector.broadcast %broadcast_in_dim3A_41 : f32 to vector<16xf32>
    %swap3A_43 = arith.constant 16 : index
    %swap3A_44 = tpu.vector_load %arg13[%swap3A_43] {strides = array<i32>} : memref<128xf32, #tpu.memory_space<vmem>>, vector<16xf32>,
    %swap3A_45 = vector.shape_cast %swap3A_44 : vector<16xf32> to vector<16xf32>
    %swap3A_46 = vector.shape_cast %broadcast_in_dim3A_42 : vector<16xf32> to vector<16xf32>
    tpu.vector_store %arg13[%swap3A_43], %swap3A_46 {strides = array<i32>} : memref<128xf32, #tpu.memory_space<vmem>>, vector<16xf32>,
    %broadcast_in_dim3A_47 = arith.constant 1.000000e+00 : f32
    %broadcast_in_dim3A_48 = vector.broadcast %broadcast_in_dim3A_47 : f32 to vector<16xf32>
    %swap3A_49 = arith.constant 32 : index
    %swap3A_50 = tpu.vector_load %arg13[%swap3A_49] {strides = array<i32>} : memref<128xf32, #tpu.memory_space<vmem>>, vector<16xf32>,
    %swap3A_51 = vector.shape_cast %swap3A_50 : vector<16xf32> to vector<16xf32>
    %swap3A_52 = vector.shape_cast %broadcast_in_dim3A_48 : vector<16xf32> to vector<16xf32>
    tpu.vector_store %arg13[%swap3A_49], %swap3A_52 {strides = array<i32>} : memref<128xf32, #tpu.memory_space<vmem>>, vector<16xf32>,
    %broadcast_in_dim3A_53 = arith.constant 1.000000e+00 : f32
    %broadcast_in_dim3A_54 = vector.broadcast %broadcast_in_dim3A_53 : f32 to vector<16xf32>
    %swap3A_55 = arith.constant 48 : index
    %swap3A_56 = tpu.vector_load %arg13[%swap3A_55] {strides = array<i32>} : memref<128xf32, #tpu.memory_space<vmem>>, vector<16xf32>,
    %swap3A_57 = vector.shape_cast %swap3A_56 : vector<16xf32> to vector<16xf32>
    %swap3A_58 = vector.shape_cast %broadcast_in_dim3A_54 : vector<16xf32> to vector<16xf32>
    tpu.vector_store %arg13[%swap3A_55], %swap3A_58 {strides = array<i32>} : memref<128xf32, #tpu.memory_space<vmem>>, vector<16xf32>,
    %broadcast_in_dim3A_59 = arith.constant 1.000000e+00 : f32
    %broadcast_in_dim3A_60 = vector.broadcast %broadcast_in_dim3A_59 : f32 to vector<16xf32>
    %swap3A_61 = arith.constant 64 : index
    %swap3A_62 = tpu.vector_load %arg13[%swap3A_61] {strides = array<i32>} : memref<128xf32, #tpu.memory_space<vmem>>, vector<16xf32>,
    %swap3A_63 = vector.shape_cast %swap3A_62 : vector<16xf32> to vector<16xf32>
    %swap3A_64 = vector.shape_cast %broadcast_in_dim3A_60 : vector<16xf32> to vector<16xf32>
    tpu.vector_store %arg13[%swap3A_61], %swap3A_64 {strides = array<i32>} : memref<128xf32, #tpu.memory_space<vmem>>, vector<16xf32>,
    %broadcast_in_dim3A_65 = arith.constant 1.000000e+00 : f32
    %broadcast_in_dim3A_66 = vector.broadcast %broadcast_in_dim3A_65 : f32 to vector<16xf32>
    %swap3A_67 = arith.constant 80 : index
    %swap3A_68 = tpu.vector_load %arg13[%swap3A_67] {strides = array<i32>} : memref<128xf32, #tpu.memory_space<vmem>>, vector<16xf32>,
    %swap3A_69 = vector.shape_cast %swap3A_68 : vector<16xf32> to vector<16xf32>
    %swap3A_70 = vector.shape_cast %broadcast_in_dim3A_66 : vector<16xf32> to vector<16xf32>
    tpu.vector_store %arg13[%swap3A_67], %swap3A_70 {strides = array<i32>} : memref<128xf32, #tpu.memory_space<vmem>>, vector<16xf32>,
    %broadcast_in_dim3A_71 = arith.constant 1.000000e+00 : f32
    %broadcast_in_dim3A_72 = vector.broadcast %broadcast_in_dim3A_71 : f32 to vector<16xf32>
    %swap3A_73 = arith.constant 96 : index
    %swap3A_74 = tpu.vector_load %arg13[%swap3A_73] {strides = array<i32>} : memref<128xf32, #tpu.memory_space<vmem>>, vector<16xf32>,
    %swap3A_75 = vector.shape_cast %swap3A_74 : vector<16xf32> to vector<16xf32>
    %swap3A_76 = vector.shape_cast %broadcast_in_dim3A_72 : vector<16xf32> to vector<16xf32>
    tpu.vector_store %arg13[%swap3A_73], %swap3A_76 {strides = array<i32>} : memref<128xf32, #tpu.memory_space<vmem>>, vector<16xf32>,
    %broadcast_in_dim3A_77 = arith.constant 1.000000e+00 : f32
    %broadcast_in_dim3A_78 = vector.broadcast %broadcast_in_dim3A_77 : f32 to vector<16xf32>
    %swap3A_79 = arith.constant 112 : index
    %swap3A_80 = tpu.vector_load %arg13[%swap3A_79] {strides = array<i32>} : memref<128xf32, #tpu.memory_space<vmem>>, vector<16xf32>,
    %swap3A_81 = vector.shape_cast %swap3A_80 : vector<16xf32> to vector<16xf32>
    %swap3A_82 = vector.shape_cast %broadcast_in_dim3A_78 : vector<16xf32> to vector<16xf32>
    tpu.vector_store %arg13[%swap3A_79], %swap3A_82 {strides = array<i32>} : memref<128xf32, #tpu.memory_space<vmem>>, vector<16xf32>,
    %barrier3A = arith.constant 0 : index
    tpu.barrier barrier_id(%barrier3A)
    %mul3A_83 = arith.constant 4 : i32
    %mul3A_84 = arith.muli %add3A, %mul3A_83 : i32
    %add3A_85 = arith.constant 0 : i32
    %add3A_86 = arith.addi %mul3A_84, %add3A_85 : i32
    "tpu.region"() ({
      %run_scoped3A_332 = tpu.sem_alloc : memref<!tpu.dma_semaphore, #tpu.memory_space<semaphore_mem>>
      %dma_start3A_333 = arith.constant 0 : i32
      %dma_start3A_334 = arith.constant 0 : i32
      %dma_start3A_335 = tpu.memref_slice %arg3[%add3A_86, %dma_start3A_333, %dma_start3A_334] : memref<256x25x100xi32, #tpu.memory_space<hbm>> -> memref<1x25x100xi32, #tpu.memory_space<hbm>>
      %dma_start3A_336 = tpu.memref_squeeze %dma_start3A_335 : memref<1x25x100xi32, #tpu.memory_space<hbm>> -> memref<25x100xi32, #tpu.memory_space<hbm>>
      %dma_start3A_337 = arith.constant 0 : i32
      %dma_start3A_338 = arith.constant 0 : i32
      %dma_start3A_339 = tpu.memref_slice %arg3[%add3A_86, %dma_start3A_337, %dma_start3A_338] : memref<256x25x100xi32, #tpu.memory_space<hbm>> -> memref<1x25x100xi32, #tpu.memory_space<hbm>>
      %dma_start3A_340 = tpu.memref_squeeze %dma_start3A_339 : memref<1x25x100xi32, #tpu.memory_space<hbm>> -> memref<25x100xi32, #tpu.memory_space<hbm>>
      tpu.enqueue_dma source(%dma_start3A_340 : memref<25x100xi32, #tpu.memory_space<hbm>>) target(%arg8 : memref<25x100xi32, #tpu.memory_space<vmem>>) target_semaphore(%run_scoped3A_332 : memref<!tpu.dma_semaphore, #tpu.memory_space<semaphore_mem>>)
      %dma_wait3A_341 = arith.constant 0 : i32
      %dma_wait3A_342 = arith.constant 0 : i32
      %dma_wait3A_343 = tpu.memref_slice %arg3[%add3A_86, %dma_wait3A_341, %dma_wait3A_342] : memref<256x25x100xi32, #tpu.memory_space<hbm>> -> memref<1x25x100xi32, #tpu.memory_space<hbm>>
      %dma_wait3A_344 = tpu.memref_squeeze %dma_wait3A_343 : memref<1x25x100xi32, #tpu.memory_space<hbm>> -> memref<25x100xi32, #tpu.memory_space<hbm>>
      %dma_wait3A_345 = arith.constant 0 : i32
      %dma_wait3A_346 = arith.constant 0 : i32
      %dma_wait3A_347 = tpu.memref_slice %arg3[%add3A_86, %dma_wait3A_345, %dma_wait3A_346] : memref<256x25x100xi32, #tpu.memory_space<hbm>> -> memref<1x25x100xi32, #tpu.memory_space<hbm>>
      %dma_wait3A_348 = tpu.memref_squeeze %dma_wait3A_347 : memref<1x25x100xi32, #tpu.memory_space<hbm>> -> memref<25x100xi32, #tpu.memory_space<hbm>>
      tpu.wait_dma2 semaphore(%run_scoped3A_332 : memref<!tpu.dma_semaphore, #tpu.memory_space<semaphore_mem>>) src(%dma_wait3A_348 : memref<25x100xi32, #tpu.memory_space<hbm>>) dst(%arg8 : memref<25x100xi32, #tpu.memory_space<vmem>>)
      tpu.yield
    }) : () -> ()
    %mul3A_87 = arith.constant 4 : i32
    %mul3A_88 = arith.muli %add3A, %mul3A_87 : i32
    %add3A_89 = arith.constant 128 : i32
    %add3A_90 = arith.addi %add3A_89, %mul3A_88 : i32
    %add3A_91 = arith.constant 0 : i32
    %add3A_92 = arith.addi %add3A_90, %add3A_91 : i32
    "tpu.region"() ({
      %run_scoped3A_332 = tpu.sem_alloc : memref<!tpu.dma_semaphore, #tpu.memory_space<semaphore_mem>>
      %dma_start3A_333 = arith.constant 0 : i32
      %dma_start3A_334 = arith.constant 0 : i32
      %dma_start3A_335 = tpu.memref_slice %arg3[%add3A_92, %dma_start3A_333, %dma_start3A_334] : memref<256x25x100xi32, #tpu.memory_space<hbm>> -> memref<1x25x100xi32, #tpu.memory_space<hbm>>
      %dma_start3A_336 = tpu.memref_squeeze %dma_start3A_335 : memref<1x25x100xi32, #tpu.memory_space<hbm>> -> memref<25x100xi32, #tpu.memory_space<hbm>>
      %dma_start3A_337 = arith.constant 0 : i32
      %dma_start3A_338 = arith.constant 0 : i32
      %dma_start3A_339 = tpu.memref_slice %arg3[%add3A_92, %dma_start3A_337, %dma_start3A_338] : memref<256x25x100xi32, #tpu.memory_space<hbm>> -> memref<1x25x100xi32, #tpu.memory_space<hbm>>
      %dma_start3A_340 = tpu.memref_squeeze %dma_start3A_339 : memref<1x25x100xi32, #tpu.memory_space<hbm>> -> memref<25x100xi32, #tpu.memory_space<hbm>>
      tpu.enqueue_dma source(%dma_start3A_340 : memref<25x100xi32, #tpu.memory_space<hbm>>) target(%arg9 : memref<25x100xi32, #tpu.memory_space<vmem>>) target_semaphore(%run_scoped3A_332 : memref<!tpu.dma_semaphore, #tpu.memory_space<semaphore_mem>>)
      %dma_wait3A_341 = arith.constant 0 : i32
      %dma_wait3A_342 = arith.constant 0 : i32
      %dma_wait3A_343 = tpu.memref_slice %arg3[%add3A_92, %dma_wait3A_341, %dma_wait3A_342] : memref<256x25x100xi32, #tpu.memory_space<hbm>> -> memref<1x25x100xi32, #tpu.memory_space<hbm>>
      %dma_wait3A_344 = tpu.memref_squeeze %dma_wait3A_343 : memref<1x25x100xi32, #tpu.memory_space<hbm>> -> memref<25x100xi32, #tpu.memory_space<hbm>>
      %dma_wait3A_345 = arith.constant 0 : i32
      %dma_wait3A_346 = arith.constant 0 : i32
      %dma_wait3A_347 = tpu.memref_slice %arg3[%add3A_92, %dma_wait3A_345, %dma_wait3A_346] : memref<256x25x100xi32, #tpu.memory_space<hbm>> -> memref<1x25x100xi32, #tpu.memory_space<hbm>>
      %dma_wait3A_348 = tpu.memref_squeeze %dma_wait3A_347 : memref<1x25x100xi32, #tpu.memory_space<hbm>> -> memref<25x100xi32, #tpu.memory_space<hbm>>
      tpu.wait_dma2 semaphore(%run_scoped3A_332 : memref<!tpu.dma_semaphore, #tpu.memory_space<semaphore_mem>>) src(%dma_wait3A_348 : memref<25x100xi32, #tpu.memory_space<hbm>>) dst(%arg9 : memref<25x100xi32, #tpu.memory_space<vmem>>)
      tpu.yield
    }) : () -> ()
    %dma_start3A = arith.constant 0 : i32
    %dma_start3A_93 = arith.constant 0 : i32
    %dma_start3A_94 = tpu.memref_slice %arg8[%dma_start3A, %dma_start3A_93] : memref<25x100xi32, #tpu.memory_space<vmem>> -> memref<1x100xi32, #tpu.memory_space<vmem>>
    %dma_start3A_95 = tpu.memref_squeeze %dma_start3A_94 : memref<1x100xi32, #tpu.memory_space<vmem>> -> memref<100xi32, #tpu.memory_space<vmem>>
    %dma_start3A_96 = arith.constant 0 : i32
    %dma_start3A_97 = arith.constant 0 : i32
    %dma_start3A_98 = tpu.memref_slice %arg2[%dma_start3A_96, %dma_start3A_97] : memref<10000x128xf32, #tpu.memory_space<hbm>> -> memref<10000x128xf32, #tpu.memory_space<hbm>>
    tpu.enqueue_indirect_dma source(%dma_start3A_98 : memref<10000x128xf32, #tpu.memory_space<hbm>>) target(%arg10 : memref<100x128xf32, #tpu.memory_space<vmem>>) offsets(%dma_start3A_95 : memref<100xi32, #tpu.memory_space<vmem>>) semaphore(%arg16 : memref<!tpu.dma_semaphore, #tpu.memory_space<semaphore_mem>>)
    %dma_start3A_99 = arith.constant 1 : i32
    %dma_start3A_100 = arith.constant 0 : i32
    %dma_start3A_101 = tpu.memref_slice %arg8[%dma_start3A_99, %dma_start3A_100] : memref<25x100xi32, #tpu.memory_space<vmem>> -> memref<1x100xi32, #tpu.memory_space<vmem>>
    %dma_start3A_102 = tpu.memref_squeeze %dma_start3A_101 : memref<1x100xi32, #tpu.memory_space<vmem>> -> memref<100xi32, #tpu.memory_space<vmem>>
    %dma_start3A_103 = arith.constant 0 : i32
    %dma_start3A_104 = arith.constant 0 : i32
    %dma_start3A_105 = tpu.memref_slice %arg2[%dma_start3A_103, %dma_start3A_104] : memref<10000x128xf32, #tpu.memory_space<hbm>> -> memref<10000x128xf32, #tpu.memory_space<hbm>>
    tpu.enqueue_indirect_dma source(%dma_start3A_105 : memref<10000x128xf32, #tpu.memory_space<hbm>>) target(%arg11 : memref<100x128xf32, #tpu.memory_space<vmem>>) offsets(%dma_start3A_102 : memref<100xi32, #tpu.memory_space<vmem>>) semaphore(%arg17 : memref<!tpu.dma_semaphore, #tpu.memory_space<semaphore_mem>>)
    %dma_start3A_106 = arith.constant 2 : i32
    %dma_start3A_107 = arith.constant 0 : i32
    %dma_start3A_108 = tpu.memref_slice %arg8[%dma_start3A_106, %dma_start3A_107] : memref<25x100xi32, #tpu.memory_space<vmem>> -> memref<1x100xi32, #tpu.memory_space<vmem>>
    %dma_start3A_109 = tpu.memref_squeeze %dma_start3A_108 : memref<1x100xi32, #tpu.memory_space<vmem>> -> memref<100xi32, #tpu.memory_space<vmem>>
    %dma_start3A_110 = arith.constant 0 : i32
    %dma_start3A_111 = arith.constant 0 : i32
    %dma_start3A_112 = tpu.memref_slice %arg2[%dma_start3A_110, %dma_start3A_111] : memref<10000x128xf32, #tpu.memory_space<hbm>> -> memref<10000x128xf32, #tpu.memory_space<hbm>>
    tpu.enqueue_indirect_dma source(%dma_start3A_112 : memref<10000x128xf32, #tpu.memory_space<hbm>>) target(%arg12 : memref<100x128xf32, #tpu.memory_space<vmem>>) offsets(%dma_start3A_109 : memref<100xi32, #tpu.memory_space<vmem>>) semaphore(%arg18 : memref<!tpu.dma_semaphore, #tpu.memory_space<semaphore_mem>>)
    %scan3A = arith.constant 0 : i32
    %scan3A_113 = arith.constant 0 : i32
    %scan3A_114 = arith.constant 8 : i32
    %scan3A_115 = arith.addi %scan3A_113, %scan3A_114 : i32
    %scan3A_116 = arith.constant 1 : i32
    scf.for %scan3A_332 = %scan3A_113 to %scan3A_115 step %scan3A_116  : i32 {
      %mul3A_333 = arith.constant 3 : i32
      %mul3A_334 = arith.muli %mul3A_333, %scan3A_332 : i32
      %dma_wait3A_335 = arith.constant 0 : i32
      %dma_wait3A_336 = tpu.memref_slice %arg8[%mul3A_334, %dma_wait3A_335] : memref<25x100xi32, #tpu.memory_space<vmem>> -> memref<1x100xi32, #tpu.memory_space<vmem>>
      %dma_wait3A_337 = tpu.memref_squeeze %dma_wait3A_336 : memref<1x100xi32, #tpu.memory_space<vmem>> -> memref<100xi32, #tpu.memory_space<vmem>>
      %dma_wait3A_338 = arith.constant 0 : i32
      %dma_wait3A_339 = arith.constant 0 : i32
      %dma_wait3A_340 = tpu.memref_slice %arg2[%dma_wait3A_338, %dma_wait3A_339] : memref<10000x128xf32, #tpu.memory_space<hbm>> -> memref<10000x128xf32, #tpu.memory_space<hbm>>
      tpu.wait_indirect_dma semaphore(%arg16 : memref<!tpu.dma_semaphore, #tpu.memory_space<semaphore_mem>>) src(%dma_wait3A_340 : memref<10000x128xf32, #tpu.memory_space<hbm>>) dst(%arg10 : memref<100x128xf32, #tpu.memory_space<vmem>>)
      %dma_start3A_341 = arith.constant 0 : i32
      %dma_start3A_342 = tpu.memref_slice %arg13[%dma_start3A_341] : memref<128xf32, #tpu.memory_space<vmem>> -> memref<100xf32, #tpu.memory_space<vmem>>
      %dma_start3A_343 = arith.constant 0 : i32
      %dma_start3A_344 = tpu.memref_slice %arg9[%mul3A_334, %dma_start3A_343] : memref<25x100xi32, #tpu.memory_space<vmem>> -> memref<1x100xi32, #tpu.memory_space<vmem>>
      %dma_start3A_345 = tpu.memref_squeeze %dma_start3A_344 : memref<1x100xi32, #tpu.memory_space<vmem>> -> memref<100xi32, #tpu.memory_space<vmem>>
      %dma_start3A_346 = arith.constant 0 : i32
      %dma_start3A_347 = tpu.memref_slice %arg15[%dma_start3A_346] : memref<10240xf32, #tpu.memory_space<vmem_shared>> -> memref<10240xf32, #tpu.memory_space<vmem_shared>>
      tpu.enqueue_indirect_dma source(%dma_start3A_342 : memref<100xf32, #tpu.memory_space<vmem>>) target(%dma_start3A_347 : memref<10240xf32, #tpu.memory_space<vmem_shared>>) offsets(%dma_start3A_345 : memref<100xi32, #tpu.memory_space<vmem>>) semaphore(%arg19 : memref<!tpu.dma_semaphore, #tpu.memory_space<semaphore_mem>>) {add = true}
      "tpu.region"() ({
        %run_scoped3A_414 = tpu.sem_alloc : memref<!tpu.dma_semaphore, #tpu.memory_space<semaphore_mem>>
        %dma_start3A_415 = arith.constant 0 : i32
        %dma_start3A_416 = tpu.memref_slice %arg9[%mul3A_334, %dma_start3A_415] : memref<25x100xi32, #tpu.memory_space<vmem>> -> memref<1x100xi32, #tpu.memory_space<vmem>>
        %dma_start3A_417 = tpu.memref_squeeze %dma_start3A_416 : memref<1x100xi32, #tpu.memory_space<vmem>> -> memref<100xi32, #tpu.memory_space<vmem>>
        %dma_start3A_418 = arith.constant 0 : i32
        %dma_start3A_419 = arith.constant 0 : i32
        %dma_start3A_420 = tpu.memref_slice %arg14[%dma_start3A_418, %dma_start3A_419] : memref<10240x128xf32, #tpu.memory_space<vmem_shared>> -> memref<10240x128xf32, #tpu.memory_space<vmem_shared>>
        tpu.enqueue_indirect_dma source(%arg10 : memref<100x128xf32, #tpu.memory_space<vmem>>) target(%dma_start3A_420 : memref<10240x128xf32, #tpu.memory_space<vmem_shared>>) offsets(%dma_start3A_417 : memref<100xi32, #tpu.memory_space<vmem>>) semaphore(%run_scoped3A_414 : memref<!tpu.dma_semaphore, #tpu.memory_space<semaphore_mem>>) {add = true}
        %dma_wait3A_421 = arith.constant 0 : i32
        %dma_wait3A_422 = tpu.memref_slice %arg9[%mul3A_334, %dma_wait3A_421] : memref<25x100xi32, #tpu.memory_space<vmem>> -> memref<1x100xi32, #tpu.memory_space<vmem>>
        %dma_wait3A_423 = tpu.memref_squeeze %dma_wait3A_422 : memref<1x100xi32, #tpu.memory_space<vmem>> -> memref<100xi32, #tpu.memory_space<vmem>>
        %dma_wait3A_424 = arith.constant 0 : i32
        %dma_wait3A_425 = arith.constant 0 : i32
        %dma_wait3A_426 = tpu.memref_slice %arg14[%dma_wait3A_424, %dma_wait3A_425] : memref<10240x128xf32, #tpu.memory_space<vmem_shared>> -> memref<10240x128xf32, #tpu.memory_space<vmem_shared>>
        tpu.wait_indirect_dma semaphore(%run_scoped3A_414 : memref<!tpu.dma_semaphore, #tpu.memory_space<semaphore_mem>>) src(%arg10 : memref<100x128xf32, #tpu.memory_space<vmem>>) dst(%dma_wait3A_426 : memref<10240x128xf32, #tpu.memory_space<vmem_shared>>)
        tpu.yield
      }) : () -> ()
      %dma_wait3A_348 = arith.constant 0 : i32
      %dma_wait3A_349 = tpu.memref_slice %arg13[%dma_wait3A_348] : memref<128xf32, #tpu.memory_space<vmem>> -> memref<100xf32, #tpu.memory_space<vmem>>
      %dma_wait3A_350 = arith.constant 0 : i32
      %dma_wait3A_351 = tpu.memref_slice %arg9[%mul3A_334, %dma_wait3A_350] : memref<25x100xi32, #tpu.memory_space<vmem>> -> memref<1x100xi32, #tpu.memory_space<vmem>>
      %dma_wait3A_352 = tpu.memref_squeeze %dma_wait3A_351 : memref<1x100xi32, #tpu.memory_space<vmem>> -> memref<100xi32, #tpu.memory_space<vmem>>
      %dma_wait3A_353 = arith.constant 0 : i32
      %dma_wait3A_354 = tpu.memref_slice %arg15[%dma_wait3A_353] : memref<10240xf32, #tpu.memory_space<vmem_shared>> -> memref<10240xf32, #tpu.memory_space<vmem_shared>>
      tpu.wait_indirect_dma semaphore(%arg19 : memref<!tpu.dma_semaphore, #tpu.memory_space<semaphore_mem>>) src(%dma_wait3A_349 : memref<100xf32, #tpu.memory_space<vmem>>) dst(%dma_wait3A_354 : memref<10240xf32, #tpu.memory_space<vmem_shared>>)
      %add3A_355 = arith.constant 3 : i32
      %add3A_356 = arith.addi %mul3A_334, %add3A_355 : i32
      %dma_start3A_357 = arith.constant 0 : i32
      %dma_start3A_358 = tpu.memref_slice %arg8[%add3A_356, %dma_start3A_357] : memref<25x100xi32, #tpu.memory_space<vmem>> -> memref<1x100xi32, #tpu.memory_space<vmem>>
      %dma_start3A_359 = tpu.memref_squeeze %dma_start3A_358 : memref<1x100xi32, #tpu.memory_space<vmem>> -> memref<100xi32, #tpu.memory_space<vmem>>
      %dma_start3A_360 = arith.constant 0 : i32
      %dma_start3A_361 = arith.constant 0 : i32
      %dma_start3A_362 = tpu.memref_slice %arg2[%dma_start3A_360, %dma_start3A_361] : memref<10000x128xf32, #tpu.memory_space<hbm>> -> memref<10000x128xf32, #tpu.memory_space<hbm>>
      tpu.enqueue_indirect_dma source(%dma_start3A_362 : memref<10000x128xf32, #tpu.memory_space<hbm>>) target(%arg10 : memref<100x128xf32, #tpu.memory_space<vmem>>) offsets(%dma_start3A_359 : memref<100xi32, #tpu.memory_space<vmem>>) semaphore(%arg16 : memref<!tpu.dma_semaphore, #tpu.memory_space<semaphore_mem>>)
      %add3A_363 = arith.constant 1 : i32
      %add3A_364 = arith.addi %mul3A_334, %add3A_363 : i32
      %dma_wait3A_365 = arith.constant 0 : i32
      %dma_wait3A_366 = tpu.memref_slice %arg8[%add3A_364, %dma_wait3A_365] : memref<25x100xi32, #tpu.memory_space<vmem>> -> memref<1x100xi32, #tpu.memory_space<vmem>>
      %dma_wait3A_367 = tpu.memref_squeeze %dma_wait3A_366 : memref<1x100xi32, #tpu.memory_space<vmem>> -> memref<100xi32, #tpu.memory_space<vmem>>
      %dma_wait3A_368 = arith.constant 0 : i32
      %dma_wait3A_369 = arith.constant 0 : i32
      %dma_wait3A_370 = tpu.memref_slice %arg2[%dma_wait3A_368, %dma_wait3A_369] : memref<10000x128xf32, #tpu.memory_space<hbm>> -> memref<10000x128xf32, #tpu.memory_space<hbm>>
      tpu.wait_indirect_dma semaphore(%arg17 : memref<!tpu.dma_semaphore, #tpu.memory_space<semaphore_mem>>) src(%dma_wait3A_370 : memref<10000x128xf32, #tpu.memory_space<hbm>>) dst(%arg11 : memref<100x128xf32, #tpu.memory_space<vmem>>)
      %dma_start3A_371 = arith.constant 0 : i32
      %dma_start3A_372 = tpu.memref_slice %arg13[%dma_start3A_371] : memref<128xf32, #tpu.memory_space<vmem>> -> memref<100xf32, #tpu.memory_space<vmem>>
      %dma_start3A_373 = arith.constant 0 : i32
      %dma_start3A_374 = tpu.memref_slice %arg9[%add3A_364, %dma_start3A_373] : memref<25x100xi32, #tpu.memory_space<vmem>> -> memref<1x100xi32, #tpu.memory_space<vmem>>
      %dma_start3A_375 = tpu.memref_squeeze %dma_start3A_374 : memref<1x100xi32, #tpu.memory_space<vmem>> -> memref<100xi32, #tpu.memory_space<vmem>>
      %dma_start3A_376 = arith.constant 0 : i32
      %dma_start3A_377 = tpu.memref_slice %arg15[%dma_start3A_376] : memref<10240xf32, #tpu.memory_space<vmem_shared>> -> memref<10240xf32, #tpu.memory_space<vmem_shared>>
      tpu.enqueue_indirect_dma source(%dma_start3A_372 : memref<100xf32, #tpu.memory_space<vmem>>) target(%dma_start3A_377 : memref<10240xf32, #tpu.memory_space<vmem_shared>>) offsets(%dma_start3A_375 : memref<100xi32, #tpu.memory_space<vmem>>) semaphore(%arg19 : memref<!tpu.dma_semaphore, #tpu.memory_space<semaphore_mem>>) {add = true}
      "tpu.region"() ({
        %run_scoped3A_414 = tpu.sem_alloc : memref<!tpu.dma_semaphore, #tpu.memory_space<semaphore_mem>>
        %dma_start3A_415 = arith.constant 0 : i32
        %dma_start3A_416 = tpu.memref_slice %arg9[%add3A_364, %dma_start3A_415] : memref<25x100xi32, #tpu.memory_space<vmem>> -> memref<1x100xi32, #tpu.memory_space<vmem>>
        %dma_start3A_417 = tpu.memref_squeeze %dma_start3A_416 : memref<1x100xi32, #tpu.memory_space<vmem>> -> memref<100xi32, #tpu.memory_space<vmem>>
        %dma_start3A_418 = arith.constant 0 : i32
        %dma_start3A_419 = arith.constant 0 : i32
        %dma_start3A_420 = tpu.memref_slice %arg14[%dma_start3A_418, %dma_start3A_419] : memref<10240x128xf32, #tpu.memory_space<vmem_shared>> -> memref<10240x128xf32, #tpu.memory_space<vmem_shared>>
        tpu.enqueue_indirect_dma source(%arg11 : memref<100x128xf32, #tpu.memory_space<vmem>>) target(%dma_start3A_420 : memref<10240x128xf32, #tpu.memory_space<vmem_shared>>) offsets(%dma_start3A_417 : memref<100xi32, #tpu.memory_space<vmem>>) semaphore(%run_scoped3A_414 : memref<!tpu.dma_semaphore, #tpu.memory_space<semaphore_mem>>) {add = true}
        %dma_wait3A_421 = arith.constant 0 : i32
        %dma_wait3A_422 = tpu.memref_slice %arg9[%add3A_364, %dma_wait3A_421] : memref<25x100xi32, #tpu.memory_space<vmem>> -> memref<1x100xi32, #tpu.memory_space<vmem>>
        %dma_wait3A_423 = tpu.memref_squeeze %dma_wait3A_422 : memref<1x100xi32, #tpu.memory_space<vmem>> -> memref<100xi32, #tpu.memory_space<vmem>>
        %dma_wait3A_424 = arith.constant 0 : i32
        %dma_wait3A_425 = arith.constant 0 : i32
        %dma_wait3A_426 = tpu.memref_slice %arg14[%dma_wait3A_424, %dma_wait3A_425] : memref<10240x128xf32, #tpu.memory_space<vmem_shared>> -> memref<10240x128xf32, #tpu.memory_space<vmem_shared>>
        tpu.wait_indirect_dma semaphore(%run_scoped3A_414 : memref<!tpu.dma_semaphore, #tpu.memory_space<semaphore_mem>>) src(%arg11 : memref<100x128xf32, #tpu.memory_space<vmem>>) dst(%dma_wait3A_426 : memref<10240x128xf32, #tpu.memory_space<vmem_shared>>)
        tpu.yield
      }) : () -> ()
      %dma_wait3A_378 = arith.constant 0 : i32
      %dma_wait3A_379 = tpu.memref_slice %arg13[%dma_wait3A_378] : memref<128xf32, #tpu.memory_space<vmem>> -> memref<100xf32, #tpu.memory_space<vmem>>
      %dma_wait3A_380 = arith.constant 0 : i32
      %dma_wait3A_381 = tpu.memref_slice %arg9[%add3A_364, %dma_wait3A_380] : memref<25x100xi32, #tpu.memory_space<vmem>> -> memref<1x100xi32, #tpu.memory_space<vmem>>
      %dma_wait3A_382 = tpu.memref_squeeze %dma_wait3A_381 : memref<1x100xi32, #tpu.memory_space<vmem>> -> memref<100xi32, #tpu.memory_space<vmem>>
      %dma_wait3A_383 = arith.constant 0 : i32
      %dma_wait3A_384 = tpu.memref_slice %arg15[%dma_wait3A_383] : memref<10240xf32, #tpu.memory_space<vmem_shared>> -> memref<10240xf32, #tpu.memory_space<vmem_shared>>
      tpu.wait_indirect_dma semaphore(%arg19 : memref<!tpu.dma_semaphore, #tpu.memory_space<semaphore_mem>>) src(%dma_wait3A_379 : memref<100xf32, #tpu.memory_space<vmem>>) dst(%dma_wait3A_384 : memref<10240xf32, #tpu.memory_space<vmem_shared>>)
      %lt3A = arith.constant 7 : i32
      %lt3A_385 = arith.cmpi slt, %scan3A_332, %lt3A : i32
      %convert_element_type3A = arith.extui %lt3A_385 : i1 to i32
      %cond3A = arith.constant 0 : i32
      %cond3A_386 = arith.cmpi ne, %convert_element_type3A, %cond3A : i32
      scf.if %cond3A_386 {
        %add3A_414 = arith.constant 4 : i32
        %add3A_415 = arith.addi %mul3A_334, %add3A_414 : i32
        %dma_start3A_416 = arith.constant 0 : i32
        %dma_start3A_417 = tpu.memref_slice %arg8[%add3A_415, %dma_start3A_416] : memref<25x100xi32, #tpu.memory_space<vmem>> -> memref<1x100xi32, #tpu.memory_space<vmem>>
        %dma_start3A_418 = tpu.memref_squeeze %dma_start3A_417 : memref<1x100xi32, #tpu.memory_space<vmem>> -> memref<100xi32, #tpu.memory_space<vmem>>
        %dma_start3A_419 = arith.constant 0 : i32
        %dma_start3A_420 = arith.constant 0 : i32
        %dma_start3A_421 = tpu.memref_slice %arg2[%dma_start3A_419, %dma_start3A_420] : memref<10000x128xf32, #tpu.memory_space<hbm>> -> memref<10000x128xf32, #tpu.memory_space<hbm>>
        tpu.enqueue_indirect_dma source(%dma_start3A_421 : memref<10000x128xf32, #tpu.memory_space<hbm>>) target(%arg11 : memref<100x128xf32, #tpu.memory_space<vmem>>) offsets(%dma_start3A_418 : memref<100xi32, #tpu.memory_space<vmem>>) semaphore(%arg17 : memref<!tpu.dma_semaphore, #tpu.memory_space<semaphore_mem>>)
      } else {
      }
      %add3A_387 = arith.constant 2 : i32
      %add3A_388 = arith.addi %mul3A_334, %add3A_387 : i32
      %dma_wait3A_389 = arith.constant 0 : i32
      %dma_wait3A_390 = tpu.memref_slice %arg8[%add3A_388, %dma_wait3A_389] : memref<25x100xi32, #tpu.memory_space<vmem>> -> memref<1x100xi32, #tpu.memory_space<vmem>>
      %dma_wait3A_391 = tpu.memref_squeeze %dma_wait3A_390 : memref<1x100xi32, #tpu.memory_space<vmem>> -> memref<100xi32, #tpu.memory_space<vmem>>
      %dma_wait3A_392 = arith.constant 0 : i32
      %dma_wait3A_393 = arith.constant 0 : i32
      %dma_wait3A_394 = tpu.memref_slice %arg2[%dma_wait3A_392, %dma_wait3A_393] : memref<10000x128xf32, #tpu.memory_space<hbm>> -> memref<10000x128xf32, #tpu.memory_space<hbm>>
      tpu.wait_indirect_dma semaphore(%arg18 : memref<!tpu.dma_semaphore, #tpu.memory_space<semaphore_mem>>) src(%dma_wait3A_394 : memref<10000x128xf32, #tpu.memory_space<hbm>>) dst(%arg12 : memref<100x128xf32, #tpu.memory_space<vmem>>)
      %dma_start3A_395 = arith.constant 0 : i32
      %dma_start3A_396 = tpu.memref_slice %arg13[%dma_start3A_395] : memref<128xf32, #tpu.memory_space<vmem>> -> memref<100xf32, #tpu.memory_space<vmem>>
      %dma_start3A_397 = arith.constant 0 : i32
      %dma_start3A_398 = tpu.memref_slice %arg9[%add3A_388, %dma_start3A_397] : memref<25x100xi32, #tpu.memory_space<vmem>> -> memref<1x100xi32, #tpu.memory_space<vmem>>
      %dma_start3A_399 = tpu.memref_squeeze %dma_start3A_398 : memref<1x100xi32, #tpu.memory_space<vmem>> -> memref<100xi32, #tpu.memory_space<vmem>>
      %dma_start3A_400 = arith.constant 0 : i32
      %dma_start3A_401 = tpu.memref_slice %arg15[%dma_start3A_400] : memref<10240xf32, #tpu.memory_space<vmem_shared>> -> memref<10240xf32, #tpu.memory_space<vmem_shared>>
      tpu.enqueue_indirect_dma source(%dma_start3A_396 : memref<100xf32, #tpu.memory_space<vmem>>) target(%dma_start3A_401 : memref<10240xf32, #tpu.memory_space<vmem_shared>>) offsets(%dma_start3A_399 : memref<100xi32, #tpu.memory_space<vmem>>) semaphore(%arg19 : memref<!tpu.dma_semaphore, #tpu.memory_space<semaphore_mem>>) {add = true}
      "tpu.region"() ({
        %run_scoped3A_414 = tpu.sem_alloc : memref<!tpu.dma_semaphore, #tpu.memory_space<semaphore_mem>>
        %dma_start3A_415 = arith.constant 0 : i32
        %dma_start3A_416 = tpu.memref_slice %arg9[%add3A_388, %dma_start3A_415] : memref<25x100xi32, #tpu.memory_space<vmem>> -> memref<1x100xi32, #tpu.memory_space<vmem>>
        %dma_start3A_417 = tpu.memref_squeeze %dma_start3A_416 : memref<1x100xi32, #tpu.memory_space<vmem>> -> memref<100xi32, #tpu.memory_space<vmem>>
        %dma_start3A_418 = arith.constant 0 : i32
        %dma_start3A_419 = arith.constant 0 : i32
        %dma_start3A_420 = tpu.memref_slice %arg14[%dma_start3A_418, %dma_start3A_419] : memref<10240x128xf32, #tpu.memory_space<vmem_shared>> -> memref<10240x128xf32, #tpu.memory_space<vmem_shared>>
        tpu.enqueue_indirect_dma source(%arg12 : memref<100x128xf32, #tpu.memory_space<vmem>>) target(%dma_start3A_420 : memref<10240x128xf32, #tpu.memory_space<vmem_shared>>) offsets(%dma_start3A_417 : memref<100xi32, #tpu.memory_space<vmem>>) semaphore(%run_scoped3A_414 : memref<!tpu.dma_semaphore, #tpu.memory_space<semaphore_mem>>) {add = true}
        %dma_wait3A_421 = arith.constant 0 : i32
        %dma_wait3A_422 = tpu.memref_slice %arg9[%add3A_388, %dma_wait3A_421] : memref<25x100xi32, #tpu.memory_space<vmem>> -> memref<1x100xi32, #tpu.memory_space<vmem>>
        %dma_wait3A_423 = tpu.memref_squeeze %dma_wait3A_422 : memref<1x100xi32, #tpu.memory_space<vmem>> -> memref<100xi32, #tpu.memory_space<vmem>>
        %dma_wait3A_424 = arith.constant 0 : i32
        %dma_wait3A_425 = arith.constant 0 : i32
        %dma_wait3A_426 = tpu.memref_slice %arg14[%dma_wait3A_424, %dma_wait3A_425] : memref<10240x128xf32, #tpu.memory_space<vmem_shared>> -> memref<10240x128xf32, #tpu.memory_space<vmem_shared>>
        tpu.wait_indirect_dma semaphore(%run_scoped3A_414 : memref<!tpu.dma_semaphore, #tpu.memory_space<semaphore_mem>>) src(%arg12 : memref<100x128xf32, #tpu.memory_space<vmem>>) dst(%dma_wait3A_426 : memref<10240x128xf32, #tpu.memory_space<vmem_shared>>)
        tpu.yield
      }) : () -> ()
      %dma_wait3A_402 = arith.constant 0 : i32
      %dma_wait3A_403 = tpu.memref_slice %arg13[%dma_wait3A_402] : memref<128xf32, #tpu.memory_space<vmem>> -> memref<100xf32, #tpu.memory_space<vmem>>
      %dma_wait3A_404 = arith.constant 0 : i32
      %dma_wait3A_405 = tpu.memref_slice %arg9[%add3A_388, %dma_wait3A_404] : memref<25x100xi32, #tpu.memory_space<vmem>> -> memref<1x100xi32, #tpu.memory_space<vmem>>
      %dma_wait3A_406 = tpu.memref_squeeze %dma_wait3A_405 : memref<1x100xi32, #tpu.memory_space<vmem>> -> memref<100xi32, #tpu.memory_space<vmem>>
      %dma_wait3A_407 = arith.constant 0 : i32
      %dma_wait3A_408 = tpu.memref_slice %arg15[%dma_wait3A_407] : memref<10240xf32, #tpu.memory_space<vmem_shared>> -> memref<10240xf32, #tpu.memory_space<vmem_shared>>
      tpu.wait_indirect_dma semaphore(%arg19 : memref<!tpu.dma_semaphore, #tpu.memory_space<semaphore_mem>>) src(%dma_wait3A_403 : memref<100xf32, #tpu.memory_space<vmem>>) dst(%dma_wait3A_408 : memref<10240xf32, #tpu.memory_space<vmem_shared>>)
      %lt3A_409 = arith.constant 7 : i32
      %lt3A_410 = arith.cmpi slt, %scan3A_332, %lt3A_409 : i32
      %convert_element_type3A_411 = arith.extui %lt3A_410 : i1 to i32
      %cond3A_412 = arith.constant 0 : i32
      %cond3A_413 = arith.cmpi ne, %convert_element_type3A_411, %cond3A_412 : i32
      scf.if %cond3A_413 {
        %add3A_414 = arith.constant 5 : i32
        %add3A_415 = arith.addi %mul3A_334, %add3A_414 : i32
        %dma_start3A_416 = arith.constant 0 : i32
        %dma_start3A_417 = tpu.memref_slice %arg8[%add3A_415, %dma_start3A_416] : memref<25x100xi32, #tpu.memory_space<vmem>> -> memref<1x100xi32, #tpu.memory_space<vmem>>
        %dma_start3A_418 = tpu.memref_squeeze %dma_start3A_417 : memref<1x100xi32, #tpu.memory_space<vmem>> -> memref<100xi32, #tpu.memory_space<vmem>>
        %dma_start3A_419 = arith.constant 0 : i32
        %dma_start3A_420 = arith.constant 0 : i32
        %dma_start3A_421 = tpu.memref_slice %arg2[%dma_start3A_419, %dma_start3A_420] : memref<10000x128xf32, #tpu.memory_space<hbm>> -> memref<10000x128xf32, #tpu.memory_space<hbm>>
        tpu.enqueue_indirect_dma source(%dma_start3A_421 : memref<10000x128xf32, #tpu.memory_space<hbm>>) target(%arg12 : memref<100x128xf32, #tpu.memory_space<vmem>>) offsets(%dma_start3A_418 : memref<100xi32, #tpu.memory_space<vmem>>) semaphore(%arg18 : memref<!tpu.dma_semaphore, #tpu.memory_space<semaphore_mem>>)
      } else {
      }
    }
    %scan3A_117 = arith.constant 8 : i32
    %dma_wait3A = arith.constant 24 : i32
    %dma_wait3A_118 = arith.constant 0 : i32
    %dma_wait3A_119 = tpu.memref_slice %arg8[%dma_wait3A, %dma_wait3A_118] : memref<25x100xi32, #tpu.memory_space<vmem>> -> memref<1x100xi32, #tpu.memory_space<vmem>>
    %dma_wait3A_120 = tpu.memref_squeeze %dma_wait3A_119 : memref<1x100xi32, #tpu.memory_space<vmem>> -> memref<100xi32, #tpu.memory_space<vmem>>
    %dma_wait3A_121 = arith.constant 0 : i32
    %dma_wait3A_122 = arith.constant 0 : i32
    %dma_wait3A_123 = tpu.memref_slice %arg2[%dma_wait3A_121, %dma_wait3A_122] : memref<10000x128xf32, #tpu.memory_space<hbm>> -> memref<10000x128xf32, #tpu.memory_space<hbm>>
    tpu.wait_indirect_dma semaphore(%arg16 : memref<!tpu.dma_semaphore, #tpu.memory_space<semaphore_mem>>) src(%dma_wait3A_123 : memref<10000x128xf32, #tpu.memory_space<hbm>>) dst(%arg10 : memref<100x128xf32, #tpu.memory_space<vmem>>)
    %dma_start3A_124 = arith.constant 24 : i32
    %dma_start3A_125 = arith.constant 0 : i32
    %dma_start3A_126 = tpu.memref_slice %arg13[%dma_start3A_125] : memref<128xf32, #tpu.memory_space<vmem>> -> memref<100xf32, #tpu.memory_space<vmem>>
    %dma_start3A_127 = arith.constant 0 : i32
    %dma_start3A_128 = tpu.memref_slice %arg9[%dma_start3A_124, %dma_start3A_127] : memref<25x100xi32, #tpu.memory_space<vmem>> -> memref<1x100xi32, #tpu.memory_space<vmem>>
    %dma_start3A_129 = tpu.memref_squeeze %dma_start3A_128 : memref<1x100xi32, #tpu.memory_space<vmem>> -> memref<100xi32, #tpu.memory_space<vmem>>
    %dma_start3A_130 = arith.constant 0 : i32
    %dma_start3A_131 = tpu.memref_slice %arg15[%dma_start3A_130] : memref<10240xf32, #tpu.memory_space<vmem_shared>> -> memref<10240xf32, #tpu.memory_space<vmem_shared>>
    tpu.enqueue_indirect_dma source(%dma_start3A_126 : memref<100xf32, #tpu.memory_space<vmem>>) target(%dma_start3A_131 : memref<10240xf32, #tpu.memory_space<vmem_shared>>) offsets(%dma_start3A_129 : memref<100xi32, #tpu.memory_space<vmem>>) semaphore(%arg19 : memref<!tpu.dma_semaphore, #tpu.memory_space<semaphore_mem>>) {add = true}
    %run_scoped3A = arith.constant 24 : i32
    "tpu.region"() ({
      %run_scoped3A_332 = tpu.sem_alloc : memref<!tpu.dma_semaphore, #tpu.memory_space<semaphore_mem>>
      %dma_start3A_333 = arith.constant 0 : i32
      %dma_start3A_334 = tpu.memref_slice %arg9[%run_scoped3A, %dma_start3A_333] : memref<25x100xi32, #tpu.memory_space<vmem>> -> memref<1x100xi32, #tpu.memory_space<vmem>>
      %dma_start3A_335 = tpu.memref_squeeze %dma_start3A_334 : memref<1x100xi32, #tpu.memory_space<vmem>> -> memref<100xi32, #tpu.memory_space<vmem>>
      %dma_start3A_336 = arith.constant 0 : i32
      %dma_start3A_337 = arith.constant 0 : i32
      %dma_start3A_338 = tpu.memref_slice %arg14[%dma_start3A_336, %dma_start3A_337] : memref<10240x128xf32, #tpu.memory_space<vmem_shared>> -> memref<10240x128xf32, #tpu.memory_space<vmem_shared>>
      tpu.enqueue_indirect_dma source(%arg10 : memref<100x128xf32, #tpu.memory_space<vmem>>) target(%dma_start3A_338 : memref<10240x128xf32, #tpu.memory_space<vmem_shared>>) offsets(%dma_start3A_335 : memref<100xi32, #tpu.memory_space<vmem>>) semaphore(%run_scoped3A_332 : memref<!tpu.dma_semaphore, #tpu.memory_space<semaphore_mem>>) {add = true}
      %dma_wait3A_339 = arith.constant 0 : i32
      %dma_wait3A_340 = tpu.memref_slice %arg9[%run_scoped3A, %dma_wait3A_339] : memref<25x100xi32, #tpu.memory_space<vmem>> -> memref<1x100xi32, #tpu.memory_space<vmem>>
      %dma_wait3A_341 = tpu.memref_squeeze %dma_wait3A_340 : memref<1x100xi32, #tpu.memory_space<vmem>> -> memref<100xi32, #tpu.memory_space<vmem>>
      %dma_wait3A_342 = arith.constant 0 : i32
      %dma_wait3A_343 = arith.constant 0 : i32
      %dma_wait3A_344 = tpu.memref_slice %arg14[%dma_wait3A_342, %dma_wait3A_343] : memref<10240x128xf32, #tpu.memory_space<vmem_shared>> -> memref<10240x128xf32, #tpu.memory_space<vmem_shared>>
      tpu.wait_indirect_dma semaphore(%run_scoped3A_332 : memref<!tpu.dma_semaphore, #tpu.memory_space<semaphore_mem>>) src(%arg10 : memref<100x128xf32, #tpu.memory_space<vmem>>) dst(%dma_wait3A_344 : memref<10240x128xf32, #tpu.memory_space<vmem_shared>>)
      tpu.yield
    }) : () -> ()
    %dma_wait3A_132 = arith.constant 24 : i32
    %dma_wait3A_133 = arith.constant 0 : i32
    %dma_wait3A_134 = tpu.memref_slice %arg13[%dma_wait3A_133] : memref<128xf32, #tpu.memory_space<vmem>> -> memref<100xf32, #tpu.memory_space<vmem>>
    %dma_wait3A_135 = arith.constant 0 : i32
    %dma_wait3A_136 = tpu.memref_slice %arg9[%dma_wait3A_132, %dma_wait3A_135] : memref<25x100xi32, #tpu.memory_space<vmem>> -> memref<1x100xi32, #tpu.memory_space<vmem>>
    %dma_wait3A_137 = tpu.memref_squeeze %dma_wait3A_136 : memref<1x100xi32, #tpu.memory_space<vmem>> -> memref<100xi32, #tpu.memory_space<vmem>>
    %dma_wait3A_138 = arith.constant 0 : i32
    %dma_wait3A_139 = tpu.memref_slice %arg15[%dma_wait3A_138] : memref<10240xf32, #tpu.memory_space<vmem_shared>> -> memref<10240xf32, #tpu.memory_space<vmem_shared>>
    tpu.wait_indirect_dma semaphore(%arg19 : memref<!tpu.dma_semaphore, #tpu.memory_space<semaphore_mem>>) src(%dma_wait3A_134 : memref<100xf32, #tpu.memory_space<vmem>>) dst(%dma_wait3A_139 : memref<10240xf32, #tpu.memory_space<vmem_shared>>)
    %mul3A_140 = arith.constant 4 : i32
    %mul3A_141 = arith.muli %add3A, %mul3A_140 : i32
    %add3A_142 = arith.constant 1 : i32
    %add3A_143 = arith.addi %mul3A_141, %add3A_142 : i32
    "tpu.region"() ({
      %run_scoped3A_332 = tpu.sem_alloc : memref<!tpu.dma_semaphore, #tpu.memory_space<semaphore_mem>>
      %dma_start3A_333 = arith.constant 0 : i32
      %dma_start3A_334 = arith.constant 0 : i32
      %dma_start3A_335 = tpu.memref_slice %arg3[%add3A_143, %dma_start3A_333, %dma_start3A_334] : memref<256x25x100xi32, #tpu.memory_space<hbm>> -> memref<1x25x100xi32, #tpu.memory_space<hbm>>
      %dma_start3A_336 = tpu.memref_squeeze %dma_start3A_335 : memref<1x25x100xi32, #tpu.memory_space<hbm>> -> memref<25x100xi32, #tpu.memory_space<hbm>>
      %dma_start3A_337 = arith.constant 0 : i32
      %dma_start3A_338 = arith.constant 0 : i32
      %dma_start3A_339 = tpu.memref_slice %arg3[%add3A_143, %dma_start3A_337, %dma_start3A_338] : memref<256x25x100xi32, #tpu.memory_space<hbm>> -> memref<1x25x100xi32, #tpu.memory_space<hbm>>
      %dma_start3A_340 = tpu.memref_squeeze %dma_start3A_339 : memref<1x25x100xi32, #tpu.memory_space<hbm>> -> memref<25x100xi32, #tpu.memory_space<hbm>>
      tpu.enqueue_dma source(%dma_start3A_340 : memref<25x100xi32, #tpu.memory_space<hbm>>) target(%arg8 : memref<25x100xi32, #tpu.memory_space<vmem>>) target_semaphore(%run_scoped3A_332 : memref<!tpu.dma_semaphore, #tpu.memory_space<semaphore_mem>>)
      %dma_wait3A_341 = arith.constant 0 : i32
      %dma_wait3A_342 = arith.constant 0 : i32
      %dma_wait3A_343 = tpu.memref_slice %arg3[%add3A_143, %dma_wait3A_341, %dma_wait3A_342] : memref<256x25x100xi32, #tpu.memory_space<hbm>> -> memref<1x25x100xi32, #tpu.memory_space<hbm>>
      %dma_wait3A_344 = tpu.memref_squeeze %dma_wait3A_343 : memref<1x25x100xi32, #tpu.memory_space<hbm>> -> memref<25x100xi32, #tpu.memory_space<hbm>>
      %dma_wait3A_345 = arith.constant 0 : i32
      %dma_wait3A_346 = arith.constant 0 : i32
      %dma_wait3A_347 = tpu.memref_slice %arg3[%add3A_143, %dma_wait3A_345, %dma_wait3A_346] : memref<256x25x100xi32, #tpu.memory_space<hbm>> -> memref<1x25x100xi32, #tpu.memory_space<hbm>>
      %dma_wait3A_348 = tpu.memref_squeeze %dma_wait3A_347 : memref<1x25x100xi32, #tpu.memory_space<hbm>> -> memref<25x100xi32, #tpu.memory_space<hbm>>
      tpu.wait_dma2 semaphore(%run_scoped3A_332 : memref<!tpu.dma_semaphore, #tpu.memory_space<semaphore_mem>>) src(%dma_wait3A_348 : memref<25x100xi32, #tpu.memory_space<hbm>>) dst(%arg8 : memref<25x100xi32, #tpu.memory_space<vmem>>)
      tpu.yield
    }) : () -> ()
    %mul3A_144 = arith.constant 4 : i32
    %mul3A_145 = arith.muli %add3A, %mul3A_144 : i32
    %add3A_146 = arith.constant 128 : i32
    %add3A_147 = arith.addi %add3A_146, %mul3A_145 : i32
    %add3A_148 = arith.constant 1 : i32
    %add3A_149 = arith.addi %add3A_147, %add3A_148 : i32
    "tpu.region"() ({
      %run_scoped3A_332 = tpu.sem_alloc : memref<!tpu.dma_semaphore, #tpu.memory_space<semaphore_mem>>
      %dma_start3A_333 = arith.constant 0 : i32
      %dma_start3A_334 = arith.constant 0 : i32
      %dma_start3A_335 = tpu.memref_slice %arg3[%add3A_149, %dma_start3A_333, %dma_start3A_334] : memref<256x25x100xi32, #tpu.memory_space<hbm>> -> memref<1x25x100xi32, #tpu.memory_space<hbm>>
      %dma_start3A_336 = tpu.memref_squeeze %dma_start3A_335 : memref<1x25x100xi32, #tpu.memory_space<hbm>> -> memref<25x100xi32, #tpu.memory_space<hbm>>
      %dma_start3A_337 = arith.constant 0 : i32
      %dma_start3A_338 = arith.constant 0 : i32
      %dma_start3A_339 = tpu.memref_slice %arg3[%add3A_149, %dma_start3A_337, %dma_start3A_338] : memref<256x25x100xi32, #tpu.memory_space<hbm>> -> memref<1x25x100xi32, #tpu.memory_space<hbm>>
      %dma_start3A_340 = tpu.memref_squeeze %dma_start3A_339 : memref<1x25x100xi32, #tpu.memory_space<hbm>> -> memref<25x100xi32, #tpu.memory_space<hbm>>
      tpu.enqueue_dma source(%dma_start3A_340 : memref<25x100xi32, #tpu.memory_space<hbm>>) target(%arg9 : memref<25x100xi32, #tpu.memory_space<vmem>>) target_semaphore(%run_scoped3A_332 : memref<!tpu.dma_semaphore, #tpu.memory_space<semaphore_mem>>)
      %dma_wait3A_341 = arith.constant 0 : i32
      %dma_wait3A_342 = arith.constant 0 : i32
      %dma_wait3A_343 = tpu.memref_slice %arg3[%add3A_149, %dma_wait3A_341, %dma_wait3A_342] : memref<256x25x100xi32, #tpu.memory_space<hbm>> -> memref<1x25x100xi32, #tpu.memory_space<hbm>>
      %dma_wait3A_344 = tpu.memref_squeeze %dma_wait3A_343 : memref<1x25x100xi32, #tpu.memory_space<hbm>> -> memref<25x100xi32, #tpu.memory_space<hbm>>
      %dma_wait3A_345 = arith.constant 0 : i32
      %dma_wait3A_346 = arith.constant 0 : i32
      %dma_wait3A_347 = tpu.memref_slice %arg3[%add3A_149, %dma_wait3A_345, %dma_wait3A_346] : memref<256x25x100xi32, #tpu.memory_space<hbm>> -> memref<1x25x100xi32, #tpu.memory_space<hbm>>
      %dma_wait3A_348 = tpu.memref_squeeze %dma_wait3A_347 : memref<1x25x100xi32, #tpu.memory_space<hbm>> -> memref<25x100xi32, #tpu.memory_space<hbm>>
      tpu.wait_dma2 semaphore(%run_scoped3A_332 : memref<!tpu.dma_semaphore, #tpu.memory_space<semaphore_mem>>) src(%dma_wait3A_348 : memref<25x100xi32, #tpu.memory_space<hbm>>) dst(%arg9 : memref<25x100xi32, #tpu.memory_space<vmem>>)
      tpu.yield
    }) : () -> ()
    %dma_start3A_150 = arith.constant 0 : i32
    %dma_start3A_151 = arith.constant 0 : i32
    %dma_start3A_152 = tpu.memref_slice %arg8[%dma_start3A_150, %dma_start3A_151] : memref<25x100xi32, #tpu.memory_space<vmem>> -> memref<1x100xi32, #tpu.memory_space<vmem>>
    %dma_start3A_153 = tpu.memref_squeeze %dma_start3A_152 : memref<1x100xi32, #tpu.memory_space<vmem>> -> memref<100xi32, #tpu.memory_space<vmem>>
    %dma_start3A_154 = arith.constant 0 : i32
    %dma_start3A_155 = arith.constant 0 : i32
    %dma_start3A_156 = tpu.memref_slice %arg2[%dma_start3A_154, %dma_start3A_155] : memref<10000x128xf32, #tpu.memory_space<hbm>> -> memref<10000x128xf32, #tpu.memory_space<hbm>>
    tpu.enqueue_indirect_dma source(%dma_start3A_156 : memref<10000x128xf32, #tpu.memory_space<hbm>>) target(%arg10 : memref<100x128xf32, #tpu.memory_space<vmem>>) offsets(%dma_start3A_153 : memref<100xi32, #tpu.memory_space<vmem>>) semaphore(%arg16 : memref<!tpu.dma_semaphore, #tpu.memory_space<semaphore_mem>>)
    %dma_start3A_157 = arith.constant 1 : i32
    %dma_start3A_158 = arith.constant 0 : i32
    %dma_start3A_159 = tpu.memref_slice %arg8[%dma_start3A_157, %dma_start3A_158] : memref<25x100xi32, #tpu.memory_space<vmem>> -> memref<1x100xi32, #tpu.memory_space<vmem>>
    %dma_start3A_160 = tpu.memref_squeeze %dma_start3A_159 : memref<1x100xi32, #tpu.memory_space<vmem>> -> memref<100xi32, #tpu.memory_space<vmem>>
    %dma_start3A_161 = arith.constant 0 : i32
    %dma_start3A_162 = arith.constant 0 : i32
    %dma_start3A_163 = tpu.memref_slice %arg2[%dma_start3A_161, %dma_start3A_162] : memref<10000x128xf32, #tpu.memory_space<hbm>> -> memref<10000x128xf32, #tpu.memory_space<hbm>>
    tpu.enqueue_indirect_dma source(%dma_start3A_163 : memref<10000x128xf32, #tpu.memory_space<hbm>>) target(%arg11 : memref<100x128xf32, #tpu.memory_space<vmem>>) offsets(%dma_start3A_160 : memref<100xi32, #tpu.memory_space<vmem>>) semaphore(%arg17 : memref<!tpu.dma_semaphore, #tpu.memory_space<semaphore_mem>>)
    %dma_start3A_164 = arith.constant 2 : i32
    %dma_start3A_165 = arith.constant 0 : i32
    %dma_start3A_166 = tpu.memref_slice %arg8[%dma_start3A_164, %dma_start3A_165] : memref<25x100xi32, #tpu.memory_space<vmem>> -> memref<1x100xi32, #tpu.memory_space<vmem>>
    %dma_start3A_167 = tpu.memref_squeeze %dma_start3A_166 : memref<1x100xi32, #tpu.memory_space<vmem>> -> memref<100xi32, #tpu.memory_space<vmem>>
    %dma_start3A_168 = arith.constant 0 : i32
    %dma_start3A_169 = arith.constant 0 : i32
    %dma_start3A_170 = tpu.memref_slice %arg2[%dma_start3A_168, %dma_start3A_169] : memref<10000x128xf32, #tpu.memory_space<hbm>> -> memref<10000x128xf32, #tpu.memory_space<hbm>>
    tpu.enqueue_indirect_dma source(%dma_start3A_170 : memref<10000x128xf32, #tpu.memory_space<hbm>>) target(%arg12 : memref<100x128xf32, #tpu.memory_space<vmem>>) offsets(%dma_start3A_167 : memref<100xi32, #tpu.memory_space<vmem>>) semaphore(%arg18 : memref<!tpu.dma_semaphore, #tpu.memory_space<semaphore_mem>>)
    %scan3A_171 = arith.constant 0 : i32
    %scan3A_172 = arith.constant 0 : i32
    %scan3A_173 = arith.constant 8 : i32
    %scan3A_174 = arith.addi %scan3A_172, %scan3A_173 : i32
    %scan3A_175 = arith.constant 1 : i32
    scf.for %scan3A_332 = %scan3A_172 to %scan3A_174 step %scan3A_175  : i32 {
      %mul3A_333 = arith.constant 3 : i32
      %mul3A_334 = arith.muli %mul3A_333, %scan3A_332 : i32
      %dma_wait3A_335 = arith.constant 0 : i32
      %dma_wait3A_336 = tpu.memref_slice %arg8[%mul3A_334, %dma_wait3A_335] : memref<25x100xi32, #tpu.memory_space<vmem>> -> memref<1x100xi32, #tpu.memory_space<vmem>>
      %dma_wait3A_337 = tpu.memref_squeeze %dma_wait3A_336 : memref<1x100xi32, #tpu.memory_space<vmem>> -> memref<100xi32, #tpu.memory_space<vmem>>
      %dma_wait3A_338 = arith.constant 0 : i32
      %dma_wait3A_339 = arith.constant 0 : i32
      %dma_wait3A_340 = tpu.memref_slice %arg2[%dma_wait3A_338, %dma_wait3A_339] : memref<10000x128xf32, #tpu.memory_space<hbm>> -> memref<10000x128xf32, #tpu.memory_space<hbm>>
      tpu.wait_indirect_dma semaphore(%arg16 : memref<!tpu.dma_semaphore, #tpu.memory_space<semaphore_mem>>) src(%dma_wait3A_340 : memref<10000x128xf32, #tpu.memory_space<hbm>>) dst(%arg10 : memref<100x128xf32, #tpu.memory_space<vmem>>)
      %dma_start3A_341 = arith.constant 0 : i32
      %dma_start3A_342 = tpu.memref_slice %arg13[%dma_start3A_341] : memref<128xf32, #tpu.memory_space<vmem>> -> memref<100xf32, #tpu.memory_space<vmem>>
      %dma_start3A_343 = arith.constant 0 : i32
      %dma_start3A_344 = tpu.memref_slice %arg9[%mul3A_334, %dma_start3A_343] : memref<25x100xi32, #tpu.memory_space<vmem>> -> memref<1x100xi32, #tpu.memory_space<vmem>>
      %dma_start3A_345 = tpu.memref_squeeze %dma_start3A_344 : memref<1x100xi32, #tpu.memory_space<vmem>> -> memref<100xi32, #tpu.memory_space<vmem>>
      %dma_start3A_346 = arith.constant 0 : i32
      %dma_start3A_347 = tpu.memref_slice %arg15[%dma_start3A_346] : memref<10240xf32, #tpu.memory_space<vmem_shared>> -> memref<10240xf32, #tpu.memory_space<vmem_shared>>
      tpu.enqueue_indirect_dma source(%dma_start3A_342 : memref<100xf32, #tpu.memory_space<vmem>>) target(%dma_start3A_347 : memref<10240xf32, #tpu.memory_space<vmem_shared>>) offsets(%dma_start3A_345 : memref<100xi32, #tpu.memory_space<vmem>>) semaphore(%arg19 : memref<!tpu.dma_semaphore, #tpu.memory_space<semaphore_mem>>) {add = true}
      "tpu.region"() ({
        %run_scoped3A_414 = tpu.sem_alloc : memref<!tpu.dma_semaphore, #tpu.memory_space<semaphore_mem>>
        %dma_start3A_415 = arith.constant 0 : i32
        %dma_start3A_416 = tpu.memref_slice %arg9[%mul3A_334, %dma_start3A_415] : memref<25x100xi32, #tpu.memory_space<vmem>> -> memref<1x100xi32, #tpu.memory_space<vmem>>
        %dma_start3A_417 = tpu.memref_squeeze %dma_start3A_416 : memref<1x100xi32, #tpu.memory_space<vmem>> -> memref<100xi32, #tpu.memory_space<vmem>>
        %dma_start3A_418 = arith.constant 0 : i32
        %dma_start3A_419 = arith.constant 0 : i32
        %dma_start3A_420 = tpu.memref_slice %arg14[%dma_start3A_418, %dma_start3A_419] : memref<10240x128xf32, #tpu.memory_space<vmem_shared>> -> memref<10240x128xf32, #tpu.memory_space<vmem_shared>>
        tpu.enqueue_indirect_dma source(%arg10 : memref<100x128xf32, #tpu.memory_space<vmem>>) target(%dma_start3A_420 : memref<10240x128xf32, #tpu.memory_space<vmem_shared>>) offsets(%dma_start3A_417 : memref<100xi32, #tpu.memory_space<vmem>>) semaphore(%run_scoped3A_414 : memref<!tpu.dma_semaphore, #tpu.memory_space<semaphore_mem>>) {add = true}
        %dma_wait3A_421 = arith.constant 0 : i32
        %dma_wait3A_422 = tpu.memref_slice %arg9[%mul3A_334, %dma_wait3A_421] : memref<25x100xi32, #tpu.memory_space<vmem>> -> memref<1x100xi32, #tpu.memory_space<vmem>>
        %dma_wait3A_423 = tpu.memref_squeeze %dma_wait3A_422 : memref<1x100xi32, #tpu.memory_space<vmem>> -> memref<100xi32, #tpu.memory_space<vmem>>
        %dma_wait3A_424 = arith.constant 0 : i32
        %dma_wait3A_425 = arith.constant 0 : i32
        %dma_wait3A_426 = tpu.memref_slice %arg14[%dma_wait3A_424, %dma_wait3A_425] : memref<10240x128xf32, #tpu.memory_space<vmem_shared>> -> memref<10240x128xf32, #tpu.memory_space<vmem_shared>>
        tpu.wait_indirect_dma semaphore(%run_scoped3A_414 : memref<!tpu.dma_semaphore, #tpu.memory_space<semaphore_mem>>) src(%arg10 : memref<100x128xf32, #tpu.memory_space<vmem>>) dst(%dma_wait3A_426 : memref<10240x128xf32, #tpu.memory_space<vmem_shared>>)
        tpu.yield
      }) : () -> ()
      %dma_wait3A_348 = arith.constant 0 : i32
      %dma_wait3A_349 = tpu.memref_slice %arg13[%dma_wait3A_348] : memref<128xf32, #tpu.memory_space<vmem>> -> memref<100xf32, #tpu.memory_space<vmem>>
      %dma_wait3A_350 = arith.constant 0 : i32
      %dma_wait3A_351 = tpu.memref_slice %arg9[%mul3A_334, %dma_wait3A_350] : memref<25x100xi32, #tpu.memory_space<vmem>> -> memref<1x100xi32, #tpu.memory_space<vmem>>
      %dma_wait3A_352 = tpu.memref_squeeze %dma_wait3A_351 : memref<1x100xi32, #tpu.memory_space<vmem>> -> memref<100xi32, #tpu.memory_space<vmem>>
      %dma_wait3A_353 = arith.constant 0 : i32
      %dma_wait3A_354 = tpu.memref_slice %arg15[%dma_wait3A_353] : memref<10240xf32, #tpu.memory_space<vmem_shared>> -> memref<10240xf32, #tpu.memory_space<vmem_shared>>
      tpu.wait_indirect_dma semaphore(%arg19 : memref<!tpu.dma_semaphore, #tpu.memory_space<semaphore_mem>>) src(%dma_wait3A_349 : memref<100xf32, #tpu.memory_space<vmem>>) dst(%dma_wait3A_354 : memref<10240xf32, #tpu.memory_space<vmem_shared>>)
      %add3A_355 = arith.constant 3 : i32
      %add3A_356 = arith.addi %mul3A_334, %add3A_355 : i32
      %dma_start3A_357 = arith.constant 0 : i32
      %dma_start3A_358 = tpu.memref_slice %arg8[%add3A_356, %dma_start3A_357] : memref<25x100xi32, #tpu.memory_space<vmem>> -> memref<1x100xi32, #tpu.memory_space<vmem>>
      %dma_start3A_359 = tpu.memref_squeeze %dma_start3A_358 : memref<1x100xi32, #tpu.memory_space<vmem>> -> memref<100xi32, #tpu.memory_space<vmem>>
      %dma_start3A_360 = arith.constant 0 : i32
      %dma_start3A_361 = arith.constant 0 : i32
      %dma_start3A_362 = tpu.memref_slice %arg2[%dma_start3A_360, %dma_start3A_361] : memref<10000x128xf32, #tpu.memory_space<hbm>> -> memref<10000x128xf32, #tpu.memory_space<hbm>>
      tpu.enqueue_indirect_dma source(%dma_start3A_362 : memref<10000x128xf32, #tpu.memory_space<hbm>>) target(%arg10 : memref<100x128xf32, #tpu.memory_space<vmem>>) offsets(%dma_start3A_359 : memref<100xi32, #tpu.memory_space<vmem>>) semaphore(%arg16 : memref<!tpu.dma_semaphore, #tpu.memory_space<semaphore_mem>>)
      %add3A_363 = arith.constant 1 : i32
      %add3A_364 = arith.addi %mul3A_334, %add3A_363 : i32
      %dma_wait3A_365 = arith.constant 0 : i32
      %dma_wait3A_366 = tpu.memref_slice %arg8[%add3A_364, %dma_wait3A_365] : memref<25x100xi32, #tpu.memory_space<vmem>> -> memref<1x100xi32, #tpu.memory_space<vmem>>
      %dma_wait3A_367 = tpu.memref_squeeze %dma_wait3A_366 : memref<1x100xi32, #tpu.memory_space<vmem>> -> memref<100xi32, #tpu.memory_space<vmem>>
      %dma_wait3A_368 = arith.constant 0 : i32
      %dma_wait3A_369 = arith.constant 0 : i32
      %dma_wait3A_370 = tpu.memref_slice %arg2[%dma_wait3A_368, %dma_wait3A_369] : memref<10000x128xf32, #tpu.memory_space<hbm>> -> memref<10000x128xf32, #tpu.memory_space<hbm>>
      tpu.wait_indirect_dma semaphore(%arg17 : memref<!tpu.dma_semaphore, #tpu.memory_space<semaphore_mem>>) src(%dma_wait3A_370 : memref<10000x128xf32, #tpu.memory_space<hbm>>) dst(%arg11 : memref<100x128xf32, #tpu.memory_space<vmem>>)
      %dma_start3A_371 = arith.constant 0 : i32
      %dma_start3A_372 = tpu.memref_slice %arg13[%dma_start3A_371] : memref<128xf32, #tpu.memory_space<vmem>> -> memref<100xf32, #tpu.memory_space<vmem>>
      %dma_start3A_373 = arith.constant 0 : i32
      %dma_start3A_374 = tpu.memref_slice %arg9[%add3A_364, %dma_start3A_373] : memref<25x100xi32, #tpu.memory_space<vmem>> -> memref<1x100xi32, #tpu.memory_space<vmem>>
      %dma_start3A_375 = tpu.memref_squeeze %dma_start3A_374 : memref<1x100xi32, #tpu.memory_space<vmem>> -> memref<100xi32, #tpu.memory_space<vmem>>
      %dma_start3A_376 = arith.constant 0 : i32
      %dma_start3A_377 = tpu.memref_slice %arg15[%dma_start3A_376] : memref<10240xf32, #tpu.memory_space<vmem_shared>> -> memref<10240xf32, #tpu.memory_space<vmem_shared>>
      tpu.enqueue_indirect_dma source(%dma_start3A_372 : memref<100xf32, #tpu.memory_space<vmem>>) target(%dma_start3A_377 : memref<10240xf32, #tpu.memory_space<vmem_shared>>) offsets(%dma_start3A_375 : memref<100xi32, #tpu.memory_space<vmem>>) semaphore(%arg19 : memref<!tpu.dma_semaphore, #tpu.memory_space<semaphore_mem>>) {add = true}
      "tpu.region"() ({
        %run_scoped3A_414 = tpu.sem_alloc : memref<!tpu.dma_semaphore, #tpu.memory_space<semaphore_mem>>
        %dma_start3A_415 = arith.constant 0 : i32
        %dma_start3A_416 = tpu.memref_slice %arg9[%add3A_364, %dma_start3A_415] : memref<25x100xi32, #tpu.memory_space<vmem>> -> memref<1x100xi32, #tpu.memory_space<vmem>>
        %dma_start3A_417 = tpu.memref_squeeze %dma_start3A_416 : memref<1x100xi32, #tpu.memory_space<vmem>> -> memref<100xi32, #tpu.memory_space<vmem>>
        %dma_start3A_418 = arith.constant 0 : i32
        %dma_start3A_419 = arith.constant 0 : i32
        %dma_start3A_420 = tpu.memref_slice %arg14[%dma_start3A_418, %dma_start3A_419] : memref<10240x128xf32, #tpu.memory_space<vmem_shared>> -> memref<10240x128xf32, #tpu.memory_space<vmem_shared>>
        tpu.enqueue_indirect_dma source(%arg11 : memref<100x128xf32, #tpu.memory_space<vmem>>) target(%dma_start3A_420 : memref<10240x128xf32, #tpu.memory_space<vmem_shared>>) offsets(%dma_start3A_417 : memref<100xi32, #tpu.memory_space<vmem>>) semaphore(%run_scoped3A_414 : memref<!tpu.dma_semaphore, #tpu.memory_space<semaphore_mem>>) {add = true}
        %dma_wait3A_421 = arith.constant 0 : i32
        %dma_wait3A_422 = tpu.memref_slice %arg9[%add3A_364, %dma_wait3A_421] : memref<25x100xi32, #tpu.memory_space<vmem>> -> memref<1x100xi32, #tpu.memory_space<vmem>>
        %dma_wait3A_423 = tpu.memref_squeeze %dma_wait3A_422 : memref<1x100xi32, #tpu.memory_space<vmem>> -> memref<100xi32, #tpu.memory_space<vmem>>
        %dma_wait3A_424 = arith.constant 0 : i32
        %dma_wait3A_425 = arith.constant 0 : i32
        %dma_wait3A_426 = tpu.memref_slice %arg14[%dma_wait3A_424, %dma_wait3A_425] : memref<10240x128xf32, #tpu.memory_space<vmem_shared>> -> memref<10240x128xf32, #tpu.memory_space<vmem_shared>>
        tpu.wait_indirect_dma semaphore(%run_scoped3A_414 : memref<!tpu.dma_semaphore, #tpu.memory_space<semaphore_mem>>) src(%arg11 : memref<100x128xf32, #tpu.memory_space<vmem>>) dst(%dma_wait3A_426 : memref<10240x128xf32, #tpu.memory_space<vmem_shared>>)
        tpu.yield
      }) : () -> ()
      %dma_wait3A_378 = arith.constant 0 : i32
      %dma_wait3A_379 = tpu.memref_slice %arg13[%dma_wait3A_378] : memref<128xf32, #tpu.memory_space<vmem>> -> memref<100xf32, #tpu.memory_space<vmem>>
      %dma_wait3A_380 = arith.constant 0 : i32
      %dma_wait3A_381 = tpu.memref_slice %arg9[%add3A_364, %dma_wait3A_380] : memref<25x100xi32, #tpu.memory_space<vmem>> -> memref<1x100xi32, #tpu.memory_space<vmem>>
      %dma_wait3A_382 = tpu.memref_squeeze %dma_wait3A_381 : memref<1x100xi32, #tpu.memory_space<vmem>> -> memref<100xi32, #tpu.memory_space<vmem>>
      %dma_wait3A_383 = arith.constant 0 : i32
      %dma_wait3A_384 = tpu.memref_slice %arg15[%dma_wait3A_383] : memref<10240xf32, #tpu.memory_space<vmem_shared>> -> memref<10240xf32, #tpu.memory_space<vmem_shared>>
      tpu.wait_indirect_dma semaphore(%arg19 : memref<!tpu.dma_semaphore, #tpu.memory_space<semaphore_mem>>) src(%dma_wait3A_379 : memref<100xf32, #tpu.memory_space<vmem>>) dst(%dma_wait3A_384 : memref<10240xf32, #tpu.memory_space<vmem_shared>>)
      %lt3A = arith.constant 7 : i32
      %lt3A_385 = arith.cmpi slt, %scan3A_332, %lt3A : i32
      %convert_element_type3A = arith.extui %lt3A_385 : i1 to i32
      %cond3A = arith.constant 0 : i32
      %cond3A_386 = arith.cmpi ne, %convert_element_type3A, %cond3A : i32
      scf.if %cond3A_386 {
        %add3A_414 = arith.constant 4 : i32
        %add3A_415 = arith.addi %mul3A_334, %add3A_414 : i32
        %dma_start3A_416 = arith.constant 0 : i32
        %dma_start3A_417 = tpu.memref_slice %arg8[%add3A_415, %dma_start3A_416] : memref<25x100xi32, #tpu.memory_space<vmem>> -> memref<1x100xi32, #tpu.memory_space<vmem>>
        %dma_start3A_418 = tpu.memref_squeeze %dma_start3A_417 : memref<1x100xi32, #tpu.memory_space<vmem>> -> memref<100xi32, #tpu.memory_space<vmem>>
        %dma_start3A_419 = arith.constant 0 : i32
        %dma_start3A_420 = arith.constant 0 : i32
        %dma_start3A_421 = tpu.memref_slice %arg2[%dma_start3A_419, %dma_start3A_420] : memref<10000x128xf32, #tpu.memory_space<hbm>> -> memref<10000x128xf32, #tpu.memory_space<hbm>>
        tpu.enqueue_indirect_dma source(%dma_start3A_421 : memref<10000x128xf32, #tpu.memory_space<hbm>>) target(%arg11 : memref<100x128xf32, #tpu.memory_space<vmem>>) offsets(%dma_start3A_418 : memref<100xi32, #tpu.memory_space<vmem>>) semaphore(%arg17 : memref<!tpu.dma_semaphore, #tpu.memory_space<semaphore_mem>>)
      } else {
      }
      %add3A_387 = arith.constant 2 : i32
      %add3A_388 = arith.addi %mul3A_334, %add3A_387 : i32
      %dma_wait3A_389 = arith.constant 0 : i32
      %dma_wait3A_390 = tpu.memref_slice %arg8[%add3A_388, %dma_wait3A_389] : memref<25x100xi32, #tpu.memory_space<vmem>> -> memref<1x100xi32, #tpu.memory_space<vmem>>
      %dma_wait3A_391 = tpu.memref_squeeze %dma_wait3A_390 : memref<1x100xi32, #tpu.memory_space<vmem>> -> memref<100xi32, #tpu.memory_space<vmem>>
      %dma_wait3A_392 = arith.constant 0 : i32
      %dma_wait3A_393 = arith.constant 0 : i32
      %dma_wait3A_394 = tpu.memref_slice %arg2[%dma_wait3A_392, %dma_wait3A_393] : memref<10000x128xf32, #tpu.memory_space<hbm>> -> memref<10000x128xf32, #tpu.memory_space<hbm>>
      tpu.wait_indirect_dma semaphore(%arg18 : memref<!tpu.dma_semaphore, #tpu.memory_space<semaphore_mem>>) src(%dma_wait3A_394 : memref<10000x128xf32, #tpu.memory_space<hbm>>) dst(%arg12 : memref<100x128xf32, #tpu.memory_space<vmem>>)
      %dma_start3A_395 = arith.constant 0 : i32
      %dma_start3A_396 = tpu.memref_slice %arg13[%dma_start3A_395] : memref<128xf32, #tpu.memory_space<vmem>> -> memref<100xf32, #tpu.memory_space<vmem>>
      %dma_start3A_397 = arith.constant 0 : i32
      %dma_start3A_398 = tpu.memref_slice %arg9[%add3A_388, %dma_start3A_397] : memref<25x100xi32, #tpu.memory_space<vmem>> -> memref<1x100xi32, #tpu.memory_space<vmem>>
      %dma_start3A_399 = tpu.memref_squeeze %dma_start3A_398 : memref<1x100xi32, #tpu.memory_space<vmem>> -> memref<100xi32, #tpu.memory_space<vmem>>
      %dma_start3A_400 = arith.constant 0 : i32
      %dma_start3A_401 = tpu.memref_slice %arg15[%dma_start3A_400] : memref<10240xf32, #tpu.memory_space<vmem_shared>> -> memref<10240xf32, #tpu.memory_space<vmem_shared>>
      tpu.enqueue_indirect_dma source(%dma_start3A_396 : memref<100xf32, #tpu.memory_space<vmem>>) target(%dma_start3A_401 : memref<10240xf32, #tpu.memory_space<vmem_shared>>) offsets(%dma_start3A_399 : memref<100xi32, #tpu.memory_space<vmem>>) semaphore(%arg19 : memref<!tpu.dma_semaphore, #tpu.memory_space<semaphore_mem>>) {add = true}
      "tpu.region"() ({
        %run_scoped3A_414 = tpu.sem_alloc : memref<!tpu.dma_semaphore, #tpu.memory_space<semaphore_mem>>
        %dma_start3A_415 = arith.constant 0 : i32
        %dma_start3A_416 = tpu.memref_slice %arg9[%add3A_388, %dma_start3A_415] : memref<25x100xi32, #tpu.memory_space<vmem>> -> memref<1x100xi32, #tpu.memory_space<vmem>>
        %dma_start3A_417 = tpu.memref_squeeze %dma_start3A_416 : memref<1x100xi32, #tpu.memory_space<vmem>> -> memref<100xi32, #tpu.memory_space<vmem>>
        %dma_start3A_418 = arith.constant 0 : i32
        %dma_start3A_419 = arith.constant 0 : i32
        %dma_start3A_420 = tpu.memref_slice %arg14[%dma_start3A_418, %dma_start3A_419] : memref<10240x128xf32, #tpu.memory_space<vmem_shared>> -> memref<10240x128xf32, #tpu.memory_space<vmem_shared>>
        tpu.enqueue_indirect_dma source(%arg12 : memref<100x128xf32, #tpu.memory_space<vmem>>) target(%dma_start3A_420 : memref<10240x128xf32, #tpu.memory_space<vmem_shared>>) offsets(%dma_start3A_417 : memref<100xi32, #tpu.memory_space<vmem>>) semaphore(%run_scoped3A_414 : memref<!tpu.dma_semaphore, #tpu.memory_space<semaphore_mem>>) {add = true}
        %dma_wait3A_421 = arith.constant 0 : i32
        %dma_wait3A_422 = tpu.memref_slice %arg9[%add3A_388, %dma_wait3A_421] : memref<25x100xi32, #tpu.memory_space<vmem>> -> memref<1x100xi32, #tpu.memory_space<vmem>>
        %dma_wait3A_423 = tpu.memref_squeeze %dma_wait3A_422 : memref<1x100xi32, #tpu.memory_space<vmem>> -> memref<100xi32, #tpu.memory_space<vmem>>
        %dma_wait3A_424 = arith.constant 0 : i32
        %dma_wait3A_425 = arith.constant 0 : i32
        %dma_wait3A_426 = tpu.memref_slice %arg14[%dma_wait3A_424, %dma_wait3A_425] : memref<10240x128xf32, #tpu.memory_space<vmem_shared>> -> memref<10240x128xf32, #tpu.memory_space<vmem_shared>>
        tpu.wait_indirect_dma semaphore(%run_scoped3A_414 : memref<!tpu.dma_semaphore, #tpu.memory_space<semaphore_mem>>) src(%arg12 : memref<100x128xf32, #tpu.memory_space<vmem>>) dst(%dma_wait3A_426 : memref<10240x128xf32, #tpu.memory_space<vmem_shared>>)
        tpu.yield
      }) : () -> ()
      %dma_wait3A_402 = arith.constant 0 : i32
      %dma_wait3A_403 = tpu.memref_slice %arg13[%dma_wait3A_402] : memref<128xf32, #tpu.memory_space<vmem>> -> memref<100xf32, #tpu.memory_space<vmem>>
      %dma_wait3A_404 = arith.constant 0 : i32
      %dma_wait3A_405 = tpu.memref_slice %arg9[%add3A_388, %dma_wait3A_404] : memref<25x100xi32, #tpu.memory_space<vmem>> -> memref<1x100xi32, #tpu.memory_space<vmem>>
      %dma_wait3A_406 = tpu.memref_squeeze %dma_wait3A_405 : memref<1x100xi32, #tpu.memory_space<vmem>> -> memref<100xi32, #tpu.memory_space<vmem>>
      %dma_wait3A_407 = arith.constant 0 : i32
      %dma_wait3A_408 = tpu.memref_slice %arg15[%dma_wait3A_407] : memref<10240xf32, #tpu.memory_space<vmem_shared>> -> memref<10240xf32, #tpu.memory_space<vmem_shared>>
      tpu.wait_indirect_dma semaphore(%arg19 : memref<!tpu.dma_semaphore, #tpu.memory_space<semaphore_mem>>) src(%dma_wait3A_403 : memref<100xf32, #tpu.memory_space<vmem>>) dst(%dma_wait3A_408 : memref<10240xf32, #tpu.memory_space<vmem_shared>>)
      %lt3A_409 = arith.constant 7 : i32
      %lt3A_410 = arith.cmpi slt, %scan3A_332, %lt3A_409 : i32
      %convert_element_type3A_411 = arith.extui %lt3A_410 : i1 to i32
      %cond3A_412 = arith.constant 0 : i32
      %cond3A_413 = arith.cmpi ne, %convert_element_type3A_411, %cond3A_412 : i32
      scf.if %cond3A_413 {
        %add3A_414 = arith.constant 5 : i32
        %add3A_415 = arith.addi %mul3A_334, %add3A_414 : i32
        %dma_start3A_416 = arith.constant 0 : i32
        %dma_start3A_417 = tpu.memref_slice %arg8[%add3A_415, %dma_start3A_416] : memref<25x100xi32, #tpu.memory_space<vmem>> -> memref<1x100xi32, #tpu.memory_space<vmem>>
        %dma_start3A_418 = tpu.memref_squeeze %dma_start3A_417 : memref<1x100xi32, #tpu.memory_space<vmem>> -> memref<100xi32, #tpu.memory_space<vmem>>
        %dma_start3A_419 = arith.constant 0 : i32
        %dma_start3A_420 = arith.constant 0 : i32
        %dma_start3A_421 = tpu.memref_slice %arg2[%dma_start3A_419, %dma_start3A_420] : memref<10000x128xf32, #tpu.memory_space<hbm>> -> memref<10000x128xf32, #tpu.memory_space<hbm>>
        tpu.enqueue_indirect_dma source(%dma_start3A_421 : memref<10000x128xf32, #tpu.memory_space<hbm>>) target(%arg12 : memref<100x128xf32, #tpu.memory_space<vmem>>) offsets(%dma_start3A_418 : memref<100xi32, #tpu.memory_space<vmem>>) semaphore(%arg18 : memref<!tpu.dma_semaphore, #tpu.memory_space<semaphore_mem>>)
      } else {
      }
    }
    %scan3A_176 = arith.constant 8 : i32
    %dma_wait3A_177 = arith.constant 24 : i32
    %dma_wait3A_178 = arith.constant 0 : i32
    %dma_wait3A_179 = tpu.memref_slice %arg8[%dma_wait3A_177, %dma_wait3A_178] : memref<25x100xi32, #tpu.memory_space<vmem>> -> memref<1x100xi32, #tpu.memory_space<vmem>>
    %dma_wait3A_180 = tpu.memref_squeeze %dma_wait3A_179 : memref<1x100xi32, #tpu.memory_space<vmem>> -> memref<100xi32, #tpu.memory_space<vmem>>
    %dma_wait3A_181 = arith.constant 0 : i32
    %dma_wait3A_182 = arith.constant 0 : i32
    %dma_wait3A_183 = tpu.memref_slice %arg2[%dma_wait3A_181, %dma_wait3A_182] : memref<10000x128xf32, #tpu.memory_space<hbm>> -> memref<10000x128xf32, #tpu.memory_space<hbm>>
    tpu.wait_indirect_dma semaphore(%arg16 : memref<!tpu.dma_semaphore, #tpu.memory_space<semaphore_mem>>) src(%dma_wait3A_183 : memref<10000x128xf32, #tpu.memory_space<hbm>>) dst(%arg10 : memref<100x128xf32, #tpu.memory_space<vmem>>)
    %dma_start3A_184 = arith.constant 24 : i32
    %dma_start3A_185 = arith.constant 0 : i32
    %dma_start3A_186 = tpu.memref_slice %arg13[%dma_start3A_185] : memref<128xf32, #tpu.memory_space<vmem>> -> memref<100xf32, #tpu.memory_space<vmem>>
    %dma_start3A_187 = arith.constant 0 : i32
    %dma_start3A_188 = tpu.memref_slice %arg9[%dma_start3A_184, %dma_start3A_187] : memref<25x100xi32, #tpu.memory_space<vmem>> -> memref<1x100xi32, #tpu.memory_space<vmem>>
    %dma_start3A_189 = tpu.memref_squeeze %dma_start3A_188 : memref<1x100xi32, #tpu.memory_space<vmem>> -> memref<100xi32, #tpu.memory_space<vmem>>
    %dma_start3A_190 = arith.constant 0 : i32
    %dma_start3A_191 = tpu.memref_slice %arg15[%dma_start3A_190] : memref<10240xf32, #tpu.memory_space<vmem_shared>> -> memref<10240xf32, #tpu.memory_space<vmem_shared>>
    tpu.enqueue_indirect_dma source(%dma_start3A_186 : memref<100xf32, #tpu.memory_space<vmem>>) target(%dma_start3A_191 : memref<10240xf32, #tpu.memory_space<vmem_shared>>) offsets(%dma_start3A_189 : memref<100xi32, #tpu.memory_space<vmem>>) semaphore(%arg19 : memref<!tpu.dma_semaphore, #tpu.memory_space<semaphore_mem>>) {add = true}
    %run_scoped3A_192 = arith.constant 24 : i32
    "tpu.region"() ({
      %run_scoped3A_332 = tpu.sem_alloc : memref<!tpu.dma_semaphore, #tpu.memory_space<semaphore_mem>>
      %dma_start3A_333 = arith.constant 0 : i32
      %dma_start3A_334 = tpu.memref_slice %arg9[%run_scoped3A_192, %dma_start3A_333] : memref<25x100xi32, #tpu.memory_space<vmem>> -> memref<1x100xi32, #tpu.memory_space<vmem>>
      %dma_start3A_335 = tpu.memref_squeeze %dma_start3A_334 : memref<1x100xi32, #tpu.memory_space<vmem>> -> memref<100xi32, #tpu.memory_space<vmem>>
      %dma_start3A_336 = arith.constant 0 : i32
      %dma_start3A_337 = arith.constant 0 : i32
      %dma_start3A_338 = tpu.memref_slice %arg14[%dma_start3A_336, %dma_start3A_337] : memref<10240x128xf32, #tpu.memory_space<vmem_shared>> -> memref<10240x128xf32, #tpu.memory_space<vmem_shared>>
      tpu.enqueue_indirect_dma source(%arg10 : memref<100x128xf32, #tpu.memory_space<vmem>>) target(%dma_start3A_338 : memref<10240x128xf32, #tpu.memory_space<vmem_shared>>) offsets(%dma_start3A_335 : memref<100xi32, #tpu.memory_space<vmem>>) semaphore(%run_scoped3A_332 : memref<!tpu.dma_semaphore, #tpu.memory_space<semaphore_mem>>) {add = true}
      %dma_wait3A_339 = arith.constant 0 : i32
      %dma_wait3A_340 = tpu.memref_slice %arg9[%run_scoped3A_192, %dma_wait3A_339] : memref<25x100xi32, #tpu.memory_space<vmem>> -> memref<1x100xi32, #tpu.memory_space<vmem>>
      %dma_wait3A_341 = tpu.memref_squeeze %dma_wait3A_340 : memref<1x100xi32, #tpu.memory_space<vmem>> -> memref<100xi32, #tpu.memory_space<vmem>>
      %dma_wait3A_342 = arith.constant 0 : i32
      %dma_wait3A_343 = arith.constant 0 : i32
      %dma_wait3A_344 = tpu.memref_slice %arg14[%dma_wait3A_342, %dma_wait3A_343] : memref<10240x128xf32, #tpu.memory_space<vmem_shared>> -> memref<10240x128xf32, #tpu.memory_space<vmem_shared>>
      tpu.wait_indirect_dma semaphore(%run_scoped3A_332 : memref<!tpu.dma_semaphore, #tpu.memory_space<semaphore_mem>>) src(%arg10 : memref<100x128xf32, #tpu.memory_space<vmem>>) dst(%dma_wait3A_344 : memref<10240x128xf32, #tpu.memory_space<vmem_shared>>)
      tpu.yield
    }) : () -> ()
    %dma_wait3A_193 = arith.constant 24 : i32
    %dma_wait3A_194 = arith.constant 0 : i32
    %dma_wait3A_195 = tpu.memref_slice %arg13[%dma_wait3A_194] : memref<128xf32, #tpu.memory_space<vmem>> -> memref<100xf32, #tpu.memory_space<vmem>>
    %dma_wait3A_196 = arith.constant 0 : i32
    %dma_wait3A_197 = tpu.memref_slice %arg9[%dma_wait3A_193, %dma_wait3A_196] : memref<25x100xi32, #tpu.memory_space<vmem>> -> memref<1x100xi32, #tpu.memory_space<vmem>>
    %dma_wait3A_198 = tpu.memref_squeeze %dma_wait3A_197 : memref<1x100xi32, #tpu.memory_space<vmem>> -> memref<100xi32, #tpu.memory_space<vmem>>
    %dma_wait3A_199 = arith.constant 0 : i32
    %dma_wait3A_200 = tpu.memref_slice %arg15[%dma_wait3A_199] : memref<10240xf32, #tpu.memory_space<vmem_shared>> -> memref<10240xf32, #tpu.memory_space<vmem_shared>>
    tpu.wait_indirect_dma semaphore(%arg19 : memref<!tpu.dma_semaphore, #tpu.memory_space<semaphore_mem>>) src(%dma_wait3A_195 : memref<100xf32, #tpu.memory_space<vmem>>) dst(%dma_wait3A_200 : memref<10240xf32, #tpu.memory_space<vmem_shared>>)
    %mul3A_201 = arith.constant 4 : i32
    %mul3A_202 = arith.muli %add3A, %mul3A_201 : i32
    %add3A_203 = arith.constant 2 : i32
    %add3A_204 = arith.addi %mul3A_202, %add3A_203 : i32
    "tpu.region"() ({
      %run_scoped3A_332 = tpu.sem_alloc : memref<!tpu.dma_semaphore, #tpu.memory_space<semaphore_mem>>
      %dma_start3A_333 = arith.constant 0 : i32
      %dma_start3A_334 = arith.constant 0 : i32
      %dma_start3A_335 = tpu.memref_slice %arg3[%add3A_204, %dma_start3A_333, %dma_start3A_334] : memref<256x25x100xi32, #tpu.memory_space<hbm>> -> memref<1x25x100xi32, #tpu.memory_space<hbm>>
      %dma_start3A_336 = tpu.memref_squeeze %dma_start3A_335 : memref<1x25x100xi32, #tpu.memory_space<hbm>> -> memref<25x100xi32, #tpu.memory_space<hbm>>
      %dma_start3A_337 = arith.constant 0 : i32
      %dma_start3A_338 = arith.constant 0 : i32
      %dma_start3A_339 = tpu.memref_slice %arg3[%add3A_204, %dma_start3A_337, %dma_start3A_338] : memref<256x25x100xi32, #tpu.memory_space<hbm>> -> memref<1x25x100xi32, #tpu.memory_space<hbm>>
      %dma_start3A_340 = tpu.memref_squeeze %dma_start3A_339 : memref<1x25x100xi32, #tpu.memory_space<hbm>> -> memref<25x100xi32, #tpu.memory_space<hbm>>
      tpu.enqueue_dma source(%dma_start3A_340 : memref<25x100xi32, #tpu.memory_space<hbm>>) target(%arg8 : memref<25x100xi32, #tpu.memory_space<vmem>>) target_semaphore(%run_scoped3A_332 : memref<!tpu.dma_semaphore, #tpu.memory_space<semaphore_mem>>)
      %dma_wait3A_341 = arith.constant 0 : i32
      %dma_wait3A_342 = arith.constant 0 : i32
      %dma_wait3A_343 = tpu.memref_slice %arg3[%add3A_204, %dma_wait3A_341, %dma_wait3A_342] : memref<256x25x100xi32, #tpu.memory_space<hbm>> -> memref<1x25x100xi32, #tpu.memory_space<hbm>>
      %dma_wait3A_344 = tpu.memref_squeeze %dma_wait3A_343 : memref<1x25x100xi32, #tpu.memory_space<hbm>> -> memref<25x100xi32, #tpu.memory_space<hbm>>
      %dma_wait3A_345 = arith.constant 0 : i32
      %dma_wait3A_346 = arith.constant 0 : i32
      %dma_wait3A_347 = tpu.memref_slice %arg3[%add3A_204, %dma_wait3A_345, %dma_wait3A_346] : memref<256x25x100xi32, #tpu.memory_space<hbm>> -> memref<1x25x100xi32, #tpu.memory_space<hbm>>
      %dma_wait3A_348 = tpu.memref_squeeze %dma_wait3A_347 : memref<1x25x100xi32, #tpu.memory_space<hbm>> -> memref<25x100xi32, #tpu.memory_space<hbm>>
      tpu.wait_dma2 semaphore(%run_scoped3A_332 : memref<!tpu.dma_semaphore, #tpu.memory_space<semaphore_mem>>) src(%dma_wait3A_348 : memref<25x100xi32, #tpu.memory_space<hbm>>) dst(%arg8 : memref<25x100xi32, #tpu.memory_space<vmem>>)
      tpu.yield
    }) : () -> ()
    %mul3A_205 = arith.constant 4 : i32
    %mul3A_206 = arith.muli %add3A, %mul3A_205 : i32
    %add3A_207 = arith.constant 128 : i32
    %add3A_208 = arith.addi %add3A_207, %mul3A_206 : i32
    %add3A_209 = arith.constant 2 : i32
    %add3A_210 = arith.addi %add3A_208, %add3A_209 : i32
    "tpu.region"() ({
      %run_scoped3A_332 = tpu.sem_alloc : memref<!tpu.dma_semaphore, #tpu.memory_space<semaphore_mem>>
      %dma_start3A_333 = arith.constant 0 : i32
      %dma_start3A_334 = arith.constant 0 : i32
      %dma_start3A_335 = tpu.memref_slice %arg3[%add3A_210, %dma_start3A_333, %dma_start3A_334] : memref<256x25x100xi32, #tpu.memory_space<hbm>> -> memref<1x25x100xi32, #tpu.memory_space<hbm>>
      %dma_start3A_336 = tpu.memref_squeeze %dma_start3A_335 : memref<1x25x100xi32, #tpu.memory_space<hbm>> -> memref<25x100xi32, #tpu.memory_space<hbm>>
      %dma_start3A_337 = arith.constant 0 : i32
      %dma_start3A_338 = arith.constant 0 : i32
      %dma_start3A_339 = tpu.memref_slice %arg3[%add3A_210, %dma_start3A_337, %dma_start3A_338] : memref<256x25x100xi32, #tpu.memory_space<hbm>> -> memref<1x25x100xi32, #tpu.memory_space<hbm>>
      %dma_start3A_340 = tpu.memref_squeeze %dma_start3A_339 : memref<1x25x100xi32, #tpu.memory_space<hbm>> -> memref<25x100xi32, #tpu.memory_space<hbm>>
      tpu.enqueue_dma source(%dma_start3A_340 : memref<25x100xi32, #tpu.memory_space<hbm>>) target(%arg9 : memref<25x100xi32, #tpu.memory_space<vmem>>) target_semaphore(%run_scoped3A_332 : memref<!tpu.dma_semaphore, #tpu.memory_space<semaphore_mem>>)
      %dma_wait3A_341 = arith.constant 0 : i32
      %dma_wait3A_342 = arith.constant 0 : i32
      %dma_wait3A_343 = tpu.memref_slice %arg3[%add3A_210, %dma_wait3A_341, %dma_wait3A_342] : memref<256x25x100xi32, #tpu.memory_space<hbm>> -> memref<1x25x100xi32, #tpu.memory_space<hbm>>
      %dma_wait3A_344 = tpu.memref_squeeze %dma_wait3A_343 : memref<1x25x100xi32, #tpu.memory_space<hbm>> -> memref<25x100xi32, #tpu.memory_space<hbm>>
      %dma_wait3A_345 = arith.constant 0 : i32
      %dma_wait3A_346 = arith.constant 0 : i32
      %dma_wait3A_347 = tpu.memref_slice %arg3[%add3A_210, %dma_wait3A_345, %dma_wait3A_346] : memref<256x25x100xi32, #tpu.memory_space<hbm>> -> memref<1x25x100xi32, #tpu.memory_space<hbm>>
      %dma_wait3A_348 = tpu.memref_squeeze %dma_wait3A_347 : memref<1x25x100xi32, #tpu.memory_space<hbm>> -> memref<25x100xi32, #tpu.memory_space<hbm>>
      tpu.wait_dma2 semaphore(%run_scoped3A_332 : memref<!tpu.dma_semaphore, #tpu.memory_space<semaphore_mem>>) src(%dma_wait3A_348 : memref<25x100xi32, #tpu.memory_space<hbm>>) dst(%arg9 : memref<25x100xi32, #tpu.memory_space<vmem>>)
      tpu.yield
    }) : () -> ()
    %dma_start3A_211 = arith.constant 0 : i32
    %dma_start3A_212 = arith.constant 0 : i32
    %dma_start3A_213 = tpu.memref_slice %arg8[%dma_start3A_211, %dma_start3A_212] : memref<25x100xi32, #tpu.memory_space<vmem>> -> memref<1x100xi32, #tpu.memory_space<vmem>>
    %dma_start3A_214 = tpu.memref_squeeze %dma_start3A_213 : memref<1x100xi32, #tpu.memory_space<vmem>> -> memref<100xi32, #tpu.memory_space<vmem>>
    %dma_start3A_215 = arith.constant 0 : i32
    %dma_start3A_216 = arith.constant 0 : i32
    %dma_start3A_217 = tpu.memref_slice %arg2[%dma_start3A_215, %dma_start3A_216] : memref<10000x128xf32, #tpu.memory_space<hbm>> -> memref<10000x128xf32, #tpu.memory_space<hbm>>
    tpu.enqueue_indirect_dma source(%dma_start3A_217 : memref<10000x128xf32, #tpu.memory_space<hbm>>) target(%arg10 : memref<100x128xf32, #tpu.memory_space<vmem>>) offsets(%dma_start3A_214 : memref<100xi32, #tpu.memory_space<vmem>>) semaphore(%arg16 : memref<!tpu.dma_semaphore, #tpu.memory_space<semaphore_mem>>)
    %dma_start3A_218 = arith.constant 1 : i32
    %dma_start3A_219 = arith.constant 0 : i32
    %dma_start3A_220 = tpu.memref_slice %arg8[%dma_start3A_218, %dma_start3A_219] : memref<25x100xi32, #tpu.memory_space<vmem>> -> memref<1x100xi32, #tpu.memory_space<vmem>>
    %dma_start3A_221 = tpu.memref_squeeze %dma_start3A_220 : memref<1x100xi32, #tpu.memory_space<vmem>> -> memref<100xi32, #tpu.memory_space<vmem>>
    %dma_start3A_222 = arith.constant 0 : i32
    %dma_start3A_223 = arith.constant 0 : i32
    %dma_start3A_224 = tpu.memref_slice %arg2[%dma_start3A_222, %dma_start3A_223] : memref<10000x128xf32, #tpu.memory_space<hbm>> -> memref<10000x128xf32, #tpu.memory_space<hbm>>
    tpu.enqueue_indirect_dma source(%dma_start3A_224 : memref<10000x128xf32, #tpu.memory_space<hbm>>) target(%arg11 : memref<100x128xf32, #tpu.memory_space<vmem>>) offsets(%dma_start3A_221 : memref<100xi32, #tpu.memory_space<vmem>>) semaphore(%arg17 : memref<!tpu.dma_semaphore, #tpu.memory_space<semaphore_mem>>)
    %dma_start3A_225 = arith.constant 2 : i32
    %dma_start3A_226 = arith.constant 0 : i32
    %dma_start3A_227 = tpu.memref_slice %arg8[%dma_start3A_225, %dma_start3A_226] : memref<25x100xi32, #tpu.memory_space<vmem>> -> memref<1x100xi32, #tpu.memory_space<vmem>>
    %dma_start3A_228 = tpu.memref_squeeze %dma_start3A_227 : memref<1x100xi32, #tpu.memory_space<vmem>> -> memref<100xi32, #tpu.memory_space<vmem>>
    %dma_start3A_229 = arith.constant 0 : i32
    %dma_start3A_230 = arith.constant 0 : i32
    %dma_start3A_231 = tpu.memref_slice %arg2[%dma_start3A_229, %dma_start3A_230] : memref<10000x128xf32, #tpu.memory_space<hbm>> -> memref<10000x128xf32, #tpu.memory_space<hbm>>
    tpu.enqueue_indirect_dma source(%dma_start3A_231 : memref<10000x128xf32, #tpu.memory_space<hbm>>) target(%arg12 : memref<100x128xf32, #tpu.memory_space<vmem>>) offsets(%dma_start3A_228 : memref<100xi32, #tpu.memory_space<vmem>>) semaphore(%arg18 : memref<!tpu.dma_semaphore, #tpu.memory_space<semaphore_mem>>)
    %scan3A_232 = arith.constant 0 : i32
    %scan3A_233 = arith.constant 0 : i32
    %scan3A_234 = arith.constant 8 : i32
    %scan3A_235 = arith.addi %scan3A_233, %scan3A_234 : i32
    %scan3A_236 = arith.constant 1 : i32
    scf.for %scan3A_332 = %scan3A_233 to %scan3A_235 step %scan3A_236  : i32 {
      %mul3A_333 = arith.constant 3 : i32
      %mul3A_334 = arith.muli %mul3A_333, %scan3A_332 : i32
      %dma_wait3A_335 = arith.constant 0 : i32
      %dma_wait3A_336 = tpu.memref_slice %arg8[%mul3A_334, %dma_wait3A_335] : memref<25x100xi32, #tpu.memory_space<vmem>> -> memref<1x100xi32, #tpu.memory_space<vmem>>
      %dma_wait3A_337 = tpu.memref_squeeze %dma_wait3A_336 : memref<1x100xi32, #tpu.memory_space<vmem>> -> memref<100xi32, #tpu.memory_space<vmem>>
      %dma_wait3A_338 = arith.constant 0 : i32
      %dma_wait3A_339 = arith.constant 0 : i32
      %dma_wait3A_340 = tpu.memref_slice %arg2[%dma_wait3A_338, %dma_wait3A_339] : memref<10000x128xf32, #tpu.memory_space<hbm>> -> memref<10000x128xf32, #tpu.memory_space<hbm>>
      tpu.wait_indirect_dma semaphore(%arg16 : memref<!tpu.dma_semaphore, #tpu.memory_space<semaphore_mem>>) src(%dma_wait3A_340 : memref<10000x128xf32, #tpu.memory_space<hbm>>) dst(%arg10 : memref<100x128xf32, #tpu.memory_space<vmem>>)
      %dma_start3A_341 = arith.constant 0 : i32
      %dma_start3A_342 = tpu.memref_slice %arg13[%dma_start3A_341] : memref<128xf32, #tpu.memory_space<vmem>> -> memref<100xf32, #tpu.memory_space<vmem>>
      %dma_start3A_343 = arith.constant 0 : i32
      %dma_start3A_344 = tpu.memref_slice %arg9[%mul3A_334, %dma_start3A_343] : memref<25x100xi32, #tpu.memory_space<vmem>> -> memref<1x100xi32, #tpu.memory_space<vmem>>
      %dma_start3A_345 = tpu.memref_squeeze %dma_start3A_344 : memref<1x100xi32, #tpu.memory_space<vmem>> -> memref<100xi32, #tpu.memory_space<vmem>>
      %dma_start3A_346 = arith.constant 0 : i32
      %dma_start3A_347 = tpu.memref_slice %arg15[%dma_start3A_346] : memref<10240xf32, #tpu.memory_space<vmem_shared>> -> memref<10240xf32, #tpu.memory_space<vmem_shared>>
      tpu.enqueue_indirect_dma source(%dma_start3A_342 : memref<100xf32, #tpu.memory_space<vmem>>) target(%dma_start3A_347 : memref<10240xf32, #tpu.memory_space<vmem_shared>>) offsets(%dma_start3A_345 : memref<100xi32, #tpu.memory_space<vmem>>) semaphore(%arg19 : memref<!tpu.dma_semaphore, #tpu.memory_space<semaphore_mem>>) {add = true}
      "tpu.region"() ({
        %run_scoped3A_414 = tpu.sem_alloc : memref<!tpu.dma_semaphore, #tpu.memory_space<semaphore_mem>>
        %dma_start3A_415 = arith.constant 0 : i32
        %dma_start3A_416 = tpu.memref_slice %arg9[%mul3A_334, %dma_start3A_415] : memref<25x100xi32, #tpu.memory_space<vmem>> -> memref<1x100xi32, #tpu.memory_space<vmem>>
        %dma_start3A_417 = tpu.memref_squeeze %dma_start3A_416 : memref<1x100xi32, #tpu.memory_space<vmem>> -> memref<100xi32, #tpu.memory_space<vmem>>
        %dma_start3A_418 = arith.constant 0 : i32
        %dma_start3A_419 = arith.constant 0 : i32
        %dma_start3A_420 = tpu.memref_slice %arg14[%dma_start3A_418, %dma_start3A_419] : memref<10240x128xf32, #tpu.memory_space<vmem_shared>> -> memref<10240x128xf32, #tpu.memory_space<vmem_shared>>
        tpu.enqueue_indirect_dma source(%arg10 : memref<100x128xf32, #tpu.memory_space<vmem>>) target(%dma_start3A_420 : memref<10240x128xf32, #tpu.memory_space<vmem_shared>>) offsets(%dma_start3A_417 : memref<100xi32, #tpu.memory_space<vmem>>) semaphore(%run_scoped3A_414 : memref<!tpu.dma_semaphore, #tpu.memory_space<semaphore_mem>>) {add = true}
        %dma_wait3A_421 = arith.constant 0 : i32
        %dma_wait3A_422 = tpu.memref_slice %arg9[%mul3A_334, %dma_wait3A_421] : memref<25x100xi32, #tpu.memory_space<vmem>> -> memref<1x100xi32, #tpu.memory_space<vmem>>
        %dma_wait3A_423 = tpu.memref_squeeze %dma_wait3A_422 : memref<1x100xi32, #tpu.memory_space<vmem>> -> memref<100xi32, #tpu.memory_space<vmem>>
        %dma_wait3A_424 = arith.constant 0 : i32
        %dma_wait3A_425 = arith.constant 0 : i32
        %dma_wait3A_426 = tpu.memref_slice %arg14[%dma_wait3A_424, %dma_wait3A_425] : memref<10240x128xf32, #tpu.memory_space<vmem_shared>> -> memref<10240x128xf32, #tpu.memory_space<vmem_shared>>
        tpu.wait_indirect_dma semaphore(%run_scoped3A_414 : memref<!tpu.dma_semaphore, #tpu.memory_space<semaphore_mem>>) src(%arg10 : memref<100x128xf32, #tpu.memory_space<vmem>>) dst(%dma_wait3A_426 : memref<10240x128xf32, #tpu.memory_space<vmem_shared>>)
        tpu.yield
      }) : () -> ()
      %dma_wait3A_348 = arith.constant 0 : i32
      %dma_wait3A_349 = tpu.memref_slice %arg13[%dma_wait3A_348] : memref<128xf32, #tpu.memory_space<vmem>> -> memref<100xf32, #tpu.memory_space<vmem>>
      %dma_wait3A_350 = arith.constant 0 : i32
      %dma_wait3A_351 = tpu.memref_slice %arg9[%mul3A_334, %dma_wait3A_350] : memref<25x100xi32, #tpu.memory_space<vmem>> -> memref<1x100xi32, #tpu.memory_space<vmem>>
      %dma_wait3A_352 = tpu.memref_squeeze %dma_wait3A_351 : memref<1x100xi32, #tpu.memory_space<vmem>> -> memref<100xi32, #tpu.memory_space<vmem>>
      %dma_wait3A_353 = arith.constant 0 : i32
      %dma_wait3A_354 = tpu.memref_slice %arg15[%dma_wait3A_353] : memref<10240xf32, #tpu.memory_space<vmem_shared>> -> memref<10240xf32, #tpu.memory_space<vmem_shared>>
      tpu.wait_indirect_dma semaphore(%arg19 : memref<!tpu.dma_semaphore, #tpu.memory_space<semaphore_mem>>) src(%dma_wait3A_349 : memref<100xf32, #tpu.memory_space<vmem>>) dst(%dma_wait3A_354 : memref<10240xf32, #tpu.memory_space<vmem_shared>>)
      %add3A_355 = arith.constant 3 : i32
      %add3A_356 = arith.addi %mul3A_334, %add3A_355 : i32
      %dma_start3A_357 = arith.constant 0 : i32
      %dma_start3A_358 = tpu.memref_slice %arg8[%add3A_356, %dma_start3A_357] : memref<25x100xi32, #tpu.memory_space<vmem>> -> memref<1x100xi32, #tpu.memory_space<vmem>>
      %dma_start3A_359 = tpu.memref_squeeze %dma_start3A_358 : memref<1x100xi32, #tpu.memory_space<vmem>> -> memref<100xi32, #tpu.memory_space<vmem>>
      %dma_start3A_360 = arith.constant 0 : i32
      %dma_start3A_361 = arith.constant 0 : i32
      %dma_start3A_362 = tpu.memref_slice %arg2[%dma_start3A_360, %dma_start3A_361] : memref<10000x128xf32, #tpu.memory_space<hbm>> -> memref<10000x128xf32, #tpu.memory_space<hbm>>
      tpu.enqueue_indirect_dma source(%dma_start3A_362 : memref<10000x128xf32, #tpu.memory_space<hbm>>) target(%arg10 : memref<100x128xf32, #tpu.memory_space<vmem>>) offsets(%dma_start3A_359 : memref<100xi32, #tpu.memory_space<vmem>>) semaphore(%arg16 : memref<!tpu.dma_semaphore, #tpu.memory_space<semaphore_mem>>)
      %add3A_363 = arith.constant 1 : i32
      %add3A_364 = arith.addi %mul3A_334, %add3A_363 : i32
      %dma_wait3A_365 = arith.constant 0 : i32
      %dma_wait3A_366 = tpu.memref_slice %arg8[%add3A_364, %dma_wait3A_365] : memref<25x100xi32, #tpu.memory_space<vmem>> -> memref<1x100xi32, #tpu.memory_space<vmem>>
      %dma_wait3A_367 = tpu.memref_squeeze %dma_wait3A_366 : memref<1x100xi32, #tpu.memory_space<vmem>> -> memref<100xi32, #tpu.memory_space<vmem>>
      %dma_wait3A_368 = arith.constant 0 : i32
      %dma_wait3A_369 = arith.constant 0 : i32
      %dma_wait3A_370 = tpu.memref_slice %arg2[%dma_wait3A_368, %dma_wait3A_369] : memref<10000x128xf32, #tpu.memory_space<hbm>> -> memref<10000x128xf32, #tpu.memory_space<hbm>>
      tpu.wait_indirect_dma semaphore(%arg17 : memref<!tpu.dma_semaphore, #tpu.memory_space<semaphore_mem>>) src(%dma_wait3A_370 : memref<10000x128xf32, #tpu.memory_space<hbm>>) dst(%arg11 : memref<100x128xf32, #tpu.memory_space<vmem>>)
      %dma_start3A_371 = arith.constant 0 : i32
      %dma_start3A_372 = tpu.memref_slice %arg13[%dma_start3A_371] : memref<128xf32, #tpu.memory_space<vmem>> -> memref<100xf32, #tpu.memory_space<vmem>>
      %dma_start3A_373 = arith.constant 0 : i32
      %dma_start3A_374 = tpu.memref_slice %arg9[%add3A_364, %dma_start3A_373] : memref<25x100xi32, #tpu.memory_space<vmem>> -> memref<1x100xi32, #tpu.memory_space<vmem>>
      %dma_start3A_375 = tpu.memref_squeeze %dma_start3A_374 : memref<1x100xi32, #tpu.memory_space<vmem>> -> memref<100xi32, #tpu.memory_space<vmem>>
      %dma_start3A_376 = arith.constant 0 : i32
      %dma_start3A_377 = tpu.memref_slice %arg15[%dma_start3A_376] : memref<10240xf32, #tpu.memory_space<vmem_shared>> -> memref<10240xf32, #tpu.memory_space<vmem_shared>>
      tpu.enqueue_indirect_dma source(%dma_start3A_372 : memref<100xf32, #tpu.memory_space<vmem>>) target(%dma_start3A_377 : memref<10240xf32, #tpu.memory_space<vmem_shared>>) offsets(%dma_start3A_375 : memref<100xi32, #tpu.memory_space<vmem>>) semaphore(%arg19 : memref<!tpu.dma_semaphore, #tpu.memory_space<semaphore_mem>>) {add = true}
      "tpu.region"() ({
        %run_scoped3A_414 = tpu.sem_alloc : memref<!tpu.dma_semaphore, #tpu.memory_space<semaphore_mem>>
        %dma_start3A_415 = arith.constant 0 : i32
        %dma_start3A_416 = tpu.memref_slice %arg9[%add3A_364, %dma_start3A_415] : memref<25x100xi32, #tpu.memory_space<vmem>> -> memref<1x100xi32, #tpu.memory_space<vmem>>
        %dma_start3A_417 = tpu.memref_squeeze %dma_start3A_416 : memref<1x100xi32, #tpu.memory_space<vmem>> -> memref<100xi32, #tpu.memory_space<vmem>>
        %dma_start3A_418 = arith.constant 0 : i32
        %dma_start3A_419 = arith.constant 0 : i32
        %dma_start3A_420 = tpu.memref_slice %arg14[%dma_start3A_418, %dma_start3A_419] : memref<10240x128xf32, #tpu.memory_space<vmem_shared>> -> memref<10240x128xf32, #tpu.memory_space<vmem_shared>>
        tpu.enqueue_indirect_dma source(%arg11 : memref<100x128xf32, #tpu.memory_space<vmem>>) target(%dma_start3A_420 : memref<10240x128xf32, #tpu.memory_space<vmem_shared>>) offsets(%dma_start3A_417 : memref<100xi32, #tpu.memory_space<vmem>>) semaphore(%run_scoped3A_414 : memref<!tpu.dma_semaphore, #tpu.memory_space<semaphore_mem>>) {add = true}
        %dma_wait3A_421 = arith.constant 0 : i32
        %dma_wait3A_422 = tpu.memref_slice %arg9[%add3A_364, %dma_wait3A_421] : memref<25x100xi32, #tpu.memory_space<vmem>> -> memref<1x100xi32, #tpu.memory_space<vmem>>
        %dma_wait3A_423 = tpu.memref_squeeze %dma_wait3A_422 : memref<1x100xi32, #tpu.memory_space<vmem>> -> memref<100xi32, #tpu.memory_space<vmem>>
        %dma_wait3A_424 = arith.constant 0 : i32
        %dma_wait3A_425 = arith.constant 0 : i32
        %dma_wait3A_426 = tpu.memref_slice %arg14[%dma_wait3A_424, %dma_wait3A_425] : memref<10240x128xf32, #tpu.memory_space<vmem_shared>> -> memref<10240x128xf32, #tpu.memory_space<vmem_shared>>
        tpu.wait_indirect_dma semaphore(%run_scoped3A_414 : memref<!tpu.dma_semaphore, #tpu.memory_space<semaphore_mem>>) src(%arg11 : memref<100x128xf32, #tpu.memory_space<vmem>>) dst(%dma_wait3A_426 : memref<10240x128xf32, #tpu.memory_space<vmem_shared>>)
        tpu.yield
      }) : () -> ()
      %dma_wait3A_378 = arith.constant 0 : i32
      %dma_wait3A_379 = tpu.memref_slice %arg13[%dma_wait3A_378] : memref<128xf32, #tpu.memory_space<vmem>> -> memref<100xf32, #tpu.memory_space<vmem>>
      %dma_wait3A_380 = arith.constant 0 : i32
      %dma_wait3A_381 = tpu.memref_slice %arg9[%add3A_364, %dma_wait3A_380] : memref<25x100xi32, #tpu.memory_space<vmem>> -> memref<1x100xi32, #tpu.memory_space<vmem>>
      %dma_wait3A_382 = tpu.memref_squeeze %dma_wait3A_381 : memref<1x100xi32, #tpu.memory_space<vmem>> -> memref<100xi32, #tpu.memory_space<vmem>>
      %dma_wait3A_383 = arith.constant 0 : i32
      %dma_wait3A_384 = tpu.memref_slice %arg15[%dma_wait3A_383] : memref<10240xf32, #tpu.memory_space<vmem_shared>> -> memref<10240xf32, #tpu.memory_space<vmem_shared>>
      tpu.wait_indirect_dma semaphore(%arg19 : memref<!tpu.dma_semaphore, #tpu.memory_space<semaphore_mem>>) src(%dma_wait3A_379 : memref<100xf32, #tpu.memory_space<vmem>>) dst(%dma_wait3A_384 : memref<10240xf32, #tpu.memory_space<vmem_shared>>)
      %lt3A = arith.constant 7 : i32
      %lt3A_385 = arith.cmpi slt, %scan3A_332, %lt3A : i32
      %convert_element_type3A = arith.extui %lt3A_385 : i1 to i32
      %cond3A = arith.constant 0 : i32
      %cond3A_386 = arith.cmpi ne, %convert_element_type3A, %cond3A : i32
      scf.if %cond3A_386 {
        %add3A_414 = arith.constant 4 : i32
        %add3A_415 = arith.addi %mul3A_334, %add3A_414 : i32
        %dma_start3A_416 = arith.constant 0 : i32
        %dma_start3A_417 = tpu.memref_slice %arg8[%add3A_415, %dma_start3A_416] : memref<25x100xi32, #tpu.memory_space<vmem>> -> memref<1x100xi32, #tpu.memory_space<vmem>>
        %dma_start3A_418 = tpu.memref_squeeze %dma_start3A_417 : memref<1x100xi32, #tpu.memory_space<vmem>> -> memref<100xi32, #tpu.memory_space<vmem>>
        %dma_start3A_419 = arith.constant 0 : i32
        %dma_start3A_420 = arith.constant 0 : i32
        %dma_start3A_421 = tpu.memref_slice %arg2[%dma_start3A_419, %dma_start3A_420] : memref<10000x128xf32, #tpu.memory_space<hbm>> -> memref<10000x128xf32, #tpu.memory_space<hbm>>
        tpu.enqueue_indirect_dma source(%dma_start3A_421 : memref<10000x128xf32, #tpu.memory_space<hbm>>) target(%arg11 : memref<100x128xf32, #tpu.memory_space<vmem>>) offsets(%dma_start3A_418 : memref<100xi32, #tpu.memory_space<vmem>>) semaphore(%arg17 : memref<!tpu.dma_semaphore, #tpu.memory_space<semaphore_mem>>)
      } else {
      }
      %add3A_387 = arith.constant 2 : i32
      %add3A_388 = arith.addi %mul3A_334, %add3A_387 : i32
      %dma_wait3A_389 = arith.constant 0 : i32
      %dma_wait3A_390 = tpu.memref_slice %arg8[%add3A_388, %dma_wait3A_389] : memref<25x100xi32, #tpu.memory_space<vmem>> -> memref<1x100xi32, #tpu.memory_space<vmem>>
      %dma_wait3A_391 = tpu.memref_squeeze %dma_wait3A_390 : memref<1x100xi32, #tpu.memory_space<vmem>> -> memref<100xi32, #tpu.memory_space<vmem>>
      %dma_wait3A_392 = arith.constant 0 : i32
      %dma_wait3A_393 = arith.constant 0 : i32
      %dma_wait3A_394 = tpu.memref_slice %arg2[%dma_wait3A_392, %dma_wait3A_393] : memref<10000x128xf32, #tpu.memory_space<hbm>> -> memref<10000x128xf32, #tpu.memory_space<hbm>>
      tpu.wait_indirect_dma semaphore(%arg18 : memref<!tpu.dma_semaphore, #tpu.memory_space<semaphore_mem>>) src(%dma_wait3A_394 : memref<10000x128xf32, #tpu.memory_space<hbm>>) dst(%arg12 : memref<100x128xf32, #tpu.memory_space<vmem>>)
      %dma_start3A_395 = arith.constant 0 : i32
      %dma_start3A_396 = tpu.memref_slice %arg13[%dma_start3A_395] : memref<128xf32, #tpu.memory_space<vmem>> -> memref<100xf32, #tpu.memory_space<vmem>>
      %dma_start3A_397 = arith.constant 0 : i32
      %dma_start3A_398 = tpu.memref_slice %arg9[%add3A_388, %dma_start3A_397] : memref<25x100xi32, #tpu.memory_space<vmem>> -> memref<1x100xi32, #tpu.memory_space<vmem>>
      %dma_start3A_399 = tpu.memref_squeeze %dma_start3A_398 : memref<1x100xi32, #tpu.memory_space<vmem>> -> memref<100xi32, #tpu.memory_space<vmem>>
      %dma_start3A_400 = arith.constant 0 : i32
      %dma_start3A_401 = tpu.memref_slice %arg15[%dma_start3A_400] : memref<10240xf32, #tpu.memory_space<vmem_shared>> -> memref<10240xf32, #tpu.memory_space<vmem_shared>>
      tpu.enqueue_indirect_dma source(%dma_start3A_396 : memref<100xf32, #tpu.memory_space<vmem>>) target(%dma_start3A_401 : memref<10240xf32, #tpu.memory_space<vmem_shared>>) offsets(%dma_start3A_399 : memref<100xi32, #tpu.memory_space<vmem>>) semaphore(%arg19 : memref<!tpu.dma_semaphore, #tpu.memory_space<semaphore_mem>>) {add = true}
      "tpu.region"() ({
        %run_scoped3A_414 = tpu.sem_alloc : memref<!tpu.dma_semaphore, #tpu.memory_space<semaphore_mem>>
        %dma_start3A_415 = arith.constant 0 : i32
        %dma_start3A_416 = tpu.memref_slice %arg9[%add3A_388, %dma_start3A_415] : memref<25x100xi32, #tpu.memory_space<vmem>> -> memref<1x100xi32, #tpu.memory_space<vmem>>
        %dma_start3A_417 = tpu.memref_squeeze %dma_start3A_416 : memref<1x100xi32, #tpu.memory_space<vmem>> -> memref<100xi32, #tpu.memory_space<vmem>>
        %dma_start3A_418 = arith.constant 0 : i32
        %dma_start3A_419 = arith.constant 0 : i32
        %dma_start3A_420 = tpu.memref_slice %arg14[%dma_start3A_418, %dma_start3A_419] : memref<10240x128xf32, #tpu.memory_space<vmem_shared>> -> memref<10240x128xf32, #tpu.memory_space<vmem_shared>>
        tpu.enqueue_indirect_dma source(%arg12 : memref<100x128xf32, #tpu.memory_space<vmem>>) target(%dma_start3A_420 : memref<10240x128xf32, #tpu.memory_space<vmem_shared>>) offsets(%dma_start3A_417 : memref<100xi32, #tpu.memory_space<vmem>>) semaphore(%run_scoped3A_414 : memref<!tpu.dma_semaphore, #tpu.memory_space<semaphore_mem>>) {add = true}
        %dma_wait3A_421 = arith.constant 0 : i32
        %dma_wait3A_422 = tpu.memref_slice %arg9[%add3A_388, %dma_wait3A_421] : memref<25x100xi32, #tpu.memory_space<vmem>> -> memref<1x100xi32, #tpu.memory_space<vmem>>
        %dma_wait3A_423 = tpu.memref_squeeze %dma_wait3A_422 : memref<1x100xi32, #tpu.memory_space<vmem>> -> memref<100xi32, #tpu.memory_space<vmem>>
        %dma_wait3A_424 = arith.constant 0 : i32
        %dma_wait3A_425 = arith.constant 0 : i32
        %dma_wait3A_426 = tpu.memref_slice %arg14[%dma_wait3A_424, %dma_wait3A_425] : memref<10240x128xf32, #tpu.memory_space<vmem_shared>> -> memref<10240x128xf32, #tpu.memory_space<vmem_shared>>
        tpu.wait_indirect_dma semaphore(%run_scoped3A_414 : memref<!tpu.dma_semaphore, #tpu.memory_space<semaphore_mem>>) src(%arg12 : memref<100x128xf32, #tpu.memory_space<vmem>>) dst(%dma_wait3A_426 : memref<10240x128xf32, #tpu.memory_space<vmem_shared>>)
        tpu.yield
      }) : () -> ()
      %dma_wait3A_402 = arith.constant 0 : i32
      %dma_wait3A_403 = tpu.memref_slice %arg13[%dma_wait3A_402] : memref<128xf32, #tpu.memory_space<vmem>> -> memref<100xf32, #tpu.memory_space<vmem>>
      %dma_wait3A_404 = arith.constant 0 : i32
      %dma_wait3A_405 = tpu.memref_slice %arg9[%add3A_388, %dma_wait3A_404] : memref<25x100xi32, #tpu.memory_space<vmem>> -> memref<1x100xi32, #tpu.memory_space<vmem>>
      %dma_wait3A_406 = tpu.memref_squeeze %dma_wait3A_405 : memref<1x100xi32, #tpu.memory_space<vmem>> -> memref<100xi32, #tpu.memory_space<vmem>>
      %dma_wait3A_407 = arith.constant 0 : i32
      %dma_wait3A_408 = tpu.memref_slice %arg15[%dma_wait3A_407] : memref<10240xf32, #tpu.memory_space<vmem_shared>> -> memref<10240xf32, #tpu.memory_space<vmem_shared>>
      tpu.wait_indirect_dma semaphore(%arg19 : memref<!tpu.dma_semaphore, #tpu.memory_space<semaphore_mem>>) src(%dma_wait3A_403 : memref<100xf32, #tpu.memory_space<vmem>>) dst(%dma_wait3A_408 : memref<10240xf32, #tpu.memory_space<vmem_shared>>)
      %lt3A_409 = arith.constant 7 : i32
      %lt3A_410 = arith.cmpi slt, %scan3A_332, %lt3A_409 : i32
      %convert_element_type3A_411 = arith.extui %lt3A_410 : i1 to i32
      %cond3A_412 = arith.constant 0 : i32
      %cond3A_413 = arith.cmpi ne, %convert_element_type3A_411, %cond3A_412 : i32
      scf.if %cond3A_413 {
        %add3A_414 = arith.constant 5 : i32
        %add3A_415 = arith.addi %mul3A_334, %add3A_414 : i32
        %dma_start3A_416 = arith.constant 0 : i32
        %dma_start3A_417 = tpu.memref_slice %arg8[%add3A_415, %dma_start3A_416] : memref<25x100xi32, #tpu.memory_space<vmem>> -> memref<1x100xi32, #tpu.memory_space<vmem>>
        %dma_start3A_418 = tpu.memref_squeeze %dma_start3A_417 : memref<1x100xi32, #tpu.memory_space<vmem>> -> memref<100xi32, #tpu.memory_space<vmem>>
        %dma_start3A_419 = arith.constant 0 : i32
        %dma_start3A_420 = arith.constant 0 : i32
        %dma_start3A_421 = tpu.memref_slice %arg2[%dma_start3A_419, %dma_start3A_420] : memref<10000x128xf32, #tpu.memory_space<hbm>> -> memref<10000x128xf32, #tpu.memory_space<hbm>>
        tpu.enqueue_indirect_dma source(%dma_start3A_421 : memref<10000x128xf32, #tpu.memory_space<hbm>>) target(%arg12 : memref<100x128xf32, #tpu.memory_space<vmem>>) offsets(%dma_start3A_418 : memref<100xi32, #tpu.memory_space<vmem>>) semaphore(%arg18 : memref<!tpu.dma_semaphore, #tpu.memory_space<semaphore_mem>>)
      } else {
      }
    }
    %scan3A_237 = arith.constant 8 : i32
    %dma_wait3A_238 = arith.constant 24 : i32
    %dma_wait3A_239 = arith.constant 0 : i32
    %dma_wait3A_240 = tpu.memref_slice %arg8[%dma_wait3A_238, %dma_wait3A_239] : memref<25x100xi32, #tpu.memory_space<vmem>> -> memref<1x100xi32, #tpu.memory_space<vmem>>
    %dma_wait3A_241 = tpu.memref_squeeze %dma_wait3A_240 : memref<1x100xi32, #tpu.memory_space<vmem>> -> memref<100xi32, #tpu.memory_space<vmem>>
    %dma_wait3A_242 = arith.constant 0 : i32
    %dma_wait3A_243 = arith.constant 0 : i32
    %dma_wait3A_244 = tpu.memref_slice %arg2[%dma_wait3A_242, %dma_wait3A_243] : memref<10000x128xf32, #tpu.memory_space<hbm>> -> memref<10000x128xf32, #tpu.memory_space<hbm>>
    tpu.wait_indirect_dma semaphore(%arg16 : memref<!tpu.dma_semaphore, #tpu.memory_space<semaphore_mem>>) src(%dma_wait3A_244 : memref<10000x128xf32, #tpu.memory_space<hbm>>) dst(%arg10 : memref<100x128xf32, #tpu.memory_space<vmem>>)
    %dma_start3A_245 = arith.constant 24 : i32
    %dma_start3A_246 = arith.constant 0 : i32
    %dma_start3A_247 = tpu.memref_slice %arg13[%dma_start3A_246] : memref<128xf32, #tpu.memory_space<vmem>> -> memref<100xf32, #tpu.memory_space<vmem>>
    %dma_start3A_248 = arith.constant 0 : i32
    %dma_start3A_249 = tpu.memref_slice %arg9[%dma_start3A_245, %dma_start3A_248] : memref<25x100xi32, #tpu.memory_space<vmem>> -> memref<1x100xi32, #tpu.memory_space<vmem>>
    %dma_start3A_250 = tpu.memref_squeeze %dma_start3A_249 : memref<1x100xi32, #tpu.memory_space<vmem>> -> memref<100xi32, #tpu.memory_space<vmem>>
    %dma_start3A_251 = arith.constant 0 : i32
    %dma_start3A_252 = tpu.memref_slice %arg15[%dma_start3A_251] : memref<10240xf32, #tpu.memory_space<vmem_shared>> -> memref<10240xf32, #tpu.memory_space<vmem_shared>>
    tpu.enqueue_indirect_dma source(%dma_start3A_247 : memref<100xf32, #tpu.memory_space<vmem>>) target(%dma_start3A_252 : memref<10240xf32, #tpu.memory_space<vmem_shared>>) offsets(%dma_start3A_250 : memref<100xi32, #tpu.memory_space<vmem>>) semaphore(%arg19 : memref<!tpu.dma_semaphore, #tpu.memory_space<semaphore_mem>>) {add = true}
    %run_scoped3A_253 = arith.constant 24 : i32
    "tpu.region"() ({
      %run_scoped3A_332 = tpu.sem_alloc : memref<!tpu.dma_semaphore, #tpu.memory_space<semaphore_mem>>
      %dma_start3A_333 = arith.constant 0 : i32
      %dma_start3A_334 = tpu.memref_slice %arg9[%run_scoped3A_253, %dma_start3A_333] : memref<25x100xi32, #tpu.memory_space<vmem>> -> memref<1x100xi32, #tpu.memory_space<vmem>>
      %dma_start3A_335 = tpu.memref_squeeze %dma_start3A_334 : memref<1x100xi32, #tpu.memory_space<vmem>> -> memref<100xi32, #tpu.memory_space<vmem>>
      %dma_start3A_336 = arith.constant 0 : i32
      %dma_start3A_337 = arith.constant 0 : i32
      %dma_start3A_338 = tpu.memref_slice %arg14[%dma_start3A_336, %dma_start3A_337] : memref<10240x128xf32, #tpu.memory_space<vmem_shared>> -> memref<10240x128xf32, #tpu.memory_space<vmem_shared>>
      tpu.enqueue_indirect_dma source(%arg10 : memref<100x128xf32, #tpu.memory_space<vmem>>) target(%dma_start3A_338 : memref<10240x128xf32, #tpu.memory_space<vmem_shared>>) offsets(%dma_start3A_335 : memref<100xi32, #tpu.memory_space<vmem>>) semaphore(%run_scoped3A_332 : memref<!tpu.dma_semaphore, #tpu.memory_space<semaphore_mem>>) {add = true}
      %dma_wait3A_339 = arith.constant 0 : i32
      %dma_wait3A_340 = tpu.memref_slice %arg9[%run_scoped3A_253, %dma_wait3A_339] : memref<25x100xi32, #tpu.memory_space<vmem>> -> memref<1x100xi32, #tpu.memory_space<vmem>>
      %dma_wait3A_341 = tpu.memref_squeeze %dma_wait3A_340 : memref<1x100xi32, #tpu.memory_space<vmem>> -> memref<100xi32, #tpu.memory_space<vmem>>
      %dma_wait3A_342 = arith.constant 0 : i32
      %dma_wait3A_343 = arith.constant 0 : i32
      %dma_wait3A_344 = tpu.memref_slice %arg14[%dma_wait3A_342, %dma_wait3A_343] : memref<10240x128xf32, #tpu.memory_space<vmem_shared>> -> memref<10240x128xf32, #tpu.memory_space<vmem_shared>>
      tpu.wait_indirect_dma semaphore(%run_scoped3A_332 : memref<!tpu.dma_semaphore, #tpu.memory_space<semaphore_mem>>) src(%arg10 : memref<100x128xf32, #tpu.memory_space<vmem>>) dst(%dma_wait3A_344 : memref<10240x128xf32, #tpu.memory_space<vmem_shared>>)
      tpu.yield
    }) : () -> ()
    %dma_wait3A_254 = arith.constant 24 : i32
    %dma_wait3A_255 = arith.constant 0 : i32
    %dma_wait3A_256 = tpu.memref_slice %arg13[%dma_wait3A_255] : memref<128xf32, #tpu.memory_space<vmem>> -> memref<100xf32, #tpu.memory_space<vmem>>
    %dma_wait3A_257 = arith.constant 0 : i32
    %dma_wait3A_258 = tpu.memref_slice %arg9[%dma_wait3A_254, %dma_wait3A_257] : memref<25x100xi32, #tpu.memory_space<vmem>> -> memref<1x100xi32, #tpu.memory_space<vmem>>
    %dma_wait3A_259 = tpu.memref_squeeze %dma_wait3A_258 : memref<1x100xi32, #tpu.memory_space<vmem>> -> memref<100xi32, #tpu.memory_space<vmem>>
    %dma_wait3A_260 = arith.constant 0 : i32
    %dma_wait3A_261 = tpu.memref_slice %arg15[%dma_wait3A_260] : memref<10240xf32, #tpu.memory_space<vmem_shared>> -> memref<10240xf32, #tpu.memory_space<vmem_shared>>
    tpu.wait_indirect_dma semaphore(%arg19 : memref<!tpu.dma_semaphore, #tpu.memory_space<semaphore_mem>>) src(%dma_wait3A_256 : memref<100xf32, #tpu.memory_space<vmem>>) dst(%dma_wait3A_261 : memref<10240xf32, #tpu.memory_space<vmem_shared>>)
    %mul3A_262 = arith.constant 4 : i32
    %mul3A_263 = arith.muli %add3A, %mul3A_262 : i32
    %add3A_264 = arith.constant 3 : i32
    %add3A_265 = arith.addi %mul3A_263, %add3A_264 : i32
    "tpu.region"() ({
      %run_scoped3A_332 = tpu.sem_alloc : memref<!tpu.dma_semaphore, #tpu.memory_space<semaphore_mem>>
      %dma_start3A_333 = arith.constant 0 : i32
      %dma_start3A_334 = arith.constant 0 : i32
      %dma_start3A_335 = tpu.memref_slice %arg3[%add3A_265, %dma_start3A_333, %dma_start3A_334] : memref<256x25x100xi32, #tpu.memory_space<hbm>> -> memref<1x25x100xi32, #tpu.memory_space<hbm>>
      %dma_start3A_336 = tpu.memref_squeeze %dma_start3A_335 : memref<1x25x100xi32, #tpu.memory_space<hbm>> -> memref<25x100xi32, #tpu.memory_space<hbm>>
      %dma_start3A_337 = arith.constant 0 : i32
      %dma_start3A_338 = arith.constant 0 : i32
      %dma_start3A_339 = tpu.memref_slice %arg3[%add3A_265, %dma_start3A_337, %dma_start3A_338] : memref<256x25x100xi32, #tpu.memory_space<hbm>> -> memref<1x25x100xi32, #tpu.memory_space<hbm>>
      %dma_start3A_340 = tpu.memref_squeeze %dma_start3A_339 : memref<1x25x100xi32, #tpu.memory_space<hbm>> -> memref<25x100xi32, #tpu.memory_space<hbm>>
      tpu.enqueue_dma source(%dma_start3A_340 : memref<25x100xi32, #tpu.memory_space<hbm>>) target(%arg8 : memref<25x100xi32, #tpu.memory_space<vmem>>) target_semaphore(%run_scoped3A_332 : memref<!tpu.dma_semaphore, #tpu.memory_space<semaphore_mem>>)
      %dma_wait3A_341 = arith.constant 0 : i32
      %dma_wait3A_342 = arith.constant 0 : i32
      %dma_wait3A_343 = tpu.memref_slice %arg3[%add3A_265, %dma_wait3A_341, %dma_wait3A_342] : memref<256x25x100xi32, #tpu.memory_space<hbm>> -> memref<1x25x100xi32, #tpu.memory_space<hbm>>
      %dma_wait3A_344 = tpu.memref_squeeze %dma_wait3A_343 : memref<1x25x100xi32, #tpu.memory_space<hbm>> -> memref<25x100xi32, #tpu.memory_space<hbm>>
      %dma_wait3A_345 = arith.constant 0 : i32
      %dma_wait3A_346 = arith.constant 0 : i32
      %dma_wait3A_347 = tpu.memref_slice %arg3[%add3A_265, %dma_wait3A_345, %dma_wait3A_346] : memref<256x25x100xi32, #tpu.memory_space<hbm>> -> memref<1x25x100xi32, #tpu.memory_space<hbm>>
      %dma_wait3A_348 = tpu.memref_squeeze %dma_wait3A_347 : memref<1x25x100xi32, #tpu.memory_space<hbm>> -> memref<25x100xi32, #tpu.memory_space<hbm>>
      tpu.wait_dma2 semaphore(%run_scoped3A_332 : memref<!tpu.dma_semaphore, #tpu.memory_space<semaphore_mem>>) src(%dma_wait3A_348 : memref<25x100xi32, #tpu.memory_space<hbm>>) dst(%arg8 : memref<25x100xi32, #tpu.memory_space<vmem>>)
      tpu.yield
    }) : () -> ()
    %mul3A_266 = arith.constant 4 : i32
    %mul3A_267 = arith.muli %add3A, %mul3A_266 : i32
    %add3A_268 = arith.constant 128 : i32
    %add3A_269 = arith.addi %add3A_268, %mul3A_267 : i32
    %add3A_270 = arith.constant 3 : i32
    %add3A_271 = arith.addi %add3A_269, %add3A_270 : i32
    "tpu.region"() ({
      %run_scoped3A_332 = tpu.sem_alloc : memref<!tpu.dma_semaphore, #tpu.memory_space<semaphore_mem>>
      %dma_start3A_333 = arith.constant 0 : i32
      %dma_start3A_334 = arith.constant 0 : i32
      %dma_start3A_335 = tpu.memref_slice %arg3[%add3A_271, %dma_start3A_333, %dma_start3A_334] : memref<256x25x100xi32, #tpu.memory_space<hbm>> -> memref<1x25x100xi32, #tpu.memory_space<hbm>>
      %dma_start3A_336 = tpu.memref_squeeze %dma_start3A_335 : memref<1x25x100xi32, #tpu.memory_space<hbm>> -> memref<25x100xi32, #tpu.memory_space<hbm>>
      %dma_start3A_337 = arith.constant 0 : i32
      %dma_start3A_338 = arith.constant 0 : i32
      %dma_start3A_339 = tpu.memref_slice %arg3[%add3A_271, %dma_start3A_337, %dma_start3A_338] : memref<256x25x100xi32, #tpu.memory_space<hbm>> -> memref<1x25x100xi32, #tpu.memory_space<hbm>>
      %dma_start3A_340 = tpu.memref_squeeze %dma_start3A_339 : memref<1x25x100xi32, #tpu.memory_space<hbm>> -> memref<25x100xi32, #tpu.memory_space<hbm>>
      tpu.enqueue_dma source(%dma_start3A_340 : memref<25x100xi32, #tpu.memory_space<hbm>>) target(%arg9 : memref<25x100xi32, #tpu.memory_space<vmem>>) target_semaphore(%run_scoped3A_332 : memref<!tpu.dma_semaphore, #tpu.memory_space<semaphore_mem>>)
      %dma_wait3A_341 = arith.constant 0 : i32
      %dma_wait3A_342 = arith.constant 0 : i32
      %dma_wait3A_343 = tpu.memref_slice %arg3[%add3A_271, %dma_wait3A_341, %dma_wait3A_342] : memref<256x25x100xi32, #tpu.memory_space<hbm>> -> memref<1x25x100xi32, #tpu.memory_space<hbm>>
      %dma_wait3A_344 = tpu.memref_squeeze %dma_wait3A_343 : memref<1x25x100xi32, #tpu.memory_space<hbm>> -> memref<25x100xi32, #tpu.memory_space<hbm>>
      %dma_wait3A_345 = arith.constant 0 : i32
      %dma_wait3A_346 = arith.constant 0 : i32
      %dma_wait3A_347 = tpu.memref_slice %arg3[%add3A_271, %dma_wait3A_345, %dma_wait3A_346] : memref<256x25x100xi32, #tpu.memory_space<hbm>> -> memref<1x25x100xi32, #tpu.memory_space<hbm>>
      %dma_wait3A_348 = tpu.memref_squeeze %dma_wait3A_347 : memref<1x25x100xi32, #tpu.memory_space<hbm>> -> memref<25x100xi32, #tpu.memory_space<hbm>>
      tpu.wait_dma2 semaphore(%run_scoped3A_332 : memref<!tpu.dma_semaphore, #tpu.memory_space<semaphore_mem>>) src(%dma_wait3A_348 : memref<25x100xi32, #tpu.memory_space<hbm>>) dst(%arg9 : memref<25x100xi32, #tpu.memory_space<vmem>>)
      tpu.yield
    }) : () -> ()
    %dma_start3A_272 = arith.constant 0 : i32
    %dma_start3A_273 = arith.constant 0 : i32
    %dma_start3A_274 = tpu.memref_slice %arg8[%dma_start3A_272, %dma_start3A_273] : memref<25x100xi32, #tpu.memory_space<vmem>> -> memref<1x100xi32, #tpu.memory_space<vmem>>
    %dma_start3A_275 = tpu.memref_squeeze %dma_start3A_274 : memref<1x100xi32, #tpu.memory_space<vmem>> -> memref<100xi32, #tpu.memory_space<vmem>>
    %dma_start3A_276 = arith.constant 0 : i32
    %dma_start3A_277 = arith.constant 0 : i32
    %dma_start3A_278 = tpu.memref_slice %arg2[%dma_start3A_276, %dma_start3A_277] : memref<10000x128xf32, #tpu.memory_space<hbm>> -> memref<10000x128xf32, #tpu.memory_space<hbm>>
    tpu.enqueue_indirect_dma source(%dma_start3A_278 : memref<10000x128xf32, #tpu.memory_space<hbm>>) target(%arg10 : memref<100x128xf32, #tpu.memory_space<vmem>>) offsets(%dma_start3A_275 : memref<100xi32, #tpu.memory_space<vmem>>) semaphore(%arg16 : memref<!tpu.dma_semaphore, #tpu.memory_space<semaphore_mem>>)
    %dma_start3A_279 = arith.constant 1 : i32
    %dma_start3A_280 = arith.constant 0 : i32
    %dma_start3A_281 = tpu.memref_slice %arg8[%dma_start3A_279, %dma_start3A_280] : memref<25x100xi32, #tpu.memory_space<vmem>> -> memref<1x100xi32, #tpu.memory_space<vmem>>
    %dma_start3A_282 = tpu.memref_squeeze %dma_start3A_281 : memref<1x100xi32, #tpu.memory_space<vmem>> -> memref<100xi32, #tpu.memory_space<vmem>>
    %dma_start3A_283 = arith.constant 0 : i32
    %dma_start3A_284 = arith.constant 0 : i32
    %dma_start3A_285 = tpu.memref_slice %arg2[%dma_start3A_283, %dma_start3A_284] : memref<10000x128xf32, #tpu.memory_space<hbm>> -> memref<10000x128xf32, #tpu.memory_space<hbm>>
    tpu.enqueue_indirect_dma source(%dma_start3A_285 : memref<10000x128xf32, #tpu.memory_space<hbm>>) target(%arg11 : memref<100x128xf32, #tpu.memory_space<vmem>>) offsets(%dma_start3A_282 : memref<100xi32, #tpu.memory_space<vmem>>) semaphore(%arg17 : memref<!tpu.dma_semaphore, #tpu.memory_space<semaphore_mem>>)
    %dma_start3A_286 = arith.constant 2 : i32
    %dma_start3A_287 = arith.constant 0 : i32
    %dma_start3A_288 = tpu.memref_slice %arg8[%dma_start3A_286, %dma_start3A_287] : memref<25x100xi32, #tpu.memory_space<vmem>> -> memref<1x100xi32, #tpu.memory_space<vmem>>
    %dma_start3A_289 = tpu.memref_squeeze %dma_start3A_288 : memref<1x100xi32, #tpu.memory_space<vmem>> -> memref<100xi32, #tpu.memory_space<vmem>>
    %dma_start3A_290 = arith.constant 0 : i32
    %dma_start3A_291 = arith.constant 0 : i32
    %dma_start3A_292 = tpu.memref_slice %arg2[%dma_start3A_290, %dma_start3A_291] : memref<10000x128xf32, #tpu.memory_space<hbm>> -> memref<10000x128xf32, #tpu.memory_space<hbm>>
    tpu.enqueue_indirect_dma source(%dma_start3A_292 : memref<10000x128xf32, #tpu.memory_space<hbm>>) target(%arg12 : memref<100x128xf32, #tpu.memory_space<vmem>>) offsets(%dma_start3A_289 : memref<100xi32, #tpu.memory_space<vmem>>) semaphore(%arg18 : memref<!tpu.dma_semaphore, #tpu.memory_space<semaphore_mem>>)
    %scan3A_293 = arith.constant 0 : i32
    %scan3A_294 = arith.constant 0 : i32
    %scan3A_295 = arith.constant 8 : i32
    %scan3A_296 = arith.addi %scan3A_294, %scan3A_295 : i32
    %scan3A_297 = arith.constant 1 : i32
    scf.for %scan3A_332 = %scan3A_294 to %scan3A_296 step %scan3A_297  : i32 {
      %mul3A_333 = arith.constant 3 : i32
      %mul3A_334 = arith.muli %mul3A_333, %scan3A_332 : i32
      %dma_wait3A_335 = arith.constant 0 : i32
      %dma_wait3A_336 = tpu.memref_slice %arg8[%mul3A_334, %dma_wait3A_335] : memref<25x100xi32, #tpu.memory_space<vmem>> -> memref<1x100xi32, #tpu.memory_space<vmem>>
      %dma_wait3A_337 = tpu.memref_squeeze %dma_wait3A_336 : memref<1x100xi32, #tpu.memory_space<vmem>> -> memref<100xi32, #tpu.memory_space<vmem>>
      %dma_wait3A_338 = arith.constant 0 : i32
      %dma_wait3A_339 = arith.constant 0 : i32
      %dma_wait3A_340 = tpu.memref_slice %arg2[%dma_wait3A_338, %dma_wait3A_339] : memref<10000x128xf32, #tpu.memory_space<hbm>> -> memref<10000x128xf32, #tpu.memory_space<hbm>>
      tpu.wait_indirect_dma semaphore(%arg16 : memref<!tpu.dma_semaphore, #tpu.memory_space<semaphore_mem>>) src(%dma_wait3A_340 : memref<10000x128xf32, #tpu.memory_space<hbm>>) dst(%arg10 : memref<100x128xf32, #tpu.memory_space<vmem>>)
      %dma_start3A_341 = arith.constant 0 : i32
      %dma_start3A_342 = tpu.memref_slice %arg13[%dma_start3A_341] : memref<128xf32, #tpu.memory_space<vmem>> -> memref<100xf32, #tpu.memory_space<vmem>>
      %dma_start3A_343 = arith.constant 0 : i32
      %dma_start3A_344 = tpu.memref_slice %arg9[%mul3A_334, %dma_start3A_343] : memref<25x100xi32, #tpu.memory_space<vmem>> -> memref<1x100xi32, #tpu.memory_space<vmem>>
      %dma_start3A_345 = tpu.memref_squeeze %dma_start3A_344 : memref<1x100xi32, #tpu.memory_space<vmem>> -> memref<100xi32, #tpu.memory_space<vmem>>
      %dma_start3A_346 = arith.constant 0 : i32
      %dma_start3A_347 = tpu.memref_slice %arg15[%dma_start3A_346] : memref<10240xf32, #tpu.memory_space<vmem_shared>> -> memref<10240xf32, #tpu.memory_space<vmem_shared>>
      tpu.enqueue_indirect_dma source(%dma_start3A_342 : memref<100xf32, #tpu.memory_space<vmem>>) target(%dma_start3A_347 : memref<10240xf32, #tpu.memory_space<vmem_shared>>) offsets(%dma_start3A_345 : memref<100xi32, #tpu.memory_space<vmem>>) semaphore(%arg19 : memref<!tpu.dma_semaphore, #tpu.memory_space<semaphore_mem>>) {add = true}
      "tpu.region"() ({
        %run_scoped3A_414 = tpu.sem_alloc : memref<!tpu.dma_semaphore, #tpu.memory_space<semaphore_mem>>
        %dma_start3A_415 = arith.constant 0 : i32
        %dma_start3A_416 = tpu.memref_slice %arg9[%mul3A_334, %dma_start3A_415] : memref<25x100xi32, #tpu.memory_space<vmem>> -> memref<1x100xi32, #tpu.memory_space<vmem>>
        %dma_start3A_417 = tpu.memref_squeeze %dma_start3A_416 : memref<1x100xi32, #tpu.memory_space<vmem>> -> memref<100xi32, #tpu.memory_space<vmem>>
        %dma_start3A_418 = arith.constant 0 : i32
        %dma_start3A_419 = arith.constant 0 : i32
        %dma_start3A_420 = tpu.memref_slice %arg14[%dma_start3A_418, %dma_start3A_419] : memref<10240x128xf32, #tpu.memory_space<vmem_shared>> -> memref<10240x128xf32, #tpu.memory_space<vmem_shared>>
        tpu.enqueue_indirect_dma source(%arg10 : memref<100x128xf32, #tpu.memory_space<vmem>>) target(%dma_start3A_420 : memref<10240x128xf32, #tpu.memory_space<vmem_shared>>) offsets(%dma_start3A_417 : memref<100xi32, #tpu.memory_space<vmem>>) semaphore(%run_scoped3A_414 : memref<!tpu.dma_semaphore, #tpu.memory_space<semaphore_mem>>) {add = true}
        %dma_wait3A_421 = arith.constant 0 : i32
        %dma_wait3A_422 = tpu.memref_slice %arg9[%mul3A_334, %dma_wait3A_421] : memref<25x100xi32, #tpu.memory_space<vmem>> -> memref<1x100xi32, #tpu.memory_space<vmem>>
        %dma_wait3A_423 = tpu.memref_squeeze %dma_wait3A_422 : memref<1x100xi32, #tpu.memory_space<vmem>> -> memref<100xi32, #tpu.memory_space<vmem>>
        %dma_wait3A_424 = arith.constant 0 : i32
        %dma_wait3A_425 = arith.constant 0 : i32
        %dma_wait3A_426 = tpu.memref_slice %arg14[%dma_wait3A_424, %dma_wait3A_425] : memref<10240x128xf32, #tpu.memory_space<vmem_shared>> -> memref<10240x128xf32, #tpu.memory_space<vmem_shared>>
        tpu.wait_indirect_dma semaphore(%run_scoped3A_414 : memref<!tpu.dma_semaphore, #tpu.memory_space<semaphore_mem>>) src(%arg10 : memref<100x128xf32, #tpu.memory_space<vmem>>) dst(%dma_wait3A_426 : memref<10240x128xf32, #tpu.memory_space<vmem_shared>>)
        tpu.yield
      }) : () -> ()
      %dma_wait3A_348 = arith.constant 0 : i32
      %dma_wait3A_349 = tpu.memref_slice %arg13[%dma_wait3A_348] : memref<128xf32, #tpu.memory_space<vmem>> -> memref<100xf32, #tpu.memory_space<vmem>>
      %dma_wait3A_350 = arith.constant 0 : i32
      %dma_wait3A_351 = tpu.memref_slice %arg9[%mul3A_334, %dma_wait3A_350] : memref<25x100xi32, #tpu.memory_space<vmem>> -> memref<1x100xi32, #tpu.memory_space<vmem>>
      %dma_wait3A_352 = tpu.memref_squeeze %dma_wait3A_351 : memref<1x100xi32, #tpu.memory_space<vmem>> -> memref<100xi32, #tpu.memory_space<vmem>>
      %dma_wait3A_353 = arith.constant 0 : i32
      %dma_wait3A_354 = tpu.memref_slice %arg15[%dma_wait3A_353] : memref<10240xf32, #tpu.memory_space<vmem_shared>> -> memref<10240xf32, #tpu.memory_space<vmem_shared>>
      tpu.wait_indirect_dma semaphore(%arg19 : memref<!tpu.dma_semaphore, #tpu.memory_space<semaphore_mem>>) src(%dma_wait3A_349 : memref<100xf32, #tpu.memory_space<vmem>>) dst(%dma_wait3A_354 : memref<10240xf32, #tpu.memory_space<vmem_shared>>)
      %add3A_355 = arith.constant 3 : i32
      %add3A_356 = arith.addi %mul3A_334, %add3A_355 : i32
      %dma_start3A_357 = arith.constant 0 : i32
      %dma_start3A_358 = tpu.memref_slice %arg8[%add3A_356, %dma_start3A_357] : memref<25x100xi32, #tpu.memory_space<vmem>> -> memref<1x100xi32, #tpu.memory_space<vmem>>
      %dma_start3A_359 = tpu.memref_squeeze %dma_start3A_358 : memref<1x100xi32, #tpu.memory_space<vmem>> -> memref<100xi32, #tpu.memory_space<vmem>>
      %dma_start3A_360 = arith.constant 0 : i32
      %dma_start3A_361 = arith.constant 0 : i32
      %dma_start3A_362 = tpu.memref_slice %arg2[%dma_start3A_360, %dma_start3A_361] : memref<10000x128xf32, #tpu.memory_space<hbm>> -> memref<10000x128xf32, #tpu.memory_space<hbm>>
      tpu.enqueue_indirect_dma source(%dma_start3A_362 : memref<10000x128xf32, #tpu.memory_space<hbm>>) target(%arg10 : memref<100x128xf32, #tpu.memory_space<vmem>>) offsets(%dma_start3A_359 : memref<100xi32, #tpu.memory_space<vmem>>) semaphore(%arg16 : memref<!tpu.dma_semaphore, #tpu.memory_space<semaphore_mem>>)
      %add3A_363 = arith.constant 1 : i32
      %add3A_364 = arith.addi %mul3A_334, %add3A_363 : i32
      %dma_wait3A_365 = arith.constant 0 : i32
      %dma_wait3A_366 = tpu.memref_slice %arg8[%add3A_364, %dma_wait3A_365] : memref<25x100xi32, #tpu.memory_space<vmem>> -> memref<1x100xi32, #tpu.memory_space<vmem>>
      %dma_wait3A_367 = tpu.memref_squeeze %dma_wait3A_366 : memref<1x100xi32, #tpu.memory_space<vmem>> -> memref<100xi32, #tpu.memory_space<vmem>>
      %dma_wait3A_368 = arith.constant 0 : i32
      %dma_wait3A_369 = arith.constant 0 : i32
      %dma_wait3A_370 = tpu.memref_slice %arg2[%dma_wait3A_368, %dma_wait3A_369] : memref<10000x128xf32, #tpu.memory_space<hbm>> -> memref<10000x128xf32, #tpu.memory_space<hbm>>
      tpu.wait_indirect_dma semaphore(%arg17 : memref<!tpu.dma_semaphore, #tpu.memory_space<semaphore_mem>>) src(%dma_wait3A_370 : memref<10000x128xf32, #tpu.memory_space<hbm>>) dst(%arg11 : memref<100x128xf32, #tpu.memory_space<vmem>>)
      %dma_start3A_371 = arith.constant 0 : i32
      %dma_start3A_372 = tpu.memref_slice %arg13[%dma_start3A_371] : memref<128xf32, #tpu.memory_space<vmem>> -> memref<100xf32, #tpu.memory_space<vmem>>
      %dma_start3A_373 = arith.constant 0 : i32
      %dma_start3A_374 = tpu.memref_slice %arg9[%add3A_364, %dma_start3A_373] : memref<25x100xi32, #tpu.memory_space<vmem>> -> memref<1x100xi32, #tpu.memory_space<vmem>>
      %dma_start3A_375 = tpu.memref_squeeze %dma_start3A_374 : memref<1x100xi32, #tpu.memory_space<vmem>> -> memref<100xi32, #tpu.memory_space<vmem>>
      %dma_start3A_376 = arith.constant 0 : i32
      %dma_start3A_377 = tpu.memref_slice %arg15[%dma_start3A_376] : memref<10240xf32, #tpu.memory_space<vmem_shared>> -> memref<10240xf32, #tpu.memory_space<vmem_shared>>
      tpu.enqueue_indirect_dma source(%dma_start3A_372 : memref<100xf32, #tpu.memory_space<vmem>>) target(%dma_start3A_377 : memref<10240xf32, #tpu.memory_space<vmem_shared>>) offsets(%dma_start3A_375 : memref<100xi32, #tpu.memory_space<vmem>>) semaphore(%arg19 : memref<!tpu.dma_semaphore, #tpu.memory_space<semaphore_mem>>) {add = true}
      "tpu.region"() ({
        %run_scoped3A_414 = tpu.sem_alloc : memref<!tpu.dma_semaphore, #tpu.memory_space<semaphore_mem>>
        %dma_start3A_415 = arith.constant 0 : i32
        %dma_start3A_416 = tpu.memref_slice %arg9[%add3A_364, %dma_start3A_415] : memref<25x100xi32, #tpu.memory_space<vmem>> -> memref<1x100xi32, #tpu.memory_space<vmem>>
        %dma_start3A_417 = tpu.memref_squeeze %dma_start3A_416 : memref<1x100xi32, #tpu.memory_space<vmem>> -> memref<100xi32, #tpu.memory_space<vmem>>
        %dma_start3A_418 = arith.constant 0 : i32
        %dma_start3A_419 = arith.constant 0 : i32
        %dma_start3A_420 = tpu.memref_slice %arg14[%dma_start3A_418, %dma_start3A_419] : memref<10240x128xf32, #tpu.memory_space<vmem_shared>> -> memref<10240x128xf32, #tpu.memory_space<vmem_shared>>
        tpu.enqueue_indirect_dma source(%arg11 : memref<100x128xf32, #tpu.memory_space<vmem>>) target(%dma_start3A_420 : memref<10240x128xf32, #tpu.memory_space<vmem_shared>>) offsets(%dma_start3A_417 : memref<100xi32, #tpu.memory_space<vmem>>) semaphore(%run_scoped3A_414 : memref<!tpu.dma_semaphore, #tpu.memory_space<semaphore_mem>>) {add = true}
        %dma_wait3A_421 = arith.constant 0 : i32
        %dma_wait3A_422 = tpu.memref_slice %arg9[%add3A_364, %dma_wait3A_421] : memref<25x100xi32, #tpu.memory_space<vmem>> -> memref<1x100xi32, #tpu.memory_space<vmem>>
        %dma_wait3A_423 = tpu.memref_squeeze %dma_wait3A_422 : memref<1x100xi32, #tpu.memory_space<vmem>> -> memref<100xi32, #tpu.memory_space<vmem>>
        %dma_wait3A_424 = arith.constant 0 : i32
        %dma_wait3A_425 = arith.constant 0 : i32
        %dma_wait3A_426 = tpu.memref_slice %arg14[%dma_wait3A_424, %dma_wait3A_425] : memref<10240x128xf32, #tpu.memory_space<vmem_shared>> -> memref<10240x128xf32, #tpu.memory_space<vmem_shared>>
        tpu.wait_indirect_dma semaphore(%run_scoped3A_414 : memref<!tpu.dma_semaphore, #tpu.memory_space<semaphore_mem>>) src(%arg11 : memref<100x128xf32, #tpu.memory_space<vmem>>) dst(%dma_wait3A_426 : memref<10240x128xf32, #tpu.memory_space<vmem_shared>>)
        tpu.yield
      }) : () -> ()
      %dma_wait3A_378 = arith.constant 0 : i32
      %dma_wait3A_379 = tpu.memref_slice %arg13[%dma_wait3A_378] : memref<128xf32, #tpu.memory_space<vmem>> -> memref<100xf32, #tpu.memory_space<vmem>>
      %dma_wait3A_380 = arith.constant 0 : i32
      %dma_wait3A_381 = tpu.memref_slice %arg9[%add3A_364, %dma_wait3A_380] : memref<25x100xi32, #tpu.memory_space<vmem>> -> memref<1x100xi32, #tpu.memory_space<vmem>>
      %dma_wait3A_382 = tpu.memref_squeeze %dma_wait3A_381 : memref<1x100xi32, #tpu.memory_space<vmem>> -> memref<100xi32, #tpu.memory_space<vmem>>
      %dma_wait3A_383 = arith.constant 0 : i32
      %dma_wait3A_384 = tpu.memref_slice %arg15[%dma_wait3A_383] : memref<10240xf32, #tpu.memory_space<vmem_shared>> -> memref<10240xf32, #tpu.memory_space<vmem_shared>>
      tpu.wait_indirect_dma semaphore(%arg19 : memref<!tpu.dma_semaphore, #tpu.memory_space<semaphore_mem>>) src(%dma_wait3A_379 : memref<100xf32, #tpu.memory_space<vmem>>) dst(%dma_wait3A_384 : memref<10240xf32, #tpu.memory_space<vmem_shared>>)
      %lt3A = arith.constant 7 : i32
      %lt3A_385 = arith.cmpi slt, %scan3A_332, %lt3A : i32
      %convert_element_type3A = arith.extui %lt3A_385 : i1 to i32
      %cond3A = arith.constant 0 : i32
      %cond3A_386 = arith.cmpi ne, %convert_element_type3A, %cond3A : i32
      scf.if %cond3A_386 {
        %add3A_414 = arith.constant 4 : i32
        %add3A_415 = arith.addi %mul3A_334, %add3A_414 : i32
        %dma_start3A_416 = arith.constant 0 : i32
        %dma_start3A_417 = tpu.memref_slice %arg8[%add3A_415, %dma_start3A_416] : memref<25x100xi32, #tpu.memory_space<vmem>> -> memref<1x100xi32, #tpu.memory_space<vmem>>
        %dma_start3A_418 = tpu.memref_squeeze %dma_start3A_417 : memref<1x100xi32, #tpu.memory_space<vmem>> -> memref<100xi32, #tpu.memory_space<vmem>>
        %dma_start3A_419 = arith.constant 0 : i32
        %dma_start3A_420 = arith.constant 0 : i32
        %dma_start3A_421 = tpu.memref_slice %arg2[%dma_start3A_419, %dma_start3A_420] : memref<10000x128xf32, #tpu.memory_space<hbm>> -> memref<10000x128xf32, #tpu.memory_space<hbm>>
        tpu.enqueue_indirect_dma source(%dma_start3A_421 : memref<10000x128xf32, #tpu.memory_space<hbm>>) target(%arg11 : memref<100x128xf32, #tpu.memory_space<vmem>>) offsets(%dma_start3A_418 : memref<100xi32, #tpu.memory_space<vmem>>) semaphore(%arg17 : memref<!tpu.dma_semaphore, #tpu.memory_space<semaphore_mem>>)
      } else {
      }
      %add3A_387 = arith.constant 2 : i32
      %add3A_388 = arith.addi %mul3A_334, %add3A_387 : i32
      %dma_wait3A_389 = arith.constant 0 : i32
      %dma_wait3A_390 = tpu.memref_slice %arg8[%add3A_388, %dma_wait3A_389] : memref<25x100xi32, #tpu.memory_space<vmem>> -> memref<1x100xi32, #tpu.memory_space<vmem>>
      %dma_wait3A_391 = tpu.memref_squeeze %dma_wait3A_390 : memref<1x100xi32, #tpu.memory_space<vmem>> -> memref<100xi32, #tpu.memory_space<vmem>>
      %dma_wait3A_392 = arith.constant 0 : i32
      %dma_wait3A_393 = arith.constant 0 : i32
      %dma_wait3A_394 = tpu.memref_slice %arg2[%dma_wait3A_392, %dma_wait3A_393] : memref<10000x128xf32, #tpu.memory_space<hbm>> -> memref<10000x128xf32, #tpu.memory_space<hbm>>
      tpu.wait_indirect_dma semaphore(%arg18 : memref<!tpu.dma_semaphore, #tpu.memory_space<semaphore_mem>>) src(%dma_wait3A_394 : memref<10000x128xf32, #tpu.memory_space<hbm>>) dst(%arg12 : memref<100x128xf32, #tpu.memory_space<vmem>>)
      %dma_start3A_395 = arith.constant 0 : i32
      %dma_start3A_396 = tpu.memref_slice %arg13[%dma_start3A_395] : memref<128xf32, #tpu.memory_space<vmem>> -> memref<100xf32, #tpu.memory_space<vmem>>
      %dma_start3A_397 = arith.constant 0 : i32
      %dma_start3A_398 = tpu.memref_slice %arg9[%add3A_388, %dma_start3A_397] : memref<25x100xi32, #tpu.memory_space<vmem>> -> memref<1x100xi32, #tpu.memory_space<vmem>>
      %dma_start3A_399 = tpu.memref_squeeze %dma_start3A_398 : memref<1x100xi32, #tpu.memory_space<vmem>> -> memref<100xi32, #tpu.memory_space<vmem>>
      %dma_start3A_400 = arith.constant 0 : i32
      %dma_start3A_401 = tpu.memref_slice %arg15[%dma_start3A_400] : memref<10240xf32, #tpu.memory_space<vmem_shared>> -> memref<10240xf32, #tpu.memory_space<vmem_shared>>
      tpu.enqueue_indirect_dma source(%dma_start3A_396 : memref<100xf32, #tpu.memory_space<vmem>>) target(%dma_start3A_401 : memref<10240xf32, #tpu.memory_space<vmem_shared>>) offsets(%dma_start3A_399 : memref<100xi32, #tpu.memory_space<vmem>>) semaphore(%arg19 : memref<!tpu.dma_semaphore, #tpu.memory_space<semaphore_mem>>) {add = true}
      "tpu.region"() ({
        %run_scoped3A_414 = tpu.sem_alloc : memref<!tpu.dma_semaphore, #tpu.memory_space<semaphore_mem>>
        %dma_start3A_415 = arith.constant 0 : i32
        %dma_start3A_416 = tpu.memref_slice %arg9[%add3A_388, %dma_start3A_415] : memref<25x100xi32, #tpu.memory_space<vmem>> -> memref<1x100xi32, #tpu.memory_space<vmem>>
        %dma_start3A_417 = tpu.memref_squeeze %dma_start3A_416 : memref<1x100xi32, #tpu.memory_space<vmem>> -> memref<100xi32, #tpu.memory_space<vmem>>
        %dma_start3A_418 = arith.constant 0 : i32
        %dma_start3A_419 = arith.constant 0 : i32
        %dma_start3A_420 = tpu.memref_slice %arg14[%dma_start3A_418, %dma_start3A_419] : memref<10240x128xf32, #tpu.memory_space<vmem_shared>> -> memref<10240x128xf32, #tpu.memory_space<vmem_shared>>
        tpu.enqueue_indirect_dma source(%arg12 : memref<100x128xf32, #tpu.memory_space<vmem>>) target(%dma_start3A_420 : memref<10240x128xf32, #tpu.memory_space<vmem_shared>>) offsets(%dma_start3A_417 : memref<100xi32, #tpu.memory_space<vmem>>) semaphore(%run_scoped3A_414 : memref<!tpu.dma_semaphore, #tpu.memory_space<semaphore_mem>>) {add = true}
        %dma_wait3A_421 = arith.constant 0 : i32
        %dma_wait3A_422 = tpu.memref_slice %arg9[%add3A_388, %dma_wait3A_421] : memref<25x100xi32, #tpu.memory_space<vmem>> -> memref<1x100xi32, #tpu.memory_space<vmem>>
        %dma_wait3A_423 = tpu.memref_squeeze %dma_wait3A_422 : memref<1x100xi32, #tpu.memory_space<vmem>> -> memref<100xi32, #tpu.memory_space<vmem>>
        %dma_wait3A_424 = arith.constant 0 : i32
        %dma_wait3A_425 = arith.constant 0 : i32
        %dma_wait3A_426 = tpu.memref_slice %arg14[%dma_wait3A_424, %dma_wait3A_425] : memref<10240x128xf32, #tpu.memory_space<vmem_shared>> -> memref<10240x128xf32, #tpu.memory_space<vmem_shared>>
        tpu.wait_indirect_dma semaphore(%run_scoped3A_414 : memref<!tpu.dma_semaphore, #tpu.memory_space<semaphore_mem>>) src(%arg12 : memref<100x128xf32, #tpu.memory_space<vmem>>) dst(%dma_wait3A_426 : memref<10240x128xf32, #tpu.memory_space<vmem_shared>>)
        tpu.yield
      }) : () -> ()
      %dma_wait3A_402 = arith.constant 0 : i32
      %dma_wait3A_403 = tpu.memref_slice %arg13[%dma_wait3A_402] : memref<128xf32, #tpu.memory_space<vmem>> -> memref<100xf32, #tpu.memory_space<vmem>>
      %dma_wait3A_404 = arith.constant 0 : i32
      %dma_wait3A_405 = tpu.memref_slice %arg9[%add3A_388, %dma_wait3A_404] : memref<25x100xi32, #tpu.memory_space<vmem>> -> memref<1x100xi32, #tpu.memory_space<vmem>>
      %dma_wait3A_406 = tpu.memref_squeeze %dma_wait3A_405 : memref<1x100xi32, #tpu.memory_space<vmem>> -> memref<100xi32, #tpu.memory_space<vmem>>
      %dma_wait3A_407 = arith.constant 0 : i32
      %dma_wait3A_408 = tpu.memref_slice %arg15[%dma_wait3A_407] : memref<10240xf32, #tpu.memory_space<vmem_shared>> -> memref<10240xf32, #tpu.memory_space<vmem_shared>>
      tpu.wait_indirect_dma semaphore(%arg19 : memref<!tpu.dma_semaphore, #tpu.memory_space<semaphore_mem>>) src(%dma_wait3A_403 : memref<100xf32, #tpu.memory_space<vmem>>) dst(%dma_wait3A_408 : memref<10240xf32, #tpu.memory_space<vmem_shared>>)
      %lt3A_409 = arith.constant 7 : i32
      %lt3A_410 = arith.cmpi slt, %scan3A_332, %lt3A_409 : i32
      %convert_element_type3A_411 = arith.extui %lt3A_410 : i1 to i32
      %cond3A_412 = arith.constant 0 : i32
      %cond3A_413 = arith.cmpi ne, %convert_element_type3A_411, %cond3A_412 : i32
      scf.if %cond3A_413 {
        %add3A_414 = arith.constant 5 : i32
        %add3A_415 = arith.addi %mul3A_334, %add3A_414 : i32
        %dma_start3A_416 = arith.constant 0 : i32
        %dma_start3A_417 = tpu.memref_slice %arg8[%add3A_415, %dma_start3A_416] : memref<25x100xi32, #tpu.memory_space<vmem>> -> memref<1x100xi32, #tpu.memory_space<vmem>>
        %dma_start3A_418 = tpu.memref_squeeze %dma_start3A_417 : memref<1x100xi32, #tpu.memory_space<vmem>> -> memref<100xi32, #tpu.memory_space<vmem>>
        %dma_start3A_419 = arith.constant 0 : i32
        %dma_start3A_420 = arith.constant 0 : i32
        %dma_start3A_421 = tpu.memref_slice %arg2[%dma_start3A_419, %dma_start3A_420] : memref<10000x128xf32, #tpu.memory_space<hbm>> -> memref<10000x128xf32, #tpu.memory_space<hbm>>
        tpu.enqueue_indirect_dma source(%dma_start3A_421 : memref<10000x128xf32, #tpu.memory_space<hbm>>) target(%arg12 : memref<100x128xf32, #tpu.memory_space<vmem>>) offsets(%dma_start3A_418 : memref<100xi32, #tpu.memory_space<vmem>>) semaphore(%arg18 : memref<!tpu.dma_semaphore, #tpu.memory_space<semaphore_mem>>)
      } else {
      }
    }
    %scan3A_298 = arith.constant 8 : i32
    %dma_wait3A_299 = arith.constant 24 : i32
    %dma_wait3A_300 = arith.constant 0 : i32
    %dma_wait3A_301 = tpu.memref_slice %arg8[%dma_wait3A_299, %dma_wait3A_300] : memref<25x100xi32, #tpu.memory_space<vmem>> -> memref<1x100xi32, #tpu.memory_space<vmem>>
    %dma_wait3A_302 = tpu.memref_squeeze %dma_wait3A_301 : memref<1x100xi32, #tpu.memory_space<vmem>> -> memref<100xi32, #tpu.memory_space<vmem>>
    %dma_wait3A_303 = arith.constant 0 : i32
    %dma_wait3A_304 = arith.constant 0 : i32
    %dma_wait3A_305 = tpu.memref_slice %arg2[%dma_wait3A_303, %dma_wait3A_304] : memref<10000x128xf32, #tpu.memory_space<hbm>> -> memref<10000x128xf32, #tpu.memory_space<hbm>>
    tpu.wait_indirect_dma semaphore(%arg16 : memref<!tpu.dma_semaphore, #tpu.memory_space<semaphore_mem>>) src(%dma_wait3A_305 : memref<10000x128xf32, #tpu.memory_space<hbm>>) dst(%arg10 : memref<100x128xf32, #tpu.memory_space<vmem>>)
    %dma_start3A_306 = arith.constant 24 : i32
    %dma_start3A_307 = arith.constant 0 : i32
    %dma_start3A_308 = tpu.memref_slice %arg13[%dma_start3A_307] : memref<128xf32, #tpu.memory_space<vmem>> -> memref<100xf32, #tpu.memory_space<vmem>>
    %dma_start3A_309 = arith.constant 0 : i32
    %dma_start3A_310 = tpu.memref_slice %arg9[%dma_start3A_306, %dma_start3A_309] : memref<25x100xi32, #tpu.memory_space<vmem>> -> memref<1x100xi32, #tpu.memory_space<vmem>>
    %dma_start3A_311 = tpu.memref_squeeze %dma_start3A_310 : memref<1x100xi32, #tpu.memory_space<vmem>> -> memref<100xi32, #tpu.memory_space<vmem>>
    %dma_start3A_312 = arith.constant 0 : i32
    %dma_start3A_313 = tpu.memref_slice %arg15[%dma_start3A_312] : memref<10240xf32, #tpu.memory_space<vmem_shared>> -> memref<10240xf32, #tpu.memory_space<vmem_shared>>
    tpu.enqueue_indirect_dma source(%dma_start3A_308 : memref<100xf32, #tpu.memory_space<vmem>>) target(%dma_start3A_313 : memref<10240xf32, #tpu.memory_space<vmem_shared>>) offsets(%dma_start3A_311 : memref<100xi32, #tpu.memory_space<vmem>>) semaphore(%arg19 : memref<!tpu.dma_semaphore, #tpu.memory_space<semaphore_mem>>) {add = true}
    %run_scoped3A_314 = arith.constant 24 : i32
    "tpu.region"() ({
      %run_scoped3A_332 = tpu.sem_alloc : memref<!tpu.dma_semaphore, #tpu.memory_space<semaphore_mem>>
      %dma_start3A_333 = arith.constant 0 : i32
      %dma_start3A_334 = tpu.memref_slice %arg9[%run_scoped3A_314, %dma_start3A_333] : memref<25x100xi32, #tpu.memory_space<vmem>> -> memref<1x100xi32, #tpu.memory_space<vmem>>
      %dma_start3A_335 = tpu.memref_squeeze %dma_start3A_334 : memref<1x100xi32, #tpu.memory_space<vmem>> -> memref<100xi32, #tpu.memory_space<vmem>>
      %dma_start3A_336 = arith.constant 0 : i32
      %dma_start3A_337 = arith.constant 0 : i32
      %dma_start3A_338 = tpu.memref_slice %arg14[%dma_start3A_336, %dma_start3A_337] : memref<10240x128xf32, #tpu.memory_space<vmem_shared>> -> memref<10240x128xf32, #tpu.memory_space<vmem_shared>>
      tpu.enqueue_indirect_dma source(%arg10 : memref<100x128xf32, #tpu.memory_space<vmem>>) target(%dma_start3A_338 : memref<10240x128xf32, #tpu.memory_space<vmem_shared>>) offsets(%dma_start3A_335 : memref<100xi32, #tpu.memory_space<vmem>>) semaphore(%run_scoped3A_332 : memref<!tpu.dma_semaphore, #tpu.memory_space<semaphore_mem>>) {add = true}
      %dma_wait3A_339 = arith.constant 0 : i32
      %dma_wait3A_340 = tpu.memref_slice %arg9[%run_scoped3A_314, %dma_wait3A_339] : memref<25x100xi32, #tpu.memory_space<vmem>> -> memref<1x100xi32, #tpu.memory_space<vmem>>
      %dma_wait3A_341 = tpu.memref_squeeze %dma_wait3A_340 : memref<1x100xi32, #tpu.memory_space<vmem>> -> memref<100xi32, #tpu.memory_space<vmem>>
      %dma_wait3A_342 = arith.constant 0 : i32
      %dma_wait3A_343 = arith.constant 0 : i32
      %dma_wait3A_344 = tpu.memref_slice %arg14[%dma_wait3A_342, %dma_wait3A_343] : memref<10240x128xf32, #tpu.memory_space<vmem_shared>> -> memref<10240x128xf32, #tpu.memory_space<vmem_shared>>
      tpu.wait_indirect_dma semaphore(%run_scoped3A_332 : memref<!tpu.dma_semaphore, #tpu.memory_space<semaphore_mem>>) src(%arg10 : memref<100x128xf32, #tpu.memory_space<vmem>>) dst(%dma_wait3A_344 : memref<10240x128xf32, #tpu.memory_space<vmem_shared>>)
      tpu.yield
    }) : () -> ()
    %dma_wait3A_315 = arith.constant 24 : i32
    %dma_wait3A_316 = arith.constant 0 : i32
    %dma_wait3A_317 = tpu.memref_slice %arg13[%dma_wait3A_316] : memref<128xf32, #tpu.memory_space<vmem>> -> memref<100xf32, #tpu.memory_space<vmem>>
    %dma_wait3A_318 = arith.constant 0 : i32
    %dma_wait3A_319 = tpu.memref_slice %arg9[%dma_wait3A_315, %dma_wait3A_318] : memref<25x100xi32, #tpu.memory_space<vmem>> -> memref<1x100xi32, #tpu.memory_space<vmem>>
    %dma_wait3A_320 = tpu.memref_squeeze %dma_wait3A_319 : memref<1x100xi32, #tpu.memory_space<vmem>> -> memref<100xi32, #tpu.memory_space<vmem>>
    %dma_wait3A_321 = arith.constant 0 : i32
    %dma_wait3A_322 = tpu.memref_slice %arg15[%dma_wait3A_321] : memref<10240xf32, #tpu.memory_space<vmem_shared>> -> memref<10240xf32, #tpu.memory_space<vmem_shared>>
    tpu.wait_indirect_dma semaphore(%arg19 : memref<!tpu.dma_semaphore, #tpu.memory_space<semaphore_mem>>) src(%dma_wait3A_317 : memref<100xf32, #tpu.memory_space<vmem>>) dst(%dma_wait3A_322 : memref<10240xf32, #tpu.memory_space<vmem_shared>>)
    %barrier3A_323 = arith.constant 0 : index
    tpu.barrier barrier_id(%barrier3A_323)
    %mul3A_324 = arith.constant 640 : i32
    %mul3A_325 = arith.muli %arg1, %mul3A_324 : i32
    %mul3A_326 = arith.constant 640 : i32
    %mul3A_327 = arith.muli %arg1, %mul3A_326 : i32
    "tpu.region"() ({
      %run_scoped3A_332 = tpu.sem_alloc : memref<!tpu.dma_semaphore, #tpu.memory_space<semaphore_mem>>
      %dma_start3A_333 = arith.constant 0 : i32
      %dma_start3A_334 = tpu.memref_slice %arg6[%arg0, %mul3A_327, %dma_start3A_333] : memref<2x10240x128xf32, #tpu.memory_space<hbm>> -> memref<1x640x128xf32, #tpu.memory_space<hbm>>
      %dma_start3A_335 = tpu.memref_squeeze %dma_start3A_334 : memref<1x640x128xf32, #tpu.memory_space<hbm>> -> memref<640x128xf32, #tpu.memory_space<hbm>>
      %dma_start3A_336 = arith.constant 0 : i32
      %dma_start3A_337 = tpu.memref_slice %arg14[%mul3A_325, %dma_start3A_336] : memref<10240x128xf32, #tpu.memory_space<vmem_shared>> -> memref<640x128xf32, #tpu.memory_space<vmem_shared>>
      tpu.enqueue_dma source(%dma_start3A_337 : memref<640x128xf32, #tpu.memory_space<vmem_shared>>) target(%dma_start3A_335 : memref<640x128xf32, #tpu.memory_space<hbm>>) target_semaphore(%run_scoped3A_332 : memref<!tpu.dma_semaphore, #tpu.memory_space<semaphore_mem>>)
      %dma_wait3A_338 = arith.constant 0 : i32
      %dma_wait3A_339 = tpu.memref_slice %arg6[%arg0, %mul3A_327, %dma_wait3A_338] : memref<2x10240x128xf32, #tpu.memory_space<hbm>> -> memref<1x640x128xf32, #tpu.memory_space<hbm>>
      %dma_wait3A_340 = tpu.memref_squeeze %dma_wait3A_339 : memref<1x640x128xf32, #tpu.memory_space<hbm>> -> memref<640x128xf32, #tpu.memory_space<hbm>>
      %dma_wait3A_341 = arith.constant 0 : i32
      %dma_wait3A_342 = tpu.memref_slice %arg14[%mul3A_325, %dma_wait3A_341] : memref<10240x128xf32, #tpu.memory_space<vmem_shared>> -> memref<640x128xf32, #tpu.memory_space<vmem_shared>>
      tpu.wait_dma2 semaphore(%run_scoped3A_332 : memref<!tpu.dma_semaphore, #tpu.memory_space<semaphore_mem>>) src(%dma_wait3A_342 : memref<640x128xf32, #tpu.memory_space<vmem_shared>>) dst(%dma_wait3A_340 : memref<640x128xf32, #tpu.memory_space<hbm>>)
      tpu.yield
    }) : () -> ()
    %mul3A_328 = arith.constant 640 : i32
    %mul3A_329 = arith.muli %arg1, %mul3A_328 : i32
    %mul3A_330 = arith.constant 640 : i32
    %mul3A_331 = arith.muli %arg1, %mul3A_330 : i32
    "tpu.region"() ({
      %run_scoped3A_332 = tpu.sem_alloc : memref<!tpu.dma_semaphore, #tpu.memory_space<semaphore_mem>>
      %dma_start3A_333 = tpu.memref_slice %arg7[%arg0, %mul3A_331] : memref<2x10240xf32, #tpu.memory_space<hbm>> -> memref<1x640xf32, #tpu.memory_space<hbm>>
      %dma_start3A_334 = tpu.memref_squeeze %dma_start3A_333 : memref<1x640xf32, #tpu.memory_space<hbm>> -> memref<640xf32, #tpu.memory_space<hbm>>
      %dma_start3A_335 = tpu.memref_slice %arg15[%mul3A_329] : memref<10240xf32, #tpu.memory_space<vmem_shared>> -> memref<640xf32, #tpu.memory_space<vmem_shared>>
      tpu.enqueue_dma source(%dma_start3A_335 : memref<640xf32, #tpu.memory_space<vmem_shared>>) target(%dma_start3A_334 : memref<640xf32, #tpu.memory_space<hbm>>) target_semaphore(%run_scoped3A_332 : memref<!tpu.dma_semaphore, #tpu.memory_space<semaphore_mem>>)
      %dma_wait3A_336 = tpu.memref_slice %arg7[%arg0, %mul3A_331] : memref<2x10240xf32, #tpu.memory_space<hbm>> -> memref<1x640xf32, #tpu.memory_space<hbm>>
      %dma_wait3A_337 = tpu.memref_squeeze %dma_wait3A_336 : memref<1x640xf32, #tpu.memory_space<hbm>> -> memref<640xf32, #tpu.memory_space<hbm>>
      %dma_wait3A_338 = tpu.memref_slice %arg15[%mul3A_329] : memref<10240xf32, #tpu.memory_space<vmem_shared>> -> memref<640xf32, #tpu.memory_space<vmem_shared>>
      tpu.wait_dma2 semaphore(%run_scoped3A_332 : memref<!tpu.dma_semaphore, #tpu.memory_space<semaphore_mem>>) src(%dma_wait3A_338 : memref<640xf32, #tpu.memory_space<vmem_shared>>) dst(%dma_wait3A_337 : memref<640xf32, #tpu.memory_space<hbm>>)
      tpu.yield
    }) : () -> ()
    return
  }
}

module attributes {stable_mosaic.version = 14 : i64} {
  func.func @_ln_body(%arg0: i32, %arg1: memref<1000x128xf32, #tpu.memory_space<vmem>>, %arg2: memref<1x128xf32, #tpu.memory_space<vmem>>, %arg3: memref<1x128xf32, #tpu.memory_space<vmem>>, %arg4: memref<1000x128xf32, #tpu.memory_space<vmem>>) attributes {dimension_semantics = [#tpu.dimension_semantics<arbitrary>], iteration_bounds = array<i64: 10>, scalar_prefetch = 0 : i64, scratch_operands = 0 : i64, tpu.core_type = #tpu.core_type<tc>, window_params = [{transform_indices = @transform_0, window_bounds = array<i64: 1000, 128>}, {pipeline_mode = #tpu.pipeline_mode<synchronous>, transform_indices = @transform_1, window_bounds = array<i64: 1, 128>}, {pipeline_mode = #tpu.pipeline_mode<synchronous>, transform_indices = @transform_2, window_bounds = array<i64: 1, 128>}, {transform_indices = @transform_3, window_bounds = array<i64: 1000, 128>}]} {
    %get3A = arith.constant 0 : index
    %get3A_0 = arith.constant 0 : index
    %get3A_1 = vector.load %arg1[%get3A, %get3A_0] : memref<1000x128xf32, #tpu.memory_space<vmem>>, vector<1000x128xf32>
    %reduce_sum3A = arith.constant dense<0.000000e+00> : vector<1000xf32>
    %reduce_sum3A_2 = vector.multi_reduction <add>, %get3A_1, %reduce_sum3A [1] : vector<1000x128xf32> to vector<1000xf32>
    %broadcast_in_dim3A = vector.shape_cast %reduce_sum3A_2 : vector<1000xf32> to vector<1000x1xf32>
    %div3A = arith.constant 1.280000e+02 : f32
    %div3A_3 = vector.broadcast %div3A : f32 to vector<1000x1xf32>
    %div3A_4 = arith.divf %broadcast_in_dim3A, %div3A_3 : vector<1000x1xf32>
    %sub3A = vector.broadcast %div3A_4 : vector<1000x1xf32> to vector<1000x128xf32>
    %sub3A_5 = arith.subf %get3A_1, %sub3A : vector<1000x128xf32>
    %mul3A = arith.mulf %sub3A_5, %sub3A_5 : vector<1000x128xf32>
    %reduce_sum3A_6 = arith.constant dense<0.000000e+00> : vector<1000xf32>
    %reduce_sum3A_7 = vector.multi_reduction <add>, %mul3A, %reduce_sum3A_6 [1] : vector<1000x128xf32> to vector<1000xf32>
    %broadcast_in_dim3A_8 = vector.shape_cast %reduce_sum3A_7 : vector<1000xf32> to vector<1000x1xf32>
    %div3A_9 = arith.constant 1.280000e+02 : f32
    %div3A_10 = vector.broadcast %div3A_9 : f32 to vector<1000x1xf32>
    %div3A_11 = arith.divf %broadcast_in_dim3A_8, %div3A_10 : vector<1000x1xf32>
    %add3A = arith.constant 9.99999974E-6 : f32
    %add3A_12 = vector.broadcast %add3A : f32 to vector<1000x1xf32>
    %add3A_13 = arith.addf %div3A_11, %add3A_12 : vector<1000x1xf32>
    %rsqrt3A = math.rsqrt %add3A_13 : vector<1000x1xf32>
    %mul3A_14 = vector.broadcast %rsqrt3A : vector<1000x1xf32> to vector<1000x128xf32>
    %mul3A_15 = arith.mulf %sub3A_5, %mul3A_14 : vector<1000x128xf32>
    %get3A_16 = arith.constant 0 : index
    %get3A_17 = arith.constant 0 : index
    %get3A_18 = vector.load %arg2[%get3A_16, %get3A_17] : memref<1x128xf32, #tpu.memory_space<vmem>>, vector<1x128xf32>
    %mul3A_19 = vector.broadcast %get3A_18 : vector<1x128xf32> to vector<1000x128xf32>
    %mul3A_20 = arith.mulf %mul3A_15, %mul3A_19 : vector<1000x128xf32>
    %get3A_21 = arith.constant 0 : index
    %get3A_22 = arith.constant 0 : index
    %get3A_23 = vector.load %arg3[%get3A_21, %get3A_22] : memref<1x128xf32, #tpu.memory_space<vmem>>, vector<1x128xf32>
    %add3A_24 = vector.broadcast %get3A_23 : vector<1x128xf32> to vector<1000x128xf32>
    %add3A_25 = arith.addf %mul3A_20, %add3A_24 : vector<1000x128xf32>
    %swap3A = arith.constant 0 : index
    %swap3A_26 = arith.constant 0 : index
    %swap3A_27 = vector.load %arg4[%swap3A, %swap3A_26] : memref<1000x128xf32, #tpu.memory_space<vmem>>, vector<1000x128xf32>
    tpu.vector_store %arg4[%swap3A, %swap3A_26], %add3A_25 {strides = array<i32>} : memref<1000x128xf32, #tpu.memory_space<vmem>>, vector<1000x128xf32>,
    return
  }
  func.func @transform_0(%arg0: i32) -> (i32, i32) {
    %c0_i32 = arith.constant 0 : i32
    %c0_i32_0 = arith.constant 0 : i32
    return %arg0, %c0_i32 : i32, i32
  }
  func.func @transform_1(%arg0: i32) -> (i32, i32) {
    %c0_i32 = arith.constant 0 : i32
    %c0_i32_0 = arith.constant 0 : i32
    %c0_i32_1 = arith.constant 0 : i32
    return %c0_i32, %c0_i32_0 : i32, i32
  }
  func.func @transform_2(%arg0: i32) -> (i32, i32) {
    %c0_i32 = arith.constant 0 : i32
    %c0_i32_0 = arith.constant 0 : i32
    %c0_i32_1 = arith.constant 0 : i32
    return %c0_i32, %c0_i32_0 : i32, i32
  }
  func.func @transform_3(%arg0: i32) -> (i32, i32) {
    %c0_i32 = arith.constant 0 : i32
    %c0_i32_0 = arith.constant 0 : i32
    return %arg0, %c0_i32 : i32, i32
  }
}

module attributes {stable_mosaic.version = 14 : i64} {
  func.func @_tail_body(%arg0: i32, %arg1: memref<1000x128xf32, #tpu.memory_space<vmem>>, %arg2: memref<1x1000x128xf32, #tpu.memory_space<vmem>>, %arg3: memref<1x1000x128xf32, #tpu.memory_space<vmem>>, %arg4: memref<1x1000x1xf32, #tpu.memory_space<vmem>>, %arg5: memref<1x1000x1xf32, #tpu.memory_space<vmem>>, %arg6: memref<128x128xf32, #tpu.memory_space<vmem>>, %arg7: memref<128x128xf32, #tpu.memory_space<vmem>>, %arg8: memref<128x128xf32, #tpu.memory_space<vmem>>, %arg9: memref<1x128xf32, #tpu.memory_space<vmem>>, %arg10: memref<1x128xf32, #tpu.memory_space<vmem>>, %arg11: memref<1x128xf32, #tpu.memory_space<vmem>>, %arg12: memref<1x128xf32, #tpu.memory_space<vmem>>, %arg13: memref<1000x128xf32, #tpu.memory_space<vmem>>) attributes {dimension_semantics = [#tpu.dimension_semantics<arbitrary>], iteration_bounds = array<i64: 10>, scalar_prefetch = 0 : i64, scratch_operands = 0 : i64, tpu.core_type = #tpu.core_type<tc>, window_params = [{transform_indices = @transform_0, window_bounds = array<i64: 1000, 128>}, {transform_indices = @transform_1, window_bounds = array<i64: 1, 1000, 128>}, {transform_indices = @transform_2, window_bounds = array<i64: 1, 1000, 128>}, {transform_indices = @transform_3, window_bounds = array<i64: 1, 1000, 1>}, {transform_indices = @transform_4, window_bounds = array<i64: 1, 1000, 1>}, {pipeline_mode = #tpu.pipeline_mode<synchronous>, transform_indices = @transform_5, window_bounds = array<i64: 128, 128>}, {pipeline_mode = #tpu.pipeline_mode<synchronous>, transform_indices = @transform_6, window_bounds = array<i64: 128, 128>}, {pipeline_mode = #tpu.pipeline_mode<synchronous>, transform_indices = @transform_7, window_bounds = array<i64: 128, 128>}, {pipeline_mode = #tpu.pipeline_mode<synchronous>, transform_indices = @transform_8, window_bounds = array<i64: 1, 128>}, {pipeline_mode = #tpu.pipeline_mode<synchronous>, transform_indices = @transform_9, window_bounds = array<i64: 1, 128>}, {pipeline_mode = #tpu.pipeline_mode<synchronous>, transform_indices = @transform_10, window_bounds = array<i64: 1, 128>}, {pipeline_mode = #tpu.pipeline_mode<synchronous>, transform_indices = @transform_11, window_bounds = array<i64: 1, 128>}, {transform_indices = @transform_12, window_bounds = array<i64: 1000, 128>}]} {
    %get3A = arith.constant 0 : index
    %get3A_0 = arith.constant 0 : index
    %get3A_1 = vector.load %arg1[%get3A, %get3A_0] : memref<1000x128xf32, #tpu.memory_space<vmem>>, vector<1000x128xf32>
    %get3A_2 = arith.constant 0 : index
    %get3A_3 = arith.constant 0 : index
    %get3A_4 = arith.constant 0 : index
    %get3A_5 = vector.load %arg2[%get3A_2, %get3A_3, %get3A_4] : memref<1x1000x128xf32, #tpu.memory_space<vmem>>, vector<1x1000x128xf32>
    %get3A_6 = vector.shape_cast %get3A_5 : vector<1x1000x128xf32> to vector<1000x128xf32>
    %get3A_7 = arith.constant 0 : index
    %get3A_8 = arith.constant 0 : index
    %get3A_9 = arith.constant 0 : index
    %get3A_10 = vector.load %arg3[%get3A_7, %get3A_8, %get3A_9] : memref<1x1000x128xf32, #tpu.memory_space<vmem>>, vector<1x1000x128xf32>
    %get3A_11 = vector.shape_cast %get3A_10 : vector<1x1000x128xf32> to vector<1000x128xf32>
    %add3A = arith.addf %get3A_6, %get3A_11 : vector<1000x128xf32>
    %get3A_12 = arith.constant 0 : index
    %get3A_13 = arith.constant 0 : index
    %get3A_14 = arith.constant 0 : index
    %get3A_15 = vector.load %arg4[%get3A_12, %get3A_13, %get3A_14] : memref<1x1000x1xf32, #tpu.memory_space<vmem>>, vector<1x1000x1xf32>
    %get3A_16 = vector.shape_cast %get3A_15 : vector<1x1000x1xf32> to vector<1000x1xf32>
    %get3A_17 = arith.constant 0 : index
    %get3A_18 = arith.constant 0 : index
    %get3A_19 = arith.constant 0 : index
    %get3A_20 = vector.load %arg5[%get3A_17, %get3A_18, %get3A_19] : memref<1x1000x1xf32, #tpu.memory_space<vmem>>, vector<1x1000x1xf32>
    %get3A_21 = vector.shape_cast %get3A_20 : vector<1x1000x1xf32> to vector<1000x1xf32>
    %add3A_22 = arith.addf %get3A_16, %get3A_21 : vector<1000x1xf32>
    %max3A = arith.constant 1.000000e+00 : f32
    %max3A_23 = vector.broadcast %max3A : f32 to vector<1000x1xf32>
    %max3A_24 = arith.maximumf %add3A_22, %max3A_23 : vector<1000x1xf32>
    %div3A = vector.broadcast %max3A_24 : vector<1000x1xf32> to vector<1000x128xf32>
    %div3A_25 = arith.divf %add3A, %div3A : vector<1000x128xf32>
    %get3A_26 = arith.constant 0 : index
    %get3A_27 = arith.constant 0 : index
    %get3A_28 = vector.load %arg6[%get3A_26, %get3A_27] : memref<128x128xf32, #tpu.memory_space<vmem>>, vector<128x128xf32>
    %dot_general3A = arith.constant dense<0.000000e+00> : vector<1000x128xf32>
    %dot_general3A_29 = tpu.matmul %get3A_1, %get3A_28, %dot_general3A {dimension_numbers = #tpu.dot_dimension_numbers<[1], [1], [0], [0], [0, 0, 1, 0], [], []>, transpose_lhs_hint = false} : vector<1000x128xf32>, vector<128x128xf32>, vector<1000x128xf32> -> vector<1000x128xf32>
    %get3A_30 = arith.constant 0 : index
    %get3A_31 = arith.constant 0 : index
    %get3A_32 = vector.load %arg7[%get3A_30, %get3A_31] : memref<128x128xf32, #tpu.memory_space<vmem>>, vector<128x128xf32>
    %dot_general3A_33 = arith.constant dense<0.000000e+00> : vector<1000x128xf32>
    %dot_general3A_34 = tpu.matmul %div3A_25, %get3A_32, %dot_general3A_33 {dimension_numbers = #tpu.dot_dimension_numbers<[1], [1], [0], [0], [0, 0, 1, 0], [], []>, transpose_lhs_hint = false} : vector<1000x128xf32>, vector<128x128xf32>, vector<1000x128xf32> -> vector<1000x128xf32>
    %add3A_35 = arith.addf %dot_general3A_29, %dot_general3A_34 : vector<1000x128xf32>
    %get3A_36 = arith.constant 0 : index
    %get3A_37 = arith.constant 0 : index
    %get3A_38 = vector.load %arg9[%get3A_36, %get3A_37] : memref<1x128xf32, #tpu.memory_space<vmem>>, vector<1x128xf32>
    %add3A_39 = vector.broadcast %get3A_38 : vector<1x128xf32> to vector<1000x128xf32>
    %add3A_40 = arith.addf %add3A_35, %add3A_39 : vector<1000x128xf32>
    %add3A_41 = arith.addf %add3A_40, %get3A_1 : vector<1000x128xf32>
    %reduce_sum3A = arith.constant dense<0.000000e+00> : vector<1000xf32>
    %reduce_sum3A_42 = vector.multi_reduction <add>, %add3A_41, %reduce_sum3A [1] : vector<1000x128xf32> to vector<1000xf32>
    %broadcast_in_dim3A = vector.shape_cast %reduce_sum3A_42 : vector<1000xf32> to vector<1000x1xf32>
    %div3A_43 = arith.constant 1.280000e+02 : f32
    %div3A_44 = vector.broadcast %div3A_43 : f32 to vector<1000x1xf32>
    %div3A_45 = arith.divf %broadcast_in_dim3A, %div3A_44 : vector<1000x1xf32>
    %sub3A = vector.broadcast %div3A_45 : vector<1000x1xf32> to vector<1000x128xf32>
    %sub3A_46 = arith.subf %add3A_41, %sub3A : vector<1000x128xf32>
    %mul3A = arith.mulf %sub3A_46, %sub3A_46 : vector<1000x128xf32>
    %reduce_sum3A_47 = arith.constant dense<0.000000e+00> : vector<1000xf32>
    %reduce_sum3A_48 = vector.multi_reduction <add>, %mul3A, %reduce_sum3A_47 [1] : vector<1000x128xf32> to vector<1000xf32>
    %broadcast_in_dim3A_49 = vector.shape_cast %reduce_sum3A_48 : vector<1000xf32> to vector<1000x1xf32>
    %div3A_50 = arith.constant 1.280000e+02 : f32
    %div3A_51 = vector.broadcast %div3A_50 : f32 to vector<1000x1xf32>
    %div3A_52 = arith.divf %broadcast_in_dim3A_49, %div3A_51 : vector<1000x1xf32>
    %add3A_53 = arith.constant 9.99999974E-6 : f32
    %add3A_54 = vector.broadcast %add3A_53 : f32 to vector<1000x1xf32>
    %add3A_55 = arith.addf %div3A_52, %add3A_54 : vector<1000x1xf32>
    %rsqrt3A = math.rsqrt %add3A_55 : vector<1000x1xf32>
    %mul3A_56 = vector.broadcast %rsqrt3A : vector<1000x1xf32> to vector<1000x128xf32>
    %mul3A_57 = arith.mulf %sub3A_46, %mul3A_56 : vector<1000x128xf32>
    %get3A_58 = arith.constant 0 : index
    %get3A_59 = arith.constant 0 : index
    %get3A_60 = vector.load %arg10[%get3A_58, %get3A_59] : memref<1x128xf32, #tpu.memory_space<vmem>>, vector<1x128xf32>
    %mul3A_61 = vector.broadcast %get3A_60 : vector<1x128xf32> to vector<1000x128xf32>
    %mul3A_62 = arith.mulf %mul3A_57, %mul3A_61 : vector<1000x128xf32>
    %get3A_63 = arith.constant 0 : index
    %get3A_64 = arith.constant 0 : index
    %get3A_65 = vector.load %arg11[%get3A_63, %get3A_64] : memref<1x128xf32, #tpu.memory_space<vmem>>, vector<1x128xf32>
    %add3A_66 = vector.broadcast %get3A_65 : vector<1x128xf32> to vector<1000x128xf32>
    %add3A_67 = arith.addf %mul3A_62, %add3A_66 : vector<1000x128xf32>
    %get3A_68 = arith.constant 0 : index
    %get3A_69 = arith.constant 0 : index
    %get3A_70 = vector.load %arg8[%get3A_68, %get3A_69] : memref<128x128xf32, #tpu.memory_space<vmem>>, vector<128x128xf32>
    %dot_general3A_71 = arith.constant dense<0.000000e+00> : vector<1000x128xf32>
    %dot_general3A_72 = tpu.matmul %add3A_67, %get3A_70, %dot_general3A_71 {dimension_numbers = #tpu.dot_dimension_numbers<[1], [1], [0], [0], [0, 0, 1, 0], [], []>, transpose_lhs_hint = false} : vector<1000x128xf32>, vector<128x128xf32>, vector<1000x128xf32> -> vector<1000x128xf32>
    %get3A_73 = arith.constant 0 : index
    %get3A_74 = arith.constant 0 : index
    %get3A_75 = vector.load %arg12[%get3A_73, %get3A_74] : memref<1x128xf32, #tpu.memory_space<vmem>>, vector<1x128xf32>
    %add3A_76 = vector.broadcast %get3A_75 : vector<1x128xf32> to vector<1000x128xf32>
    %add3A_77 = arith.addf %dot_general3A_72, %add3A_76 : vector<1000x128xf32>
    %gt3A = arith.constant 0.000000e+00 : f32
    %gt3A_78 = vector.broadcast %gt3A : f32 to vector<1000x128xf32>
    %gt3A_79 = arith.cmpf ogt, %add3A_77, %gt3A_78 : vector<1000x128xf32>
    %min3A = arith.constant 0.000000e+00 : f32
    %min3A_80 = vector.broadcast %min3A : f32 to vector<1000x128xf32>
    %min3A_81 = arith.minimumf %add3A_77, %min3A_80 : vector<1000x128xf32>
    %exp3A = math.exp %min3A_81 : vector<1000x128xf32>
    %sub3A_82 = arith.constant 1.000000e+00 : f32
    %sub3A_83 = vector.broadcast %sub3A_82 : f32 to vector<1000x128xf32>
    %sub3A_84 = arith.subf %exp3A, %sub3A_83 : vector<1000x128xf32>
    %select_n3A = arith.select %gt3A_79, %add3A_77, %sub3A_84 : vector<1000x128xi1>, vector<1000x128xf32>
    %add3A_85 = arith.addf %select_n3A, %add3A_67 : vector<1000x128xf32>
    %swap3A = arith.constant 0 : index
    %swap3A_86 = arith.constant 0 : index
    %swap3A_87 = vector.load %arg13[%swap3A, %swap3A_86] : memref<1000x128xf32, #tpu.memory_space<vmem>>, vector<1000x128xf32>
    tpu.vector_store %arg13[%swap3A, %swap3A_86], %add3A_85 {strides = array<i32>} : memref<1000x128xf32, #tpu.memory_space<vmem>>, vector<1000x128xf32>,
    return
  }
  func.func @transform_0(%arg0: i32) -> (i32, i32) {
    %c0_i32 = arith.constant 0 : i32
    %c0_i32_0 = arith.constant 0 : i32
    return %arg0, %c0_i32 : i32, i32
  }
  func.func @transform_1(%arg0: i32) -> (i32, i32, i32) {
    %c0_i32 = arith.constant 0 : i32
    %c0_i32_0 = arith.constant 0 : i32
    %c0_i32_1 = arith.constant 0 : i32
    return %c0_i32, %arg0, %c0_i32_0 : i32, i32, i32
  }
  func.func @transform_2(%arg0: i32) -> (i32, i32, i32) {
    %c1_i32 = arith.constant 1 : i32
    %c0_i32 = arith.constant 0 : i32
    %c0_i32_0 = arith.constant 0 : i32
    return %c1_i32, %arg0, %c0_i32 : i32, i32, i32
  }
  func.func @transform_3(%arg0: i32) -> (i32, i32, i32) {
    %c0_i32 = arith.constant 0 : i32
    %c0_i32_0 = arith.constant 0 : i32
    %c0_i32_1 = arith.constant 0 : i32
    return %c0_i32, %arg0, %c0_i32_0 : i32, i32, i32
  }
  func.func @transform_4(%arg0: i32) -> (i32, i32, i32) {
    %c1_i32 = arith.constant 1 : i32
    %c0_i32 = arith.constant 0 : i32
    %c0_i32_0 = arith.constant 0 : i32
    return %c1_i32, %arg0, %c0_i32 : i32, i32, i32
  }
  func.func @transform_5(%arg0: i32) -> (i32, i32) {
    %c0_i32 = arith.constant 0 : i32
    %c0_i32_0 = arith.constant 0 : i32
    %c0_i32_1 = arith.constant 0 : i32
    return %c0_i32, %c0_i32_0 : i32, i32
  }
  func.func @transform_6(%arg0: i32) -> (i32, i32) {
    %c0_i32 = arith.constant 0 : i32
    %c0_i32_0 = arith.constant 0 : i32
    %c0_i32_1 = arith.constant 0 : i32
    return %c0_i32, %c0_i32_0 : i32, i32
  }
  func.func @transform_7(%arg0: i32) -> (i32, i32) {
    %c0_i32 = arith.constant 0 : i32
    %c0_i32_0 = arith.constant 0 : i32
    %c0_i32_1 = arith.constant 0 : i32
    return %c0_i32, %c0_i32_0 : i32, i32
  }
  func.func @transform_8(%arg0: i32) -> (i32, i32) {
    %c0_i32 = arith.constant 0 : i32
    %c0_i32_0 = arith.constant 0 : i32
    %c0_i32_1 = arith.constant 0 : i32
    return %c0_i32, %c0_i32_0 : i32, i32
  }
  func.func @transform_9(%arg0: i32) -> (i32, i32) {
    %c0_i32 = arith.constant 0 : i32
    %c0_i32_0 = arith.constant 0 : i32
    %c0_i32_1 = arith.constant 0 : i32
    return %c0_i32, %c0_i32_0 : i32, i32
  }
  func.func @transform_10(%arg0: i32) -> (i32, i32) {
    %c0_i32 = arith.constant 0 : i32
    %c0_i32_0 = arith.constant 0 : i32
    %c0_i32_1 = arith.constant 0 : i32
    return %c0_i32, %c0_i32_0 : i32, i32
  }
  func.func @transform_11(%arg0: i32) -> (i32, i32) {
    %c0_i32 = arith.constant 0 : i32
    %c0_i32_0 = arith.constant 0 : i32
    %c0_i32_1 = arith.constant 0 : i32
    return %c0_i32, %c0_i32_0 : i32, i32
  }
  func.func @transform_12(%arg0: i32) -> (i32, i32) {
    %c0_i32 = arith.constant 0 : i32
    %c0_i32_0 = arith.constant 0 : i32
    return %arg0, %c0_i32 : i32, i32
  }
}

</mosaic_0001>

<sc_bundles>
// kernel: kernel.5.cloned.1.call-start
scs
__scs_entry_jumppad:
0x0: {  	(pc) =	sbr.rel $0x88, $3  }
0x1: {  	(tag) =	ssettag $0x0;
	lr =	simm.s32 $0x1  }
0x2: {  	[smem:$0x3F96] =	sst lr;
	_ =	strace $0xD0000000  }
0x3: {  	_ = 	snop  }
0x4: {  	_ = 	snop  }
0x5: {  	_ = 	snop  }
0x6: {  	_ = 	snop  }
0x7: {  	_ = 	snop  }
__scs_overlays_trampoline_lowered:
0x8: {  	[smem:$0x3FA5] =	sst s0  }
0x9: {  	[smem:$0x3FA6] =	sst s1  }
0xa: {  	[smem:$0x3FA7] =	sst s2  }
0xb: {  	[smem:$0x3FA8] =	sst s3  }
0xc: {  	[smem:$0x3FA9] =	sst s4  }
0xd: {  	[smem:$0x3FAA] =	sst s5  }
0xe: {  	[smem:$0x3FAB] =	sst s6  }
0xf: {  	[smem:$0x3FAC] =	sst s7  }
0x10: {  	[smem:$0x3FAD] =	sst s8  }
0x11: {  	[smem:$0x3FAE] =	sst s9;
	s0 =	simm.s32 @!p0 $0x0  }
0x12: {  	s1 =	sld [smem:$0x3F94];
	s0 =	simm.s32 @p0 $0x1  }
0x13: {  	[smem:$0x3FAF] =	sst s0;
	s0 =	simm.s32 @!p1 $0x0  }
0x14: {  	s2 =	sld [smem:$0x3F93];
	s0 =	simm.s32 @p1 $0x1  }
0x15: {  	[smem:$0x3FB0] =	sst s0;
	s0 =	simm.s32 @!p2 $0x0  }
0x16: {  	s3 =	sld [smem:$0x3FDB];
	s0 =	simm.s32 @p2 $0x1  }
0x17: {  	s4 =	simm.s32 $0x1BF5;
	[smem:$0x3FB2] =	sst s0  }
0x18: {  	s0 =	sld [smem:$0x3F95];
	_ =	swait.ge [sflag:s4], $0x0  }
0x19: {  	s7 =	sld [smem:$0x3F96]  }
0x1a: {  	s8 =	sadd.s32 $0xFFFFE003, lr  }
0x1b: {  	s9 =	sadd.s32 $0xFFFFFEF7, lr;
	s5 =	simm.s32 $0xFFFFFFFF;
	p2 =	slt.u32 s8, $0xFFFFF086  }
0x1c: {  	p1 =	slt.u32 s9, $0xF7A;
	s5 =	simm.s32 @!p2 $0x0  }
0x1d: {  	s5 =	simm.s32 @p1 $0x1;
	p0 =	seq.s32 s7, s2  }
0x1e: {  	s7 =	smul.u32 @!p0 $0xF7A, s2;
	p2 =	seq.s32 @!p0 s5, $0x0  }
0x1f: {  	s9 =	smul.u32 $0xF7A, s1;
	s8 =	simm.s32 @!p0 $0x1BF5;
	p2 =	por !p2, p0  }
0x20: {  	[sflag:s8] =	ssyncset.s32 @!p0 $0xFFFFF086;
	s6 =	sadd.s32 @!p0 s3, s7;
	s7 =	simm.s32 @!p0 $0x108  }
0x21: {  	s3 =	sadd.s32 s3, s9;
	s6 =	sadd.s32 @!p0 $0x88, s6;
	s7 =	simm.s32 @p2 $0x1082  }
0x22: {  	[simem:s7], [sflag:s8] =	dma.local @!p0 [hbm:s6], $0xF7A  }
0x23: {  	s9 =	sor.u32 $0xD0000000, s2;
	s6 =	simm.s32 $0x108;
	_ =	swait.ge @!p0 [sflag:s8], $0x0  }
0x24: {  	s3 =	sadd.s32 $0x88, s3;
	s6 =	simm.s32 @!p1 $0x1082;
	[sflag:s4] =	ssyncset.s32 $0xFFFFF086  }
0x25: {  	[simem:s6], [sflag:s4] =	dma.local [hbm:s3], $0xF7A  }
0x26: {  	[smem:$0x3F96] =	sst s1;
	(tag) =	ssettag s2;
	_ =	strace s9  }
0x27: {  	s1 =	sld [smem:$0x3FA6]  }
0x28: {  	s2 =	sld [smem:$0x3FA7]  }
0x29: {  	s4 =	sld [smem:$0x3FA9]  }
0x2a: {  	p0 =	seq.s32 s5, $0x0;
	s5 =	sld [smem:$0x3FAA]  }
0x2b: {  	s6 =	sld [smem:$0x3FAB]  }
0x2c: {  	s7 =	sld [smem:$0x3FAC]  }
0x2d: {  	s3 =	simm.s32 $0x108;
	s8 =	sld [smem:$0x3FAD]  }
0x2e: {  	s3 =	simm.s32 @!p0 $0x1082;
	s9 =	sld [smem:$0x3FAE]  }
0x2f: {  	lr =	sadd.s32 s0, s3;
	s0 =	sld [smem:$0x3FA5]  }
0x30: {  	s3 =	sld [smem:$0x3FA8]  }
0x31: {  	[smem:$0x3FB1] =	sst s10  }
0x32: {  	s10 =	sld [smem:$0x3FAF];
	_ =	sdelay $0x3  }
0x33: {  	p0 =	seq.s32 s10, $0x1;
	s10 =	sld [smem:$0x3FB1];
	_ =	sdelay $0x3  }
0x34: {  	[smem:$0x3FB1] =	sst s10  }
0x35: {  	s10 =	sld [smem:$0x3FB0];
	_ =	sdelay $0x3  }
0x36: {  	p1 =	seq.s32 s10, $0x1;
	s10 =	sld [smem:$0x3FB1];
	_ =	sdelay $0x3  }
0x37: {  	[smem:$0x3FB1] =	sst s10  }
0x38: {  	s10 =	sld [smem:$0x3FB2]  }
0x39: {  	_ = 	snop;
	(pc) =	sbr.ind lr, $3  }
0x3a: {  	_ = 	snop  }
0x3b: {  	_ = 	snop  }
0x3c: {  	p2 =	seq.s32 s10, $0x1;
	s10 =	sld [smem:$0x3FB1]  }
0x3d: {  	_ =	shalt  }
0x3e: {  	_ =	shalt  }
0x3f: {  	_ =	shalt  }
0x40: {  	_ =	shalt  }
0x41: {  	_ =	shalt  }
0x42: {  	_ =	shalt  }
0x43: {  	_ =	shalt  }
0x44: {  	_ =	shalt  }
0x45: {  	_ =	shalt  }
0x46: {  	_ =	shalt  }
0x47: {  	_ =	shalt  }
0x48: {  	_ =	shalt  }
0x49: {  	_ =	shalt  }
0x4a: {  	_ =	shalt  }
0x4b: {  	_ =	shalt  }
0x4c: {  	_ =	shalt  }
0x4d: {  	_ =	shalt  }
0x4e: {  	_ =	shalt  }
0x4f: {  	_ =	shalt  }
0x50: {  	_ =	shalt  }
0x51: {  	_ =	shalt  }
0x52: {  	_ =	shalt  }
0x53: {  	_ =	shalt  }
0x54: {  	_ =	shalt  }
0x55: {  	_ =	shalt  }
0x56: {  	_ =	shalt  }
0x57: {  	_ =	shalt  }
0x58: {  	_ =	shalt  }
0x59: {  	_ =	shalt  }
0x5a: {  	_ =	shalt  }
0x5b: {  	_ =	shalt  }
0x5c: {  	_ =	shalt  }
0x5d: {  	_ =	shalt  }
0x5e: {  	_ =	shalt  }
0x5f: {  	_ =	shalt  }
0x60: {  	_ =	shalt  }
0x61: {  	_ =	shalt  }
0x62: {  	_ =	shalt  }
0x63: {  	_ =	shalt  }
0x64: {  	_ =	shalt  }
0x65: {  	_ =	shalt  }
0x66: {  	_ =	shalt  }
0x67: {  	_ =	shalt  }
0x68: {  	_ =	shalt  }
0x69: {  	_ =	shalt  }
0x6a: {  	_ =	shalt  }
0x6b: {  	_ =	shalt  }
0x6c: {  	_ =	shalt  }
0x6d: {  	_ =	shalt  }
0x6e: {  	_ =	shalt  }
0x6f: {  	_ =	shalt  }
0x70: {  	_ =	shalt  }
0x71: {  	_ =	shalt  }
0x72: {  	_ =	shalt  }
0x73: {  	_ =	shalt  }
0x74: {  	_ =	shalt  }
0x75: {  	_ =	shalt  }
0x76: {  	_ =	shalt  }
0x77: {  	_ =	shalt  }
0x78: {  	_ =	shalt  }
0x79: {  	_ =	shalt  }
0x7a: {  	_ =	shalt  }
0x7b: {  	_ =	shalt  }
0x7c: {  	_ =	shalt  }
0x7d: {  	_ =	shalt  }
0x7e: {  	_ =	shalt  }
0x7f: {  	_ =	shalt  }
0x80: {  	_ =	shalt  }
0x81: {  	_ =	shalt  }
0x82: {  	_ =	shalt  }
0x83: {  	_ =	shalt  }
0x84: {  	_ =	shalt  }
0x85: {  	_ =	shalt  }
0x86: {  	_ =	shalt  }
0x87: {  	_ =	shalt  }
.Lfunc_end0:
.L_simem_size_0:
called_computation_lowered:
.L_overlay_start_0:
0x88: {  	s2 =	sld [smem:$0x3FD9]  }
0x89: {  	s3 =	sld [smem:$0x3FFE];
	_ =	sdelay $0x1  }
0x8a: {  	s1 =	srdreg.scid  }
0x8b: {  	s0 =	sand.u32 $0x1, s1  }
0x8c: {  	s17 =	sshll.u32 s0, $0xA;
	s2 =	sadd.s32 s3, s2  }
0x8d: {  	s2 =	sadd.s32 s2, s17  }
0x8e: {  	[smem:$0x3FBD] =	sst s2  }
0x8f: {  	_ = 	snop  }
0x90: {  	s2 =	sld [smem:$0x3FD0];
	(tm) =	ssettm $0x1  }
0x91: {  	s18 =	sld [smem:$0x3FFB];
	_ =	sdelay $0x3  }
0x92: {  	_ =	strace s18  }
0x93: {  	s3 =	sld [smem:$0x3FFC];
	_ =	sdelay $0x3  }
0x94: {  	_ =	strace s3  }
0x95: {  	s3 =	sld [smem:$0x3FFD];
	_ =	sdelay $0x3  }
0x96: {  	_ =	strace s3  }
0x97: {  	_ =	strace $0x8FFFFFFF  }
0x98: {  	s19 =	sld [smem:$0x3FDB];
	_ =	sdelay $0x1  }
0x99: {  	s4 =	simm.s32 $_scs_section_size  }
0x9a: {  	s5 =	simm.s32 $_size__tile_overlayer_lowered;
	s6 =	simm.s32 $_tile_overlayer_lowered  }
0x9b: {  	s22 =	simm.s32 $0x1BFF;
	s21 =	sshll.u32 s6, $0x1;
	s3 =	sadd.s32 s4, s19  }
0x9c: {  	s7 =	simm.s32 $0x0;
	s20 =	sshll.u32 s5, $0x1;
	s5 =	sadd.s32 s21, s3  }
0x9d: {  	[timem:s7], [sflag:s22] =	dma.local [hbm:s5], s20  }
0x9e: {  	_ =	swait.ge [sflag:s22], s20  }
0x9f: {  	s4 =	ssub.s32 $0x0, s20;
	[sflag:s22] =	ssyncset.done $0x0  }
0xa0: {  	[sflag:s22] =	ssyncadd.s32 s4;
	_ =	sdelay $0x1  }
0xa1: {  	s23 =	simm.s32 $0x1B8B  }
0xa2: {  	_ =	swait.ge [sflag:s23], $0x1  }
0xa3: {  	[sflag:s23] =	ssyncset.done $0x0  }
0xa4: {  	s25 =	simm.s32 $0x1B8E;
	s24 =	sld [smem:$0x3FFE];
	[sflag:s23] =	ssyncadd.s32 $0xFFFFFFFF  }
0xa5: {  	s26 =	simm.s32 $execute0_lowered;
	[smem:$0x3FD2] =	sst s25  }
0xa6: {  	s5 =	sshll.u32 s26, $0x1;
	_ =	strace $0x80000046;
	[dreg:$0x1] =	wrdreg $0xFFFFFFFF  }
0xa7: {  	s28 =	simm.s32 $_size_execute0_lowered;
	s3 =	sadd.s32 s3, s5;
	[dreg:$0x0] =	wrdreg $0x0  }
0xa8: {  	s5 =	sshll.u32 s28, $0x1;
	[dreg:$0x2] =	wrdreg s3  }
0xa9: {  	[dreg:$0x3] =	wrdreg s5  }
0xaa: {  	[dreg:$0x4] =	wrdreg $0xC0  }
0xab: {  	_ =	task [dreg:s7], $0x5FFFF  }
0xac: {  	[dreg:$0x1] =	wrdreg $0xFFFFFFFF  }
0xad: {  	[dreg:$0x0] =	wrdreg $0x60  }
0xae: {  	[dreg:$0x2] =	wrdreg s2  }
0xaf: {  	[dreg:$0x3] =	wrdreg s24  }
0xb0: {  	[dreg:$0x4] =	wrdreg $0xBC800  }
0xb1: {  	[dreg:$0x5] =	wrdreg $0x1FC800  }
0xb2: {  	[dreg:$0x6] =	wrdreg $0x9  }
0xb3: {  	_ =	task.clear_ibuf [dreg:s7], $0x7FFFF;
	_ =	strace $0x90000046  }
0xb4: {  	s29 =	simm.s32 $0x9;
	_ =	strace $0x80000048  }
0xb5: {  	_ =	swait.ge [sflag:s29], $0x1  }
0xb6: {  	[sflag:s29] =	ssyncadd.s32 $0xFFFFFFFF  }
0xb7: {  	_ =	strace $0x90000048  }
0xb8: {  	_ =	sfence  }
0xb9: {  	s30 =	sld [smem:$0x0];
	_ =	sdelay $0x2  }
0xba: {  	s31 =	sshll.u32 s1, $0xD;
	s1 =	sshrl.u32 s1, $0x2  }
0xbb: {  	s3 =	sand.u32 $0x4000, s31;
	s1 =	sadd.s32 s1, s30  }
0xbc: {  	s0 =	sor.u32 s3, s0;
	s1 =	sshll.u32 s1, $0x11  }
0xbd: {  	s0 =	sor.u32 s1, s0  }
0xbe: {  	s0 =	sadd.s32 $0x8F2B, s0  }
0xbf: {  	[sflag:s0] =	ssyncadd.remote.s32 $0x1  }
0xc0: {  	_ =	sfence.sel $0xFFFF  }
0xc1: {  	[dreg:$0x0] =	wrdreg $0xFFFFFFFF;
	(pc) =	sbr.abs _section_cstart, $3  }
0xc2: {  	[dreg:$0x1] =	wrdreg $0xFFFFFFFF  }
0xc3: {  	_ =	task.clear_ibuf [dreg:s7], $0x2FFFF;
	_ =	strace $0x9FFFFFFF  }
0xc4: {  	(tm) =	ssettm $0x7FFFFFFF  }
0xc5: {  	_ =	shalt  }
tec
execute0_lowered:
.L_overlay_start_1:
0x0: {  	(tag) =	ssettag $0x1  }
0x1: {  	s1 =	rddreg [dreg:$0x0]  }
0x2: {  	s0 =	rddreg [dreg:$0x1]  }
0x3: {  	s3 =	rddreg [dreg:$0x2]  }
0x4: {  	s4 =	rddreg [dreg:$0x3];
	s12 =	stileid.u32  }
0x5: {  	s2 =	srdreg.scid;
	s5 =	simm.s32 $0x0;
	s6 =	smul.u32 $0x280, s12  }
0x6: {  	s29 =	simm.s32 $0x2000;
	s30 =	simm.s32 $0x5;
	s20 =	smul.u32 $0x14000, s12  }
0x7: {  	s31 =	simm.s32 $0x1000;
	s2 =	sand.u32 $0x1, s2;
	s23 =	smul.u32 $0x500, s12  }
0x8: {  	s8 =	sshll.u32 s12, $0xB;
	[smem:$0x7FF] =	sst s5;
	s12 =	smul.u32 $0x50000, s12  }
0x9: {  	s21 =	sadd.s32 $0x22800, s0;
	s7 =	sshll.u32 s2, $0xF;
	s9 =	smul.u32 $0x140000, s2  }
0xa: {  	_ =	strace $0x80000047;
	[dreg:$0x5] =	wrdreg s21;
	s11 =	sshll.u32 s2, $0x7  }
0xb: {  	s2 =	ssub.s32 $0x2, s2;
	s7 =	sor.u32 s8, s7;
	s22 =	sshrl.u32 s6, $0x3  }
0xc: {  	s24 =	sor.u32 s11, s23;
	s25 =	sshrl.u32 s12, $0x2;
	s26 =	sshrl.u32 s2, $0x1  }
0xd: {  	s6 =	sadd.s32 s6, s4;
	s10 =	sadd.s32 s7, s0;
	s13 =	sadd.s32 s22, s0  }
0xe: {  	s8 =	sadd.s32 s20, s9;
	[dreg:$0xb] =	wrdreg s6;
	s16 =	sadd.s32 $0x22200, s13  }
0xf: {  	s7 =	sshrl.u32 s24, $0x3;
	s17 =	sadd.s32 $0x2200, s10;
	[dreg:$0xc] =	wrdreg s16  }
0x10: {  	s2 =	ssub.s32 s2, s26;
	s18 =	sadd.s32 $0x12200, s10;
	[dreg:$0xd] =	wrdreg s17  }
0x11: {  	s6 =	simm.s32 $0x5400;
	s19 =	sadd.s32 $0x2400, s10;
	[dreg:$0xe] =	wrdreg s18  }
0x12: {  	s8 =	sshrl.u32 s8, $0x3;
	s20 =	sadd.s32 $0x12400, s10;
	[dreg:$0xf] =	wrdreg s19  }
0x13: {  	s21 =	sadd.s32 $0x2600, s10;
	s22 =	sadd.s32 $0x12600, s10;
	[dreg:$0x10] =	wrdreg s20  }
0x14: {  	s23 =	sadd.s32 $0x2800, s10;
	s24 =	sadd.s32 $0x12800, s10;
	[dreg:$0x11] =	wrdreg s21  }
0x15: {  	s26 =	smax.u32 s2, $0x1;
	s2 =	simm.s32 $0x80;
	[dreg:$0x12] =	wrdreg s22  }
0x16: {  	s10 =	simm.s32 $0x1;
	s8 =	sadd.s32 s8, s0;
	[dreg:$0x13] =	wrdreg s23  }
0x17: {  	s0 =	sadd.s32 s7, s0;
	s7 =	sadd.s32 s25, s3;
	[dreg:$0x14] =	wrdreg s24  }
0x18: {  	s13 =	simm.s32 $0x2;
	[dreg:$0x17] =	wrdreg s26;
	s9 =	sadd.s32 $0x2800, s7  }
0x19: {  	s16 =	simm.s32 $0xC00;
	s11 =	sadd.s32 $0x5000, s7;
	[dreg:$0x6] =	wrdreg s9  }
0x1a: {  	s17 =	simm.s32 $0x1B00;
	s12 =	sadd.s32 $0x7800, s7;
	[dreg:$0x7] =	wrdreg s11  }
0x1b: {  	s18 =	simm.s32 $0x1B80;
	s14 =	sadd.s32 $0xA000, s7;
	[dreg:$0x8] =	wrdreg s12  }
0x1c: {  	s19 =	simm.s32 $0x1C00;
	s15 =	sadd.s32 $0xC800, s7;
	[dreg:$0x9] =	wrdreg s14  }
0x1d: {  	s20 =	simm.s32 $0x0;
	s25 =	sadd.s32 $0x23A00, s8;
	[dreg:$0xa] =	wrdreg s15  }
0x1e: {  	s0 =	sadd.s32 $0x23000, s0;
	s26 =	sadd.s32 $0xF000, s7;
	[dreg:$0x15] =	wrdreg s25  }
0x1f: {  	s28 =	sadd.s32 $0x11800, s7;
	s8 =	simm.s32 $0x100;
	[dreg:$0x16] =	wrdreg s0  }
0x20: {  	s0 =	simm.s32 $0x64;
	s9 =	simm.s32 $0x8800;
	s11 =	simm.s32 $0xBC00  }
0x21: {  	v0 =	vimm.f32 $1.000000000e+00;
	s12 =	simm.s32 $0x4;
	s14 =	simm.s32 $0x3;
	s15 =	simm.s32 $0x1A80  }
.LBB2_1:
0x22: {  	s21 =	rddreg [dreg:$0x5]  }
0x23: {  	[tilespmem:s29], [sflag:$0x5] =	stream.linear.gather [hbm4b:s21+s5], $0x3200, $0x38;
	[tilespmem:$0x1FF00] =	vst v63  }
0x24: {  	_ =	swait.ge [sflag:s30], $0x3200  }
0x25: {  	[sflag:s30] =	ssyncset.done $0x0  }
0x26: {  	[sflag:s30] =	ssyncadd.s32 $0xFFFFCE00  }
0x27: {  	[spmem:s7] =	stream.linear.scatter [tilespmem:s29], [sflag:$0x5], $0x2800, $0x38;
	[tilespmem:$0x1FF00] =	vst v63  }
0x28: {  	_ =	swait.ge [sflag:s30], $0x2800  }
0x29: {  	[sflag:s30] =	ssyncset.done $0x0  }
0x2a: {  	s23 =	rddreg [dreg:$0x6];
	[sflag:s30] =	ssyncadd.s32 $0xFFFFD800  }
0x2b: {  	[spmem:s23] =	stream.linear.scatter [tilespmem:s29], [sflag:$0x5], $0x2800, $0x38;
	[tilespmem:$0x1FF00] =	vst v63  }
0x2c: {  	_ =	swait.ge [sflag:s30], $0x2800  }
0x2d: {  	[sflag:s30] =	ssyncset.done $0x0  }
0x2e: {  	s24 =	rddreg [dreg:$0x7];
	[sflag:s30] =	ssyncadd.s32 $0xFFFFD800  }
0x2f: {  	[spmem:s24] =	stream.linear.scatter [tilespmem:s29], [sflag:$0x5], $0x2800, $0x38;
	[tilespmem:$0x1FF00] =	vst v63  }
0x30: {  	_ =	swait.ge [sflag:s30], $0x2800  }
0x31: {  	[sflag:s30] =	ssyncset.done $0x0  }
0x32: {  	s25 =	rddreg [dreg:$0x8];
	[sflag:s30] =	ssyncadd.s32 $0xFFFFD800  }
0x33: {  	[spmem:s25] =	stream.linear.scatter [tilespmem:s29], [sflag:$0x5], $0x2800, $0x38;
	[tilespmem:$0x1FF00] =	vst v63  }
0x34: {  	_ =	swait.ge [sflag:s30], $0x2800  }
0x35: {  	[sflag:s30] =	ssyncset.done $0x0  }
0x36: {  	s22 =	rddreg [dreg:$0x9];
	[sflag:s30] =	ssyncadd.s32 $0xFFFFD800  }
0x37: {  	[spmem:s22] =	stream.linear.scatter [tilespmem:s29], [sflag:$0x5], $0x2800, $0x38;
	[tilespmem:$0x1FF00] =	vst v63  }
0x38: {  	_ =	swait.ge [sflag:s30], $0x2800  }
0x39: {  	[sflag:s30] =	ssyncset.done $0x0  }
0x3a: {  	s23 =	rddreg [dreg:$0xa];
	[sflag:s30] =	ssyncadd.s32 $0xFFFFD800  }
0x3b: {  	[spmem:s23] =	stream.linear.scatter [tilespmem:s29], [sflag:$0x5], $0x2800, $0x38;
	[tilespmem:$0x1FF00] =	vst v63  }
0x3c: {  	_ =	swait.ge [sflag:s30], $0x2800  }
0x3d: {  	[sflag:s30] =	ssyncset.done $0x0  }
0x3e: {  	[sflag:s30] =	ssyncadd.s32 $0xFFFFD800  }
0x3f: {  	[spmem:s26] =	stream.linear.scatter [tilespmem:s29], [sflag:$0x5], $0x2800, $0x38;
	[tilespmem:$0x1FF00] =	vst v63  }
0x40: {  	_ =	swait.ge [sflag:s30], $0x2800  }
0x41: {  	[sflag:s30] =	ssyncset.done $0x0  }
0x42: {  	s24 =	stileid.u32;
	[sflag:s30] =	ssyncadd.s32 $0xFFFFD800  }
0x43: {  	[spmem:s28] =	stream.linear.scatter [tilespmem:s29], [sflag:$0x5], $0x2800, $0x38;
	[tilespmem:$0x1FF00] =	vst v63  }
0x44: {  	s21 =	sshll.u32 s24, $0x6;
	_ =	swait.ge [sflag:s30], $0x2800  }
0x45: {  	s21 =	sor.u32 $0x1C05, s21;
	[sflag:s30] =	ssyncset.done $0x0;
	s22 =	rddreg [dreg:$0xb]  }
0x46: {  	s23 =	rddreg [dreg:$0xc];
	[sflag:s30] =	ssyncadd.s32 $0xFFFFD800;
	s22 =	sshrl.u32 s22, $0x3  }
0x47: {  	[spmem:s22], [sflag:s21] =	dma.local [hbm:s23], $0x50  }
0x48: {  	_ =	swait.ge [sflag:s30], $0x50  }
0x49: {  	[sflag:s30] =	ssyncset.done $0x0  }
0x4a: {  	[sflag:s30] =	ssyncadd.s32 $0xFFFFFFB0  }
0x4b: {  	[tilespmem:$0xBC00] =	vst v0  }
0x4c: {  	[tilespmem:$0xBC10] =	vst v0  }
0x4d: {  	[tilespmem:$0xBC20] =	vst v0  }
0x4e: {  	[tilespmem:$0xBC30] =	vst v0  }
0x4f: {  	[tilespmem:$0xBC40] =	vst v0  }
0x50: {  	[tilespmem:$0xBC50] =	vst v0  }
0x51: {  	[tilespmem:$0xBC60] =	vst v0  }
0x52: {  	[tilespmem:$0xBC70] =	vst v0  }
0x53: {  	[bflag:$0x0] =	sbarrier.arrive $0xFFFF  }
0x54: {  	s25 =	rddreg [dreg:$0xd]  }
0x55: {  	[tilespmem:s5], [sflag:$0x5] =	stream.linear.gather [hbm4b:s25+s5], $0xC80, $0x38;
	[tilespmem:$0x1FF00] =	vst v63  }
0x56: {  	_ =	swait.ge [sflag:s30], $0xC80  }
0x57: {  	[sflag:s30] =	ssyncset.done $0x0  }
0x58: {  	s24 =	rddreg [dreg:$0xe];
	[sflag:s30] =	ssyncadd.s32 $0xFFFFF380  }
0x59: {  	[tilespmem:s31], [sflag:$0x5] =	stream.linear.gather [hbm4b:s24+s5], $0xC80, $0x38;
	[tilespmem:$0x1FF00] =	vst v63  }
0x5a: {  	_ =	swait.ge [sflag:s30], $0xC80  }
0x5b: {  	[sflag:s30] =	ssyncset.done $0x0  }
0x5c: {  	[sflag:s30] =	ssyncadd.s32 $0xFFFFF380  }
0x5d: {  	[tilespmem:s29], [sflag:$0x1] =	stream.indirect.gather [hbm4b:s1+s0], $0x80, s5, s0, $0xb8;
	[tilespmem:$0x1FF00] =	vst v63  }
0x5e: {  	_ = 	snop  }
0x5f: {  	[tilespmem:s6], [sflag:$0x2] =	stream.indirect.gather [hbm4b:s1+s0], $0x80, s2, s0, $0xb8;
	[tilespmem:$0x1FF00] =	vst v63  }
0x60: {  	_ = 	snop  }
0x61: {  	[tilespmem:s9], [sflag:$0x3] =	stream.indirect.gather [hbm4b:s1+s0], $0x80, s8, s0, $0xb8;
	[tilespmem:$0x1FF00] =	vst v63  }
0x62: {  	_ =	swait.ge [sflag:s10], $0x3200  }
0x63: {  	[sflag:s10] =	ssyncset.done $0x0  }
0x64: {  	s25 =	simm.s32 $0x1000;
	[sflag:s10] =	ssyncadd.s32 $0xFFFFCE00  }
0x65: {  	[spmem:s4] =	stream.indirect.scatter.add.f32 [tilespmem:s11], [sflag:$0x4], $0x1, s25, s0, $0xb8;
	[tilespmem:$0x1FF00] =	vst v63  }
0x66: {  	_ = 	snop  }
0x67: {  	[spmem:s3] =	stream.indirect.scatter.add.f32 [tilespmem:s29], [sflag:$0x5], $0x80, s25, s0, $0xb8;
	[tilespmem:$0x1FF00] =	vst v63  }
0x68: {  	_ =	swait.ge [sflag:s30], $0x3200  }
0x69: {  	[sflag:s30] =	ssyncset.done $0x0  }
0x6a: {  	[sflag:s30] =	ssyncadd.s32 $0xFFFFCE00  }
0x6b: {  	_ =	swait.ge [sflag:s12], $0x64  }
0x6c: {  	[sflag:s12] =	ssyncset.done $0x0  }
0x6d: {  	s24 =	simm.s32 $0x180;
	[sflag:s12] =	ssyncadd.s32 $0xFFFFFF9C  }
0x6e: {  	[tilespmem:s29], [sflag:$0x1] =	stream.indirect.gather [hbm4b:s1+s0], $0x80, s24, s0, $0xb8;
	[tilespmem:$0x1FF00] =	vst v63  }
0x6f: {  	_ =	swait.ge [sflag:s13], $0x3200  }
0x70: {  	[sflag:s13] =	ssyncset.done $0x0  }
0x71: {  	s25 =	simm.s32 $0x1080;
	[sflag:s13] =	ssyncadd.s32 $0xFFFFCE00  }
0x72: {  	[spmem:s4] =	stream.indirect.scatter.add.f32 [tilespmem:s11], [sflag:$0x4], $0x1, s25, s0, $0xb8;
	[tilespmem:$0x1FF00] =	vst v63  }
0x73: {  	_ = 	snop  }
0x74: {  	[spmem:s3] =	stream.indirect.scatter.add.f32 [tilespmem:s6], [sflag:$0x5], $0x80, s25, s0, $0xb8;
	[tilespmem:$0x1FF00] =	vst v63  }
0x75: {  	_ =	swait.ge [sflag:s30], $0x3200  }
0x76: {  	[sflag:s30] =	ssyncset.done $0x0  }
0x77: {  	[sflag:s30] =	ssyncadd.s32 $0xFFFFCE00  }
0x78: {  	_ =	swait.ge [sflag:s12], $0x64  }
0x79: {  	[sflag:s12] =	ssyncset.done $0x0  }
0x7a: {  	s24 =	simm.s32 $0x200;
	[sflag:s12] =	ssyncadd.s32 $0xFFFFFF9C  }
0x7b: {  	[tilespmem:s6], [sflag:$0x2] =	stream.indirect.gather [hbm4b:s1+s0], $0x80, s24, s0, $0xb8;
	[tilespmem:$0x1FF00] =	vst v63  }
0x7c: {  	_ =	swait.ge [sflag:s14], $0x3200  }
0x7d: {  	[sflag:s14] =	ssyncset.done $0x0  }
0x7e: {  	s25 =	simm.s32 $0x1100;
	[sflag:s14] =	ssyncadd.s32 $0xFFFFCE00  }
0x7f: {  	[spmem:s4] =	stream.indirect.scatter.add.f32 [tilespmem:s11], [sflag:$0x4], $0x1, s25, s0, $0xb8;
	[tilespmem:$0x1FF00] =	vst v63  }
0x80: {  	_ = 	snop  }
0x81: {  	[spmem:s3] =	stream.indirect.scatter.add.f32 [tilespmem:s9], [sflag:$0x5], $0x80, s25, s0, $0xb8;
	[tilespmem:$0x1FF00] =	vst v63  }
0x82: {  	_ =	swait.ge [sflag:s30], $0x3200  }
0x83: {  	[sflag:s30] =	ssyncset.done $0x0  }
0x84: {  	[sflag:s30] =	ssyncadd.s32 $0xFFFFCE00  }
0x85: {  	_ =	swait.ge [sflag:s12], $0x64  }
0x86: {  	[sflag:s12] =	ssyncset.done $0x0  }
0x87: {  	s23 =	simm.s32 $0x600;
	s24 =	simm.s32 $0x280;
	[sflag:s12] =	ssyncadd.s32 $0xFFFFFF9C  }
.LBB2_2:
0x88: {  	[tilespmem:s9], [sflag:$0x3] =	stream.indirect.gather [hbm4b:s1+s0], $0x80, s24, s0, $0xb8;
	[tilespmem:$0x1FF00] =	vst v63  }
0x89: {  	s24 =	smov.u32 s23  }
0x8a: {  	p0 =	sne.s32 s23, $0x2400;
	s23 =	sadd.s32 $0x600, s23;
	_ =	swait.ge [sflag:s10], $0x3200  }
0x8b: {  	s24 =	sshra.s32 s24, $0x2;
	[sflag:s10] =	ssyncset.done $0x0  }
0x8c: {  	s25 =	sadd.s32 $0x1000, s24;
	[sflag:s10] =	ssyncadd.s32 $0xFFFFCE00  }
0x8d: {  	[spmem:s4] =	stream.indirect.scatter.add.f32 [tilespmem:s11], [sflag:$0x4], $0x1, s25, s0, $0xb8;
	[tilespmem:$0x1FF00] =	vst v63  }
0x8e: {  	_ = 	snop  }
0x8f: {  	[spmem:s3] =	stream.indirect.scatter.add.f32 [tilespmem:s29], [sflag:$0x5], $0x80, s25, s0, $0xb8;
	[tilespmem:$0x1FF00] =	vst v63  }
0x90: {  	_ =	swait.ge [sflag:s30], $0x3200  }
0x91: {  	[sflag:s30] =	ssyncset.done $0x0  }
0x92: {  	[sflag:s30] =	ssyncadd.s32 $0xFFFFCE00  }
0x93: {  	_ =	swait.ge [sflag:s12], $0x64  }
0x94: {  	[sflag:s12] =	ssyncset.done $0x0  }
0x95: {  	s25 =	sadd.s32 $0x180, s24;
	[sflag:s12] =	ssyncadd.s32 $0xFFFFFF9C  }
0x96: {  	[tilespmem:s29], [sflag:$0x1] =	stream.indirect.gather [hbm4b:s1+s0], $0x80, s25, s0, $0xb8;
	[tilespmem:$0x1FF00] =	vst v63  }
0x97: {  	_ =	swait.ge [sflag:s13], $0x3200  }
0x98: {  	[sflag:s13] =	ssyncset.done $0x0  }
0x99: {  	s25 =	sadd.s32 $0x1080, s24;
	[sflag:s13] =	ssyncadd.s32 $0xFFFFCE00  }
0x9a: {  	[spmem:s4] =	stream.indirect.scatter.add.f32 [tilespmem:s11], [sflag:$0x4], $0x1, s25, s0, $0xb8;
	[tilespmem:$0x1FF00] =	vst v63  }
0x9b: {  	_ = 	snop  }
0x9c: {  	[spmem:s3] =	stream.indirect.scatter.add.f32 [tilespmem:s6], [sflag:$0x5], $0x80, s25, s0, $0xb8;
	[tilespmem:$0x1FF00] =	vst v63  }
0x9d: {  	_ =	swait.ge [sflag:s30], $0x3200  }
0x9e: {  	[sflag:s30] =	ssyncset.done $0x0  }
0x9f: {  	[sflag:s30] =	ssyncadd.s32 $0xFFFFCE00  }
0xa0: {  	_ =	swait.ge [sflag:s12], $0x64  }
0xa1: {  	[sflag:s12] =	ssyncset.done $0x0  }
0xa2: {  	s25 =	sadd.s32 $0x200, s24;
	[sflag:s12] =	ssyncadd.s32 $0xFFFFFF9C  }
0xa3: {  	[tilespmem:s6], [sflag:$0x2] =	stream.indirect.gather [hbm4b:s1+s0], $0x80, s25, s0, $0xb8;
	[tilespmem:$0x1FF00] =	vst v63  }
0xa4: {  	_ =	swait.ge [sflag:s14], $0x3200  }
0xa5: {  	[sflag:s14] =	ssyncset.done $0x0  }
0xa6: {  	s25 =	sadd.s32 $0x1100, s24;
	[sflag:s14] =	ssyncadd.s32 $0xFFFFCE00  }
0xa7: {  	[spmem:s4] =	stream.indirect.scatter.add.f32 [tilespmem:s11], [sflag:$0x4], $0x1, s25, s0, $0xb8;
	[tilespmem:$0x1FF00] =	vst v63  }
0xa8: {  	_ = 	snop  }
0xa9: {  	[spmem:s3] =	stream.indirect.scatter.add.f32 [tilespmem:s9], [sflag:$0x5], $0x80, s25, s0, $0xb8;
	[tilespmem:$0x1FF00] =	vst v63  }
0xaa: {  	_ =	swait.ge [sflag:s30], $0x3200  }
.Ltmp0:
0xab: {  	[sflag:s30] =	ssyncset.done $0x0;
	(pc) =	sbr.rel @p0 .LBB2_2-.Ltmp0, $4  }
0xac: {  	[sflag:s30] =	ssyncadd.s32 $0xFFFFCE00  }
0xad: {  	_ =	swait.ge [sflag:s12], $0x64  }
0xae: {  	[sflag:s12] =	ssyncset.done $0x0  }
0xaf: {  	s24 =	sadd.s32 $0x280, s24;
	[sflag:s12] =	ssyncadd.s32 $0xFFFFFF9C  }
0xb0: {  	[tilespmem:s9], [sflag:$0x3] =	stream.indirect.gather [hbm4b:s1+s0], $0x80, s24, s0, $0xb8;
	[tilespmem:$0x1FF00] =	vst v63  }
0xb1: {  	_ =	swait.ge [sflag:s10], $0x3200  }
0xb2: {  	[sflag:s10] =	ssyncset.done $0x0  }
0xb3: {  	[sflag:s10] =	ssyncadd.s32 $0xFFFFCE00  }
0xb4: {  	[spmem:s4] =	stream.indirect.scatter.add.f32 [tilespmem:s11], [sflag:$0x4], $0x1, s15, s0, $0xb8;
	[tilespmem:$0x1FF00] =	vst v63  }
0xb5: {  	_ = 	snop  }
0xb6: {  	[spmem:s3] =	stream.indirect.scatter.add.f32 [tilespmem:s29], [sflag:$0x5], $0x80, s15, s0, $0xb8;
	[tilespmem:$0x1FF00] =	vst v63  }
0xb7: {  	_ =	swait.ge [sflag:s30], $0x3200  }
0xb8: {  	[sflag:s30] =	ssyncset.done $0x0  }
0xb9: {  	[sflag:s30] =	ssyncadd.s32 $0xFFFFCE00  }
0xba: {  	_ =	swait.ge [sflag:s12], $0x64  }
0xbb: {  	[sflag:s12] =	ssyncset.done $0x0  }
0xbc: {  	[sflag:s12] =	ssyncadd.s32 $0xFFFFFF9C  }
0xbd: {  	[tilespmem:s29], [sflag:$0x1] =	stream.indirect.gather [hbm4b:s1+s0], $0x80, s16, s0, $0xb8;
	[tilespmem:$0x1FF00] =	vst v63  }
0xbe: {  	_ =	swait.ge [sflag:s13], $0x3200  }
0xbf: {  	[sflag:s13] =	ssyncset.done $0x0  }
0xc0: {  	[sflag:s13] =	ssyncadd.s32 $0xFFFFCE00  }
0xc1: {  	[spmem:s4] =	stream.indirect.scatter.add.f32 [tilespmem:s11], [sflag:$0x4], $0x1, s17, s0, $0xb8;
	[tilespmem:$0x1FF00] =	vst v63  }
0xc2: {  	_ = 	snop  }
0xc3: {  	[spmem:s3] =	stream.indirect.scatter.add.f32 [tilespmem:s6], [sflag:$0x5], $0x80, s17, s0, $0xb8;
	[tilespmem:$0x1FF00] =	vst v63  }
0xc4: {  	_ =	swait.ge [sflag:s30], $0x3200  }
0xc5: {  	[sflag:s30] =	ssyncset.done $0x0  }
0xc6: {  	[sflag:s30] =	ssyncadd.s32 $0xFFFFCE00  }
0xc7: {  	_ =	swait.ge [sflag:s12], $0x64  }
0xc8: {  	[sflag:s12] =	ssyncset.done $0x0  }
0xc9: {  	[sflag:s12] =	ssyncadd.s32 $0xFFFFFF9C  }
0xca: {  	_ =	swait.ge [sflag:s14], $0x3200  }
0xcb: {  	[sflag:s14] =	ssyncset.done $0x0  }
0xcc: {  	[sflag:s14] =	ssyncadd.s32 $0xFFFFCE00  }
0xcd: {  	[spmem:s4] =	stream.indirect.scatter.add.f32 [tilespmem:s11], [sflag:$0x4], $0x1, s18, s0, $0xb8;
	[tilespmem:$0x1FF00] =	vst v63  }
0xce: {  	_ = 	snop  }
0xcf: {  	[spmem:s3] =	stream.indirect.scatter.add.f32 [tilespmem:s9], [sflag:$0x5], $0x80, s18, s0, $0xb8;
	[tilespmem:$0x1FF00] =	vst v63  }
0xd0: {  	_ =	swait.ge [sflag:s30], $0x3200  }
0xd1: {  	[sflag:s30] =	ssyncset.done $0x0  }
0xd2: {  	[sflag:s30] =	ssyncadd.s32 $0xFFFFCE00  }
0xd3: {  	_ =	swait.ge [sflag:s12], $0x64  }
0xd4: {  	[sflag:s12] =	ssyncset.done $0x0  }
0xd5: {  	[sflag:s12] =	ssyncadd.s32 $0xFFFFFF9C  }
0xd6: {  	_ =	swait.ge [sflag:s10], $0x3200  }
0xd7: {  	[sflag:s10] =	ssyncset.done $0x0  }
0xd8: {  	[sflag:s10] =	ssyncadd.s32 $0xFFFFCE00  }
0xd9: {  	[spmem:s4] =	stream.indirect.scatter.add.f32 [tilespmem:s11], [sflag:$0x4], $0x1, s19, s0, $0xb8;
	[tilespmem:$0x1FF00] =	vst v63  }
0xda: {  	_ = 	snop  }
0xdb: {  	[spmem:s3] =	stream.indirect.scatter.add.f32 [tilespmem:s29], [sflag:$0x5], $0x80, s19, s0, $0xb8;
	[tilespmem:$0x1FF00] =	vst v63  }
0xdc: {  	_ =	swait.ge [sflag:s30], $0x3200  }
0xdd: {  	[sflag:s30] =	ssyncset.done $0x0  }
0xde: {  	[sflag:s30] =	ssyncadd.s32 $0xFFFFCE00  }
0xdf: {  	_ =	swait.ge [sflag:s12], $0x64  }
0xe0: {  	[sflag:s12] =	ssyncset.done $0x0  }
0xe1: {  	s23 =	simm.s32 $0x0;
	s25 =	rddreg [dreg:$0xf];
	[sflag:s12] =	ssyncadd.s32 $0xFFFFFF9C  }
0xe2: {  	[tilespmem:s23], [sflag:$0x5] =	stream.linear.gather [hbm4b:s25+s23], $0xC80, $0x38;
	[tilespmem:$0x1FF00] =	vst v63  }
0xe3: {  	_ =	swait.ge [sflag:s30], $0xC80  }
0xe4: {  	[sflag:s30] =	ssyncset.done $0x0  }
0xe5: {  	s25 =	rddreg [dreg:$0x10];
	[sflag:s30] =	ssyncadd.s32 $0xFFFFF380  }
0xe6: {  	[tilespmem:s31], [sflag:$0x5] =	stream.linear.gather [hbm4b:s25+s23], $0xC80, $0x38;
	[tilespmem:$0x1FF00] =	vst v63  }
0xe7: {  	_ =	swait.ge [sflag:s30], $0xC80  }
0xe8: {  	[sflag:s30] =	ssyncset.done $0x0  }
0xe9: {  	[sflag:s30] =	ssyncadd.s32 $0xFFFFF380  }
0xea: {  	[tilespmem:s29], [sflag:$0x1] =	stream.indirect.gather [hbm4b:s1+s0], $0x80, s23, s0, $0xb8;
	[tilespmem:$0x1FF00] =	vst v63  }
0xeb: {  	_ = 	snop  }
0xec: {  	[tilespmem:s6], [sflag:$0x2] =	stream.indirect.gather [hbm4b:s1+s0], $0x80, s2, s0, $0xb8;
	[tilespmem:$0x1FF00] =	vst v63  }
0xed: {  	_ = 	snop  }
0xee: {  	[tilespmem:s9], [sflag:$0x3] =	stream.indirect.gather [hbm4b:s1+s0], $0x80, s8, s0, $0xb8;
	[tilespmem:$0x1FF00] =	vst v63  }
0xef: {  	_ =	swait.ge [sflag:s10], $0x3200  }
0xf0: {  	[sflag:s10] =	ssyncset.done $0x0  }
0xf1: {  	s25 =	simm.s32 $0x1000;
	[sflag:s10] =	ssyncadd.s32 $0xFFFFCE00  }
0xf2: {  	[spmem:s4] =	stream.indirect.scatter.add.f32 [tilespmem:s11], [sflag:$0x4], $0x1, s25, s0, $0xb8;
	[tilespmem:$0x1FF00] =	vst v63  }
0xf3: {  	_ = 	snop  }
0xf4: {  	[spmem:s3] =	stream.indirect.scatter.add.f32 [tilespmem:s29], [sflag:$0x5], $0x80, s25, s0, $0xb8;
	[tilespmem:$0x1FF00] =	vst v63  }
0xf5: {  	_ =	swait.ge [sflag:s30], $0x3200  }
0xf6: {  	[sflag:s30] =	ssyncset.done $0x0  }
0xf7: {  	[sflag:s30] =	ssyncadd.s32 $0xFFFFCE00  }
0xf8: {  	_ =	swait.ge [sflag:s12], $0x64  }
0xf9: {  	[sflag:s12] =	ssyncset.done $0x0  }
0xfa: {  	s24 =	simm.s32 $0x180;
	[sflag:s12] =	ssyncadd.s32 $0xFFFFFF9C  }
0xfb: {  	[tilespmem:s29], [sflag:$0x1] =	stream.indirect.gather [hbm4b:s1+s0], $0x80, s24, s0, $0xb8;
	[tilespmem:$0x1FF00] =	vst v63  }
0xfc: {  	_ =	swait.ge [sflag:s13], $0x3200  }
0xfd: {  	[sflag:s13] =	ssyncset.done $0x0  }
0xfe: {  	s25 =	simm.s32 $0x1080;
	[sflag:s13] =	ssyncadd.s32 $0xFFFFCE00  }
0xff: {  	[spmem:s4] =	stream.indirect.scatter.add.f32 [tilespmem:s11], [sflag:$0x4], $0x1, s25, s0, $0xb8;
	[tilespmem:$0x1FF00] =	vst v63  }
0x100: {  	_ = 	snop  }
0x101: {  	[spmem:s3] =	stream.indirect.scatter.add.f32 [tilespmem:s6], [sflag:$0x5], $0x80, s25, s0, $0xb8;
	[tilespmem:$0x1FF00] =	vst v63  }
0x102: {  	_ =	swait.ge [sflag:s30], $0x3200  }
0x103: {  	[sflag:s30] =	ssyncset.done $0x0  }
0x104: {  	[sflag:s30] =	ssyncadd.s32 $0xFFFFCE00  }
0x105: {  	_ =	swait.ge [sflag:s12], $0x64  }
0x106: {  	[sflag:s12] =	ssyncset.done $0x0  }
0x107: {  	s24 =	simm.s32 $0x200;
	[sflag:s12] =	ssyncadd.s32 $0xFFFFFF9C  }
0x108: {  	[tilespmem:s6], [sflag:$0x2] =	stream.indirect.gather [hbm4b:s1+s0], $0x80, s24, s0, $0xb8;
	[tilespmem:$0x1FF00] =	vst v63  }
0x109: {  	_ =	swait.ge [sflag:s14], $0x3200  }
0x10a: {  	[sflag:s14] =	ssyncset.done $0x0  }
0x10b: {  	s25 =	simm.s32 $0x1100;
	[sflag:s14] =	ssyncadd.s32 $0xFFFFCE00  }
0x10c: {  	[spmem:s4] =	stream.indirect.scatter.add.f32 [tilespmem:s11], [sflag:$0x4], $0x1, s25, s0, $0xb8;
	[tilespmem:$0x1FF00] =	vst v63  }
0x10d: {  	_ = 	snop  }
0x10e: {  	[spmem:s3] =	stream.indirect.scatter.add.f32 [tilespmem:s9], [sflag:$0x5], $0x80, s25, s0, $0xb8;
	[tilespmem:$0x1FF00] =	vst v63  }
0x10f: {  	_ =	swait.ge [sflag:s30], $0x3200  }
0x110: {  	[sflag:s30] =	ssyncset.done $0x0  }
0x111: {  	[sflag:s30] =	ssyncadd.s32 $0xFFFFCE00  }
0x112: {  	_ =	swait.ge [sflag:s12], $0x64  }
0x113: {  	[sflag:s12] =	ssyncset.done $0x0  }
0x114: {  	s23 =	simm.s32 $0x600;
	s24 =	simm.s32 $0x280;
	[sflag:s12] =	ssyncadd.s32 $0xFFFFFF9C  }
.LBB2_4:
0x115: {  	[tilespmem:s9], [sflag:$0x3] =	stream.indirect.gather [hbm4b:s1+s0], $0x80, s24, s0, $0xb8;
	[tilespmem:$0x1FF00] =	vst v63  }
0x116: {  	s24 =	smov.u32 s23  }
0x117: {  	p0 =	sne.s32 s23, $0x2400;
	s23 =	sadd.s32 $0x600, s23;
	_ =	swait.ge [sflag:s10], $0x3200  }
0x118: {  	s24 =	sshra.s32 s24, $0x2;
	[sflag:s10] =	ssyncset.done $0x0  }
0x119: {  	s25 =	sadd.s32 $0x1000, s24;
	[sflag:s10] =	ssyncadd.s32 $0xFFFFCE00  }
0x11a: {  	[spmem:s4] =	stream.indirect.scatter.add.f32 [tilespmem:s11], [sflag:$0x4], $0x1, s25, s0, $0xb8;
	[tilespmem:$0x1FF00] =	vst v63  }
0x11b: {  	_ = 	snop  }
0x11c: {  	[spmem:s3] =	stream.indirect.scatter.add.f32 [tilespmem:s29], [sflag:$0x5], $0x80, s25, s0, $0xb8;
	[tilespmem:$0x1FF00] =	vst v63  }
0x11d: {  	_ =	swait.ge [sflag:s30], $0x3200  }
0x11e: {  	[sflag:s30] =	ssyncset.done $0x0  }
0x11f: {  	[sflag:s30] =	ssyncadd.s32 $0xFFFFCE00  }
0x120: {  	_ =	swait.ge [sflag:s12], $0x64  }
0x121: {  	[sflag:s12] =	ssyncset.done $0x0  }
0x122: {  	s25 =	sadd.s32 $0x180, s24;
	[sflag:s12] =	ssyncadd.s32 $0xFFFFFF9C  }
0x123: {  	[tilespmem:s29], [sflag:$0x1] =	stream.indirect.gather [hbm4b:s1+s0], $0x80, s25, s0, $0xb8;
	[tilespmem:$0x1FF00] =	vst v63  }
0x124: {  	_ =	swait.ge [sflag:s13], $0x3200  }
0x125: {  	[sflag:s13] =	ssyncset.done $0x0  }
0x126: {  	s25 =	sadd.s32 $0x1080, s24;
	[sflag:s13] =	ssyncadd.s32 $0xFFFFCE00  }
0x127: {  	[spmem:s4] =	stream.indirect.scatter.add.f32 [tilespmem:s11], [sflag:$0x4], $0x1, s25, s0, $0xb8;
	[tilespmem:$0x1FF00] =	vst v63  }
0x128: {  	_ = 	snop  }
0x129: {  	[spmem:s3] =	stream.indirect.scatter.add.f32 [tilespmem:s6], [sflag:$0x5], $0x80, s25, s0, $0xb8;
	[tilespmem:$0x1FF00] =	vst v63  }
0x12a: {  	_ =	swait.ge [sflag:s30], $0x3200  }
0x12b: {  	[sflag:s30] =	ssyncset.done $0x0  }
0x12c: {  	[sflag:s30] =	ssyncadd.s32 $0xFFFFCE00  }
0x12d: {  	_ =	swait.ge [sflag:s12], $0x64  }
0x12e: {  	[sflag:s12] =	ssyncset.done $0x0  }
0x12f: {  	s25 =	sadd.s32 $0x200, s24;
	[sflag:s12] =	ssyncadd.s32 $0xFFFFFF9C  }
0x130: {  	[tilespmem:s6], [sflag:$0x2] =	stream.indirect.gather [hbm4b:s1+s0], $0x80, s25, s0, $0xb8;
	[tilespmem:$0x1FF00] =	vst v63  }
0x131: {  	_ =	swait.ge [sflag:s14], $0x3200  }
0x132: {  	[sflag:s14] =	ssyncset.done $0x0  }
0x133: {  	s25 =	sadd.s32 $0x1100, s24;
	[sflag:s14] =	ssyncadd.s32 $0xFFFFCE00  }
0x134: {  	[spmem:s4] =	stream.indirect.scatter.add.f32 [tilespmem:s11], [sflag:$0x4], $0x1, s25, s0, $0xb8;
	[tilespmem:$0x1FF00] =	vst v63  }
0x135: {  	_ = 	snop  }
0x136: {  	[spmem:s3] =	stream.indirect.scatter.add.f32 [tilespmem:s9], [sflag:$0x5], $0x80, s25, s0, $0xb8;
	[tilespmem:$0x1FF00] =	vst v63  }
0x137: {  	_ =	swait.ge [sflag:s30], $0x3200  }
.Ltmp1:
0x138: {  	[sflag:s30] =	ssyncset.done $0x0;
	(pc) =	sbr.rel @p0 .LBB2_4-.Ltmp1, $4  }
0x139: {  	[sflag:s30] =	ssyncadd.s32 $0xFFFFCE00  }
0x13a: {  	_ =	swait.ge [sflag:s12], $0x64  }
0x13b: {  	[sflag:s12] =	ssyncset.done $0x0  }
0x13c: {  	s24 =	sadd.s32 $0x280, s24;
	[sflag:s12] =	ssyncadd.s32 $0xFFFFFF9C  }
0x13d: {  	[tilespmem:s9], [sflag:$0x3] =	stream.indirect.gather [hbm4b:s1+s0], $0x80, s24, s0, $0xb8;
	[tilespmem:$0x1FF00] =	vst v63  }
0x13e: {  	_ =	swait.ge [sflag:s10], $0x3200  }
0x13f: {  	[sflag:s10] =	ssyncset.done $0x0  }
0x140: {  	[sflag:s10] =	ssyncadd.s32 $0xFFFFCE00  }
0x141: {  	[spmem:s4] =	stream.indirect.scatter.add.f32 [tilespmem:s11], [sflag:$0x4], $0x1, s15, s0, $0xb8;
	[tilespmem:$0x1FF00] =	vst v63  }
0x142: {  	_ = 	snop  }
0x143: {  	[spmem:s3] =	stream.indirect.scatter.add.f32 [tilespmem:s29], [sflag:$0x5], $0x80, s15, s0, $0xb8;
	[tilespmem:$0x1FF00] =	vst v63  }
0x144: {  	_ =	swait.ge [sflag:s30], $0x3200  }
0x145: {  	[sflag:s30] =	ssyncset.done $0x0  }
0x146: {  	[sflag:s30] =	ssyncadd.s32 $0xFFFFCE00  }
0x147: {  	_ =	swait.ge [sflag:s12], $0x64  }
0x148: {  	[sflag:s12] =	ssyncset.done $0x0  }
0x149: {  	[sflag:s12] =	ssyncadd.s32 $0xFFFFFF9C  }
0x14a: {  	[tilespmem:s29], [sflag:$0x1] =	stream.indirect.gather [hbm4b:s1+s0], $0x80, s16, s0, $0xb8;
	[tilespmem:$0x1FF00] =	vst v63  }
0x14b: {  	_ =	swait.ge [sflag:s13], $0x3200  }
0x14c: {  	[sflag:s13] =	ssyncset.done $0x0  }
0x14d: {  	[sflag:s13] =	ssyncadd.s32 $0xFFFFCE00  }
0x14e: {  	[spmem:s4] =	stream.indirect.scatter.add.f32 [tilespmem:s11], [sflag:$0x4], $0x1, s17, s0, $0xb8;
	[tilespmem:$0x1FF00] =	vst v63  }
0x14f: {  	_ = 	snop  }
0x150: {  	[spmem:s3] =	stream.indirect.scatter.add.f32 [tilespmem:s6], [sflag:$0x5], $0x80, s17, s0, $0xb8;
	[tilespmem:$0x1FF00] =	vst v63  }
0x151: {  	_ =	swait.ge [sflag:s30], $0x3200  }
0x152: {  	[sflag:s30] =	ssyncset.done $0x0  }
0x153: {  	[sflag:s30] =	ssyncadd.s32 $0xFFFFCE00  }
0x154: {  	_ =	swait.ge [sflag:s12], $0x64  }
0x155: {  	[sflag:s12] =	ssyncset.done $0x0  }
0x156: {  	[sflag:s12] =	ssyncadd.s32 $0xFFFFFF9C  }
0x157: {  	_ =	swait.ge [sflag:s14], $0x3200  }
0x158: {  	[sflag:s14] =	ssyncset.done $0x0  }
0x159: {  	[sflag:s14] =	ssyncadd.s32 $0xFFFFCE00  }
0x15a: {  	[spmem:s4] =	stream.indirect.scatter.add.f32 [tilespmem:s11], [sflag:$0x4], $0x1, s18, s0, $0xb8;
	[tilespmem:$0x1FF00] =	vst v63  }
0x15b: {  	_ = 	snop  }
0x15c: {  	[spmem:s3] =	stream.indirect.scatter.add.f32 [tilespmem:s9], [sflag:$0x5], $0x80, s18, s0, $0xb8;
	[tilespmem:$0x1FF00] =	vst v63  }
0x15d: {  	_ =	swait.ge [sflag:s30], $0x3200  }
0x15e: {  	[sflag:s30] =	ssyncset.done $0x0  }
0x15f: {  	[sflag:s30] =	ssyncadd.s32 $0xFFFFCE00  }
0x160: {  	_ =	swait.ge [sflag:s12], $0x64  }
0x161: {  	[sflag:s12] =	ssyncset.done $0x0  }
0x162: {  	[sflag:s12] =	ssyncadd.s32 $0xFFFFFF9C  }
0x163: {  	_ =	swait.ge [sflag:s10], $0x3200  }
0x164: {  	[sflag:s10] =	ssyncset.done $0x0  }
0x165: {  	[sflag:s10] =	ssyncadd.s32 $0xFFFFCE00  }
0x166: {  	[spmem:s4] =	stream.indirect.scatter.add.f32 [tilespmem:s11], [sflag:$0x4], $0x1, s19, s0, $0xb8;
	[tilespmem:$0x1FF00] =	vst v63  }
0x167: {  	_ = 	snop  }
0x168: {  	[spmem:s3] =	stream.indirect.scatter.add.f32 [tilespmem:s29], [sflag:$0x5], $0x80, s19, s0, $0xb8;
	[tilespmem:$0x1FF00] =	vst v63  }
0x169: {  	_ =	swait.ge [sflag:s30], $0x3200  }
0x16a: {  	[sflag:s30] =	ssyncset.done $0x0  }
0x16b: {  	[sflag:s30] =	ssyncadd.s32 $0xFFFFCE00  }
0x16c: {  	_ =	swait.ge [sflag:s12], $0x64  }
0x16d: {  	[sflag:s12] =	ssyncset.done $0x0  }
0x16e: {  	s23 =	simm.s32 $0x0;
	s25 =	rddreg [dreg:$0x11];
	[sflag:s12] =	ssyncadd.s32 $0xFFFFFF9C  }
0x16f: {  	[tilespmem:s23], [sflag:$0x5] =	stream.linear.gather [hbm4b:s25+s23], $0xC80, $0x38;
	[tilespmem:$0x1FF00] =	vst v63  }
0x170: {  	_ =	swait.ge [sflag:s30], $0xC80  }
0x171: {  	[sflag:s30] =	ssyncset.done $0x0  }
0x172: {  	s25 =	rddreg [dreg:$0x12];
	[sflag:s30] =	ssyncadd.s32 $0xFFFFF380  }
0x173: {  	[tilespmem:s31], [sflag:$0x5] =	stream.linear.gather [hbm4b:s25+s23], $0xC80, $0x38;
	[tilespmem:$0x1FF00] =	vst v63  }
0x174: {  	_ =	swait.ge [sflag:s30], $0xC80  }
0x175: {  	[sflag:s30] =	ssyncset.done $0x0  }
0x176: {  	[sflag:s30] =	ssyncadd.s32 $0xFFFFF380  }
0x177: {  	[tilespmem:s29], [sflag:$0x1] =	stream.indirect.gather [hbm4b:s1+s0], $0x80, s23, s0, $0xb8;
	[tilespmem:$0x1FF00] =	vst v63  }
0x178: {  	_ = 	snop  }
0x179: {  	[tilespmem:s6], [sflag:$0x2] =	stream.indirect.gather [hbm4b:s1+s0], $0x80, s2, s0, $0xb8;
	[tilespmem:$0x1FF00] =	vst v63  }
0x17a: {  	_ = 	snop  }
0x17b: {  	[tilespmem:s9], [sflag:$0x3] =	stream.indirect.gather [hbm4b:s1+s0], $0x80, s8, s0, $0xb8;
	[tilespmem:$0x1FF00] =	vst v63  }
0x17c: {  	_ =	swait.ge [sflag:s10], $0x3200  }
0x17d: {  	[sflag:s10] =	ssyncset.done $0x0  }
0x17e: {  	s25 =	simm.s32 $0x1000;
	[sflag:s10] =	ssyncadd.s32 $0xFFFFCE00  }
0x17f: {  	[spmem:s4] =	stream.indirect.scatter.add.f32 [tilespmem:s11], [sflag:$0x4], $0x1, s25, s0, $0xb8;
	[tilespmem:$0x1FF00] =	vst v63  }
0x180: {  	_ = 	snop  }
0x181: {  	[spmem:s3] =	stream.indirect.scatter.add.f32 [tilespmem:s29], [sflag:$0x5], $0x80, s25, s0, $0xb8;
	[tilespmem:$0x1FF00] =	vst v63  }
0x182: {  	_ =	swait.ge [sflag:s30], $0x3200  }
0x183: {  	[sflag:s30] =	ssyncset.done $0x0  }
0x184: {  	[sflag:s30] =	ssyncadd.s32 $0xFFFFCE00  }
0x185: {  	_ =	swait.ge [sflag:s12], $0x64  }
0x186: {  	[sflag:s12] =	ssyncset.done $0x0  }
0x187: {  	s24 =	simm.s32 $0x180;
	[sflag:s12] =	ssyncadd.s32 $0xFFFFFF9C  }
0x188: {  	[tilespmem:s29], [sflag:$0x1] =	stream.indirect.gather [hbm4b:s1+s0], $0x80, s24, s0, $0xb8;
	[tilespmem:$0x1FF00] =	vst v63  }
0x189: {  	_ =	swait.ge [sflag:s13], $0x3200  }
0x18a: {  	[sflag:s13] =	ssyncset.done $0x0  }
0x18b: {  	s25 =	simm.s32 $0x1080;
	[sflag:s13] =	ssyncadd.s32 $0xFFFFCE00  }
0x18c: {  	[spmem:s4] =	stream.indirect.scatter.add.f32 [tilespmem:s11], [sflag:$0x4], $0x1, s25, s0, $0xb8;
	[tilespmem:$0x1FF00] =	vst v63  }
0x18d: {  	_ = 	snop  }
0x18e: {  	[spmem:s3] =	stream.indirect.scatter.add.f32 [tilespmem:s6], [sflag:$0x5], $0x80, s25, s0, $0xb8;
	[tilespmem:$0x1FF00] =	vst v63  }
0x18f: {  	_ =	swait.ge [sflag:s30], $0x3200  }
0x190: {  	[sflag:s30] =	ssyncset.done $0x0  }
0x191: {  	[sflag:s30] =	ssyncadd.s32 $0xFFFFCE00  }
0x192: {  	_ =	swait.ge [sflag:s12], $0x64  }
0x193: {  	[sflag:s12] =	ssyncset.done $0x0  }
0x194: {  	s24 =	simm.s32 $0x200;
	[sflag:s12] =	ssyncadd.s32 $0xFFFFFF9C  }
0x195: {  	[tilespmem:s6], [sflag:$0x2] =	stream.indirect.gather [hbm4b:s1+s0], $0x80, s24, s0, $0xb8;
	[tilespmem:$0x1FF00] =	vst v63  }
0x196: {  	_ =	swait.ge [sflag:s14], $0x3200  }
0x197: {  	[sflag:s14] =	ssyncset.done $0x0  }
0x198: {  	s25 =	simm.s32 $0x1100;
	[sflag:s14] =	ssyncadd.s32 $0xFFFFCE00  }
0x199: {  	[spmem:s4] =	stream.indirect.scatter.add.f32 [tilespmem:s11], [sflag:$0x4], $0x1, s25, s0, $0xb8;
	[tilespmem:$0x1FF00] =	vst v63  }
0x19a: {  	_ = 	snop  }
0x19b: {  	[spmem:s3] =	stream.indirect.scatter.add.f32 [tilespmem:s9], [sflag:$0x5], $0x80, s25, s0, $0xb8;
	[tilespmem:$0x1FF00] =	vst v63  }
0x19c: {  	_ =	swait.ge [sflag:s30], $0x3200  }
0x19d: {  	[sflag:s30] =	ssyncset.done $0x0  }
0x19e: {  	[sflag:s30] =	ssyncadd.s32 $0xFFFFCE00  }
0x19f: {  	_ =	swait.ge [sflag:s12], $0x64  }
0x1a0: {  	[sflag:s12] =	ssyncset.done $0x0  }
0x1a1: {  	s23 =	simm.s32 $0x600;
	s24 =	simm.s32 $0x280;
	[sflag:s12] =	ssyncadd.s32 $0xFFFFFF9C  }
.LBB2_6:
0x1a2: {  	[tilespmem:s9], [sflag:$0x3] =	stream.indirect.gather [hbm4b:s1+s0], $0x80, s24, s0, $0xb8;
	[tilespmem:$0x1FF00] =	vst v63  }
0x1a3: {  	s24 =	smov.u32 s23  }
0x1a4: {  	p0 =	sne.s32 s23, $0x2400;
	s23 =	sadd.s32 $0x600, s23;
	_ =	swait.ge [sflag:s10], $0x3200  }
0x1a5: {  	s24 =	sshra.s32 s24, $0x2;
	[sflag:s10] =	ssyncset.done $0x0  }
0x1a6: {  	s25 =	sadd.s32 $0x1000, s24;
	[sflag:s10] =	ssyncadd.s32 $0xFFFFCE00  }
0x1a7: {  	[spmem:s4] =	stream.indirect.scatter.add.f32 [tilespmem:s11], [sflag:$0x4], $0x1, s25, s0, $0xb8;
	[tilespmem:$0x1FF00] =	vst v63  }
0x1a8: {  	_ = 	snop  }
0x1a9: {  	[spmem:s3] =	stream.indirect.scatter.add.f32 [tilespmem:s29], [sflag:$0x5], $0x80, s25, s0, $0xb8;
	[tilespmem:$0x1FF00] =	vst v63  }
0x1aa: {  	_ =	swait.ge [sflag:s30], $0x3200  }
0x1ab: {  	[sflag:s30] =	ssyncset.done $0x0  }
0x1ac: {  	[sflag:s30] =	ssyncadd.s32 $0xFFFFCE00  }
0x1ad: {  	_ =	swait.ge [sflag:s12], $0x64  }
0x1ae: {  	[sflag:s12] =	ssyncset.done $0x0  }
0x1af: {  	s25 =	sadd.s32 $0x180, s24;
	[sflag:s12] =	ssyncadd.s32 $0xFFFFFF9C  }
0x1b0: {  	[tilespmem:s29], [sflag:$0x1] =	stream.indirect.gather [hbm4b:s1+s0], $0x80, s25, s0, $0xb8;
	[tilespmem:$0x1FF00] =	vst v63  }
0x1b1: {  	_ =	swait.ge [sflag:s13], $0x3200  }
0x1b2: {  	[sflag:s13] =	ssyncset.done $0x0  }
0x1b3: {  	s25 =	sadd.s32 $0x1080, s24;
	[sflag:s13] =	ssyncadd.s32 $0xFFFFCE00  }
0x1b4: {  	[spmem:s4] =	stream.indirect.scatter.add.f32 [tilespmem:s11], [sflag:$0x4], $0x1, s25, s0, $0xb8;
	[tilespmem:$0x1FF00] =	vst v63  }
0x1b5: {  	_ = 	snop  }
0x1b6: {  	[spmem:s3] =	stream.indirect.scatter.add.f32 [tilespmem:s6], [sflag:$0x5], $0x80, s25, s0, $0xb8;
	[tilespmem:$0x1FF00] =	vst v63  }
0x1b7: {  	_ =	swait.ge [sflag:s30], $0x3200  }
0x1b8: {  	[sflag:s30] =	ssyncset.done $0x0  }
0x1b9: {  	[sflag:s30] =	ssyncadd.s32 $0xFFFFCE00  }
0x1ba: {  	_ =	swait.ge [sflag:s12], $0x64  }
0x1bb: {  	[sflag:s12] =	ssyncset.done $0x0  }
0x1bc: {  	s25 =	sadd.s32 $0x200, s24;
	[sflag:s12] =	ssyncadd.s32 $0xFFFFFF9C  }
0x1bd: {  	[tilespmem:s6], [sflag:$0x2] =	stream.indirect.gather [hbm4b:s1+s0], $0x80, s25, s0, $0xb8;
	[tilespmem:$0x1FF00] =	vst v63  }
0x1be: {  	_ =	swait.ge [sflag:s14], $0x3200  }
0x1bf: {  	[sflag:s14] =	ssyncset.done $0x0  }
0x1c0: {  	s25 =	sadd.s32 $0x1100, s24;
	[sflag:s14] =	ssyncadd.s32 $0xFFFFCE00  }
0x1c1: {  	[spmem:s4] =	stream.indirect.scatter.add.f32 [tilespmem:s11], [sflag:$0x4], $0x1, s25, s0, $0xb8;
	[tilespmem:$0x1FF00] =	vst v63  }
0x1c2: {  	_ = 	snop  }
0x1c3: {  	[spmem:s3] =	stream.indirect.scatter.add.f32 [tilespmem:s9], [sflag:$0x5], $0x80, s25, s0, $0xb8;
	[tilespmem:$0x1FF00] =	vst v63  }
0x1c4: {  	_ =	swait.ge [sflag:s30], $0x3200  }
.Ltmp2:
0x1c5: {  	[sflag:s30] =	ssyncset.done $0x0;
	(pc) =	sbr.rel @p0 .LBB2_6-.Ltmp2, $4  }
0x1c6: {  	[sflag:s30] =	ssyncadd.s32 $0xFFFFCE00  }
0x1c7: {  	_ =	swait.ge [sflag:s12], $0x64  }
0x1c8: {  	[sflag:s12] =	ssyncset.done $0x0  }
0x1c9: {  	s24 =	sadd.s32 $0x280, s24;
	[sflag:s12] =	ssyncadd.s32 $0xFFFFFF9C  }
0x1ca: {  	[tilespmem:s9], [sflag:$0x3] =	stream.indirect.gather [hbm4b:s1+s0], $0x80, s24, s0, $0xb8;
	[tilespmem:$0x1FF00] =	vst v63  }
0x1cb: {  	_ =	swait.ge [sflag:s10], $0x3200  }
0x1cc: {  	[sflag:s10] =	ssyncset.done $0x0  }
0x1cd: {  	[sflag:s10] =	ssyncadd.s32 $0xFFFFCE00  }
0x1ce: {  	[spmem:s4] =	stream.indirect.scatter.add.f32 [tilespmem:s11], [sflag:$0x4], $0x1, s15, s0, $0xb8;
	[tilespmem:$0x1FF00] =	vst v63  }
0x1cf: {  	_ = 	snop  }
0x1d0: {  	[spmem:s3] =	stream.indirect.scatter.add.f32 [tilespmem:s29], [sflag:$0x5], $0x80, s15, s0, $0xb8;
	[tilespmem:$0x1FF00] =	vst v63  }
0x1d1: {  	_ =	swait.ge [sflag:s30], $0x3200  }
0x1d2: {  	[sflag:s30] =	ssyncset.done $0x0  }
0x1d3: {  	[sflag:s30] =	ssyncadd.s32 $0xFFFFCE00  }
0x1d4: {  	_ =	swait.ge [sflag:s12], $0x64  }
0x1d5: {  	[sflag:s12] =	ssyncset.done $0x0  }
0x1d6: {  	[sflag:s12] =	ssyncadd.s32 $0xFFFFFF9C  }
0x1d7: {  	[tilespmem:s29], [sflag:$0x1] =	stream.indirect.gather [hbm4b:s1+s0], $0x80, s16, s0, $0xb8;
	[tilespmem:$0x1FF00] =	vst v63  }
0x1d8: {  	_ =	swait.ge [sflag:s13], $0x3200  }
0x1d9: {  	[sflag:s13] =	ssyncset.done $0x0  }
0x1da: {  	[sflag:s13] =	ssyncadd.s32 $0xFFFFCE00  }
0x1db: {  	[spmem:s4] =	stream.indirect.scatter.add.f32 [tilespmem:s11], [sflag:$0x4], $0x1, s17, s0, $0xb8;
	[tilespmem:$0x1FF00] =	vst v63  }
0x1dc: {  	_ = 	snop  }
0x1dd: {  	[spmem:s3] =	stream.indirect.scatter.add.f32 [tilespmem:s6], [sflag:$0x5], $0x80, s17, s0, $0xb8;
	[tilespmem:$0x1FF00] =	vst v63  }
0x1de: {  	_ =	swait.ge [sflag:s30], $0x3200  }
0x1df: {  	[sflag:s30] =	ssyncset.done $0x0  }
0x1e0: {  	[sflag:s30] =	ssyncadd.s32 $0xFFFFCE00  }
0x1e1: {  	_ =	swait.ge [sflag:s12], $0x64  }
0x1e2: {  	[sflag:s12] =	ssyncset.done $0x0  }
0x1e3: {  	[sflag:s12] =	ssyncadd.s32 $0xFFFFFF9C  }
0x1e4: {  	_ =	swait.ge [sflag:s14], $0x3200  }
0x1e5: {  	[sflag:s14] =	ssyncset.done $0x0  }
0x1e6: {  	[sflag:s14] =	ssyncadd.s32 $0xFFFFCE00  }
0x1e7: {  	[spmem:s4] =	stream.indirect.scatter.add.f32 [tilespmem:s11], [sflag:$0x4], $0x1, s18, s0, $0xb8;
	[tilespmem:$0x1FF00] =	vst v63  }
0x1e8: {  	_ = 	snop  }
0x1e9: {  	[spmem:s3] =	stream.indirect.scatter.add.f32 [tilespmem:s9], [sflag:$0x5], $0x80, s18, s0, $0xb8;
	[tilespmem:$0x1FF00] =	vst v63  }
0x1ea: {  	_ =	swait.ge [sflag:s30], $0x3200  }
0x1eb: {  	[sflag:s30] =	ssyncset.done $0x0  }
0x1ec: {  	[sflag:s30] =	ssyncadd.s32 $0xFFFFCE00  }
0x1ed: {  	_ =	swait.ge [sflag:s12], $0x64  }
0x1ee: {  	[sflag:s12] =	ssyncset.done $0x0  }
0x1ef: {  	[sflag:s12] =	ssyncadd.s32 $0xFFFFFF9C  }
0x1f0: {  	_ =	swait.ge [sflag:s10], $0x3200  }
0x1f1: {  	[sflag:s10] =	ssyncset.done $0x0  }
0x1f2: {  	[sflag:s10] =	ssyncadd.s32 $0xFFFFCE00  }
0x1f3: {  	[spmem:s4] =	stream.indirect.scatter.add.f32 [tilespmem:s11], [sflag:$0x4], $0x1, s19, s0, $0xb8;
	[tilespmem:$0x1FF00] =	vst v63  }
0x1f4: {  	_ = 	snop  }
0x1f5: {  	[spmem:s3] =	stream.indirect.scatter.add.f32 [tilespmem:s29], [sflag:$0x5], $0x80, s19, s0, $0xb8;
	[tilespmem:$0x1FF00] =	vst v63  }
0x1f6: {  	_ =	swait.ge [sflag:s30], $0x3200  }
0x1f7: {  	[sflag:s30] =	ssyncset.done $0x0  }
0x1f8: {  	[sflag:s30] =	ssyncadd.s32 $0xFFFFCE00  }
0x1f9: {  	_ =	swait.ge [sflag:s12], $0x64  }
0x1fa: {  	[sflag:s12] =	ssyncset.done $0x0  }
0x1fb: {  	s23 =	simm.s32 $0x0;
	s25 =	rddreg [dreg:$0x13];
	[sflag:s12] =	ssyncadd.s32 $0xFFFFFF9C  }
0x1fc: {  	[tilespmem:s23], [sflag:$0x5] =	stream.linear.gather [hbm4b:s25+s23], $0xC80, $0x38;
	[tilespmem:$0x1FF00] =	vst v63  }
0x1fd: {  	_ =	swait.ge [sflag:s30], $0xC80  }
0x1fe: {  	[sflag:s30] =	ssyncset.done $0x0  }
0x1ff: {  	s25 =	rddreg [dreg:$0x14];
	[sflag:s30] =	ssyncadd.s32 $0xFFFFF380  }
0x200: {  	[tilespmem:s31], [sflag:$0x5] =	stream.linear.gather [hbm4b:s25+s23], $0xC80, $0x38;
	[tilespmem:$0x1FF00] =	vst v63  }
0x201: {  	_ =	swait.ge [sflag:s30], $0xC80  }
0x202: {  	[sflag:s30] =	ssyncset.done $0x0  }
0x203: {  	[sflag:s30] =	ssyncadd.s32 $0xFFFFF380  }
0x204: {  	[tilespmem:s29], [sflag:$0x1] =	stream.indirect.gather [hbm4b:s1+s0], $0x80, s23, s0, $0xb8;
	[tilespmem:$0x1FF00] =	vst v63  }
0x205: {  	_ = 	snop  }
0x206: {  	[tilespmem:s6], [sflag:$0x2] =	stream.indirect.gather [hbm4b:s1+s0], $0x80, s2, s0, $0xb8;
	[tilespmem:$0x1FF00] =	vst v63  }
0x207: {  	_ = 	snop  }
0x208: {  	[tilespmem:s9], [sflag:$0x3] =	stream.indirect.gather [hbm4b:s1+s0], $0x80, s8, s0, $0xb8;
	[tilespmem:$0x1FF00] =	vst v63  }
0x209: {  	_ =	swait.ge [sflag:s10], $0x3200  }
0x20a: {  	[sflag:s10] =	ssyncset.done $0x0  }
0x20b: {  	s25 =	simm.s32 $0x1000;
	[sflag:s10] =	ssyncadd.s32 $0xFFFFCE00  }
0x20c: {  	[spmem:s4] =	stream.indirect.scatter.add.f32 [tilespmem:s11], [sflag:$0x4], $0x1, s25, s0, $0xb8;
	[tilespmem:$0x1FF00] =	vst v63  }
0x20d: {  	_ = 	snop  }
0x20e: {  	[spmem:s3] =	stream.indirect.scatter.add.f32 [tilespmem:s29], [sflag:$0x5], $0x80, s25, s0, $0xb8;
	[tilespmem:$0x1FF00] =	vst v63  }
0x20f: {  	_ =	swait.ge [sflag:s30], $0x3200  }
0x210: {  	[sflag:s30] =	ssyncset.done $0x0  }
0x211: {  	[sflag:s30] =	ssyncadd.s32 $0xFFFFCE00  }
0x212: {  	_ =	swait.ge [sflag:s12], $0x64  }
0x213: {  	[sflag:s12] =	ssyncset.done $0x0  }
0x214: {  	s24 =	simm.s32 $0x180;
	[sflag:s12] =	ssyncadd.s32 $0xFFFFFF9C  }
0x215: {  	[tilespmem:s29], [sflag:$0x1] =	stream.indirect.gather [hbm4b:s1+s0], $0x80, s24, s0, $0xb8;
	[tilespmem:$0x1FF00] =	vst v63  }
0x216: {  	_ =	swait.ge [sflag:s13], $0x3200  }
0x217: {  	[sflag:s13] =	ssyncset.done $0x0  }
0x218: {  	s25 =	simm.s32 $0x1080;
	[sflag:s13] =	ssyncadd.s32 $0xFFFFCE00  }
0x219: {  	[spmem:s4] =	stream.indirect.scatter.add.f32 [tilespmem:s11], [sflag:$0x4], $0x1, s25, s0, $0xb8;
	[tilespmem:$0x1FF00] =	vst v63  }
0x21a: {  	_ = 	snop  }
0x21b: {  	[spmem:s3] =	stream.indirect.scatter.add.f32 [tilespmem:s6], [sflag:$0x5], $0x80, s25, s0, $0xb8;
	[tilespmem:$0x1FF00] =	vst v63  }
0x21c: {  	_ =	swait.ge [sflag:s30], $0x3200  }
0x21d: {  	[sflag:s30] =	ssyncset.done $0x0  }
0x21e: {  	[sflag:s30] =	ssyncadd.s32 $0xFFFFCE00  }
0x21f: {  	_ =	swait.ge [sflag:s12], $0x64  }
0x220: {  	[sflag:s12] =	ssyncset.done $0x0  }
0x221: {  	s24 =	simm.s32 $0x200;
	[sflag:s12] =	ssyncadd.s32 $0xFFFFFF9C  }
0x222: {  	[tilespmem:s6], [sflag:$0x2] =	stream.indirect.gather [hbm4b:s1+s0], $0x80, s24, s0, $0xb8;
	[tilespmem:$0x1FF00] =	vst v63  }
0x223: {  	_ =	swait.ge [sflag:s14], $0x3200  }
0x224: {  	[sflag:s14] =	ssyncset.done $0x0  }
0x225: {  	s25 =	simm.s32 $0x1100;
	[sflag:s14] =	ssyncadd.s32 $0xFFFFCE00  }
0x226: {  	[spmem:s4] =	stream.indirect.scatter.add.f32 [tilespmem:s11], [sflag:$0x4], $0x1, s25, s0, $0xb8;
	[tilespmem:$0x1FF00] =	vst v63  }
0x227: {  	_ = 	snop  }
0x228: {  	[spmem:s3] =	stream.indirect.scatter.add.f32 [tilespmem:s9], [sflag:$0x5], $0x80, s25, s0, $0xb8;
	[tilespmem:$0x1FF00] =	vst v63  }
0x229: {  	_ =	swait.ge [sflag:s30], $0x3200  }
0x22a: {  	[sflag:s30] =	ssyncset.done $0x0  }
0x22b: {  	[sflag:s30] =	ssyncadd.s32 $0xFFFFCE00  }
0x22c: {  	_ =	swait.ge [sflag:s12], $0x64  }
0x22d: {  	[sflag:s12] =	ssyncset.done $0x0  }
0x22e: {  	s23 =	simm.s32 $0x600;
	s24 =	simm.s32 $0x280;
	[sflag:s12] =	ssyncadd.s32 $0xFFFFFF9C  }
.LBB2_8:
0x22f: {  	[tilespmem:s9], [sflag:$0x3] =	stream.indirect.gather [hbm4b:s1+s0], $0x80, s24, s0, $0xb8;
	[tilespmem:$0x1FF00] =	vst v63  }
0x230: {  	s24 =	smov.u32 s23  }
0x231: {  	p0 =	sne.s32 s23, $0x2400;
	s23 =	sadd.s32 $0x600, s23;
	_ =	swait.ge [sflag:s10], $0x3200  }
0x232: {  	s24 =	sshra.s32 s24, $0x2;
	[sflag:s10] =	ssyncset.done $0x0  }
0x233: {  	s25 =	sadd.s32 $0x1000, s24;
	[sflag:s10] =	ssyncadd.s32 $0xFFFFCE00  }
0x234: {  	[spmem:s4] =	stream.indirect.scatter.add.f32 [tilespmem:s11], [sflag:$0x4], $0x1, s25, s0, $0xb8;
	[tilespmem:$0x1FF00] =	vst v63  }
0x235: {  	_ = 	snop  }
0x236: {  	[spmem:s3] =	stream.indirect.scatter.add.f32 [tilespmem:s29], [sflag:$0x5], $0x80, s25, s0, $0xb8;
	[tilespmem:$0x1FF00] =	vst v63  }
0x237: {  	_ =	swait.ge [sflag:s30], $0x3200  }
0x238: {  	[sflag:s30] =	ssyncset.done $0x0  }
0x239: {  	[sflag:s30] =	ssyncadd.s32 $0xFFFFCE00  }
0x23a: {  	_ =	swait.ge [sflag:s12], $0x64  }
0x23b: {  	[sflag:s12] =	ssyncset.done $0x0  }
0x23c: {  	s25 =	sadd.s32 $0x180, s24;
	[sflag:s12] =	ssyncadd.s32 $0xFFFFFF9C  }
0x23d: {  	[tilespmem:s29], [sflag:$0x1] =	stream.indirect.gather [hbm4b:s1+s0], $0x80, s25, s0, $0xb8;
	[tilespmem:$0x1FF00] =	vst v63  }
0x23e: {  	_ =	swait.ge [sflag:s13], $0x3200  }
0x23f: {  	[sflag:s13] =	ssyncset.done $0x0  }
0x240: {  	s25 =	sadd.s32 $0x1080, s24;
	[sflag:s13] =	ssyncadd.s32 $0xFFFFCE00  }
0x241: {  	[spmem:s4] =	stream.indirect.scatter.add.f32 [tilespmem:s11], [sflag:$0x4], $0x1, s25, s0, $0xb8;
	[tilespmem:$0x1FF00] =	vst v63  }
0x242: {  	_ = 	snop  }
0x243: {  	[spmem:s3] =	stream.indirect.scatter.add.f32 [tilespmem:s6], [sflag:$0x5], $0x80, s25, s0, $0xb8;
	[tilespmem:$0x1FF00] =	vst v63  }
0x244: {  	_ =	swait.ge [sflag:s30], $0x3200  }
0x245: {  	[sflag:s30] =	ssyncset.done $0x0  }
0x246: {  	[sflag:s30] =	ssyncadd.s32 $0xFFFFCE00  }
0x247: {  	_ =	swait.ge [sflag:s12], $0x64  }
0x248: {  	[sflag:s12] =	ssyncset.done $0x0  }
0x249: {  	s25 =	sadd.s32 $0x200, s24;
	[sflag:s12] =	ssyncadd.s32 $0xFFFFFF9C  }
0x24a: {  	[tilespmem:s6], [sflag:$0x2] =	stream.indirect.gather [hbm4b:s1+s0], $0x80, s25, s0, $0xb8;
	[tilespmem:$0x1FF00] =	vst v63  }
0x24b: {  	_ =	swait.ge [sflag:s14], $0x3200  }
0x24c: {  	[sflag:s14] =	ssyncset.done $0x0  }
0x24d: {  	s25 =	sadd.s32 $0x1100, s24;
	[sflag:s14] =	ssyncadd.s32 $0xFFFFCE00  }
0x24e: {  	[spmem:s4] =	stream.indirect.scatter.add.f32 [tilespmem:s11], [sflag:$0x4], $0x1, s25, s0, $0xb8;
	[tilespmem:$0x1FF00] =	vst v63  }
0x24f: {  	_ = 	snop  }
0x250: {  	[spmem:s3] =	stream.indirect.scatter.add.f32 [tilespmem:s9], [sflag:$0x5], $0x80, s25, s0, $0xb8;
	[tilespmem:$0x1FF00] =	vst v63  }
0x251: {  	_ =	swait.ge [sflag:s30], $0x3200  }
.Ltmp3:
0x252: {  	[sflag:s30] =	ssyncset.done $0x0;
	(pc) =	sbr.rel @p0 .LBB2_8-.Ltmp3, $4  }
0x253: {  	[sflag:s30] =	ssyncadd.s32 $0xFFFFCE00  }
0x254: {  	_ =	swait.ge [sflag:s12], $0x64  }
0x255: {  	[sflag:s12] =	ssyncset.done $0x0  }
0x256: {  	s24 =	sadd.s32 $0x280, s24;
	[sflag:s12] =	ssyncadd.s32 $0xFFFFFF9C  }
0x257: {  	[tilespmem:s9], [sflag:$0x3] =	stream.indirect.gather [hbm4b:s1+s0], $0x80, s24, s0, $0xb8;
	[tilespmem:$0x1FF00] =	vst v63  }
0x258: {  	_ =	swait.ge [sflag:s10], $0x3200  }
0x259: {  	[sflag:s10] =	ssyncset.done $0x0  }
0x25a: {  	[sflag:s10] =	ssyncadd.s32 $0xFFFFCE00  }
0x25b: {  	[spmem:s4] =	stream.indirect.scatter.add.f32 [tilespmem:s11], [sflag:$0x4], $0x1, s15, s0, $0xb8;
	[tilespmem:$0x1FF00] =	vst v63  }
0x25c: {  	_ = 	snop  }
0x25d: {  	[spmem:s3] =	stream.indirect.scatter.add.f32 [tilespmem:s29], [sflag:$0x5], $0x80, s15, s0, $0xb8;
	[tilespmem:$0x1FF00] =	vst v63  }
0x25e: {  	_ =	swait.ge [sflag:s30], $0x3200  }
0x25f: {  	[sflag:s30] =	ssyncset.done $0x0  }
0x260: {  	[sflag:s30] =	ssyncadd.s32 $0xFFFFCE00  }
0x261: {  	_ =	swait.ge [sflag:s12], $0x64  }
0x262: {  	[sflag:s12] =	ssyncset.done $0x0  }
0x263: {  	[sflag:s12] =	ssyncadd.s32 $0xFFFFFF9C  }
0x264: {  	[tilespmem:s29], [sflag:$0x1] =	stream.indirect.gather [hbm4b:s1+s0], $0x80, s16, s0, $0xb8;
	[tilespmem:$0x1FF00] =	vst v63  }
0x265: {  	_ =	swait.ge [sflag:s13], $0x3200  }
0x266: {  	[sflag:s13] =	ssyncset.done $0x0  }
0x267: {  	[sflag:s13] =	ssyncadd.s32 $0xFFFFCE00  }
0x268: {  	[spmem:s4] =	stream.indirect.scatter.add.f32 [tilespmem:s11], [sflag:$0x4], $0x1, s17, s0, $0xb8;
	[tilespmem:$0x1FF00] =	vst v63  }
0x269: {  	_ = 	snop  }
0x26a: {  	[spmem:s3] =	stream.indirect.scatter.add.f32 [tilespmem:s6], [sflag:$0x5], $0x80, s17, s0, $0xb8;
	[tilespmem:$0x1FF00] =	vst v63  }
0x26b: {  	_ =	swait.ge [sflag:s30], $0x3200  }
0x26c: {  	[sflag:s30] =	ssyncset.done $0x0  }
0x26d: {  	[sflag:s30] =	ssyncadd.s32 $0xFFFFCE00  }
0x26e: {  	_ =	swait.ge [sflag:s12], $0x64  }
0x26f: {  	[sflag:s12] =	ssyncset.done $0x0  }
0x270: {  	[sflag:s12] =	ssyncadd.s32 $0xFFFFFF9C  }
0x271: {  	_ =	swait.ge [sflag:s14], $0x3200  }
0x272: {  	[sflag:s14] =	ssyncset.done $0x0  }
0x273: {  	[sflag:s14] =	ssyncadd.s32 $0xFFFFCE00  }
0x274: {  	[spmem:s4] =	stream.indirect.scatter.add.f32 [tilespmem:s11], [sflag:$0x4], $0x1, s18, s0, $0xb8;
	[tilespmem:$0x1FF00] =	vst v63  }
0x275: {  	_ = 	snop  }
0x276: {  	[spmem:s3] =	stream.indirect.scatter.add.f32 [tilespmem:s9], [sflag:$0x5], $0x80, s18, s0, $0xb8;
	[tilespmem:$0x1FF00] =	vst v63  }
0x277: {  	_ =	swait.ge [sflag:s30], $0x3200  }
0x278: {  	[sflag:s30] =	ssyncset.done $0x0  }
0x279: {  	[sflag:s30] =	ssyncadd.s32 $0xFFFFCE00  }
0x27a: {  	_ =	swait.ge [sflag:s12], $0x64  }
0x27b: {  	[sflag:s12] =	ssyncset.done $0x0  }
0x27c: {  	[sflag:s12] =	ssyncadd.s32 $0xFFFFFF9C  }
0x27d: {  	_ =	swait.ge [sflag:s10], $0x3200  }
0x27e: {  	[sflag:s10] =	ssyncset.done $0x0  }
0x27f: {  	[sflag:s10] =	ssyncadd.s32 $0xFFFFCE00  }
0x280: {  	[spmem:s4] =	stream.indirect.scatter.add.f32 [tilespmem:s11], [sflag:$0x4], $0x1, s19, s0, $0xb8;
	[tilespmem:$0x1FF00] =	vst v63  }
0x281: {  	_ = 	snop  }
0x282: {  	[spmem:s3] =	stream.indirect.scatter.add.f32 [tilespmem:s29], [sflag:$0x5], $0x80, s19, s0, $0xb8;
	[tilespmem:$0x1FF00] =	vst v63  }
0x283: {  	_ =	swait.ge [sflag:s30], $0x3200  }
0x284: {  	[sflag:s30] =	ssyncset.done $0x0  }
0x285: {  	[sflag:s30] =	ssyncadd.s32 $0xFFFFCE00  }
0x286: {  	_ =	swait.ge [sflag:s12], $0x64  }
0x287: {  	[sflag:s12] =	ssyncset.done $0x0  }
0x288: {  	[sflag:s12] =	ssyncadd.s32 $0xFFFFFF9C  }
0x289: {  	[bflag:$0x0] =	sbarrier.arrive $0xFFFF  }
0x28a: {  	s23 =	sshrl.u32 s7, $0x3;
	s25 =	rddreg [dreg:$0x15]  }
0x28b: {  	[hbm:s25], [sflag:s21] =	dma.local [spmem:s23], $0x2800  }
0x28c: {  	_ =	swait.ge [sflag:s30], $0x2800  }
0x28d: {  	s24 =	simm.s32 $0x20;
	[sflag:s30] =	ssyncset.done $0x0  }
0x28e: {  	s25 =	simm.s32 $0x10;
	s23 =	rddreg [dreg:$0x16];
	[sflag:s30] =	ssyncadd.s32 $0xFFFFD800  }
0x28f: {  	[hbm:s23@s24], [sflag:s21] =	dma.strided [spmem:s22@s25], $0x50, s10, $0x10   }
0x290: {  	_ =	swait.ge [sflag:s30], $0x50  }
0x291: {  	s20 =	sadd.s32 $0x1, s20;
	s25 =	rddreg [dreg:$0x17]  }
0x292: {  	p0 =	sne.s32 s20, s25  }
.Ltmp4:
0x293: {  	_ = 	snop;
	(pc) =	sbr.rel @p0 .LBB2_1-.Ltmp4, $3  }
0x294: {  	_ =	sdelay $0x1  }
0x295: {  	[sflag:s30] =	ssyncset.done $0x0  }
0x296: {  	[sflag:s30] =	ssyncadd.s32 $0xFFFFFFB0  }
0x297: {  	_ =	sfence.sel $0x180000  }
0x298: {  	[bflag:$0x0] =	sbarrier.arrive $0xFFFF  }
0x299: {  	_ =	strace $0x90000047  }
0x29a: {  	s0 =	stileid.u32;
	[bflag:$0x2] =	sbarrier.arrive $0xFFFF  }
0x29b: {  	p0 =	sne.s32 s0, $0x0;
	s0 =	rddreg [dreg:$0x4]  }
0x29c: {  	s0 =	sadd.s32 @!p0 $0x100000, s0  }
0x29d: {  	[sflag:s0] =	ssyncadd.tile.s32 @!p0 $0x1;
	_ =	shalt  }
.Lfunc_end2:
_tile_overlayer_lowered:
.L_overlay_start_2:
0x29e: {  	(tag) =	ssettag $0x2  }
0x29f: {  	s0 =	rddreg [dreg:$0x0];
	s2 =	stileid.u32  }
0x2a0: {  	s1 =	rddreg [dreg:$0x1];
	p0 =	sne.s32 s2, $0x0  }
0x2a1: {  	s3 =	rddreg [dreg:$0x2];
	[bflag:$0x3] =	sbarrier.arrive $0xFFFF;
	s2 =	simm.s32 @!p0 $0x1C05  }
0x2a2: {  	[timem:s3], [sflag:s2] =	dma.local @!p0 [hbm:s0], s1  }
0x2a3: {  	s0 =	simm.s32 @!p0 $0x5  }
0x2a4: {  	_ =	swait.ge @!p0 [sflag:s0], s1  }
0x2a5: {  	s1 =	ssub.s32 @!p0 $0x0, s1;
	[sflag:s0] =	ssyncset.done @!p0 $0x0  }
0x2a6: {  	[sflag:s0] =	ssyncadd.s32 @!p0 s1  }
0x2a7: {  	[bflag:$0x3] =	sbarrier.arrive $0xFFFF  }
0x2a8: {  	_ =	shalt  }

</sc_bundles>
